<compile_context>
chip_gen: v7x
topology: tpu7x:2x2x1
jax: 0.10.2.dev20260603
libtpu: 0.0.44.dev20260713+nightly
codegen_flags: <defaults>
</compile_context>

<pallas_src>
import functools

import jax
import jax.numpy as jnp
from jax import lax
from jax.experimental import pallas as pl
from jax.experimental.pallas import tpu as pltpu
from jax.experimental.pallas import tpu_sc as plsc

N = 10000
E = 160000
D_IN = 128
D_H = 32
EC = 16000
KBLK = 16000
EPT = E // 32

_SHIFT = 14
_NCH = E // EC
_U = 8
assert E % EC == 0 and EC % (16 * _U) == 0 and N % 16 == 0
assert E % 32 == 0 and EPT % 8 == 0

_MESH = plsc.VectorSubcoreMesh(core_axis_name="c", subcore_axis_name="s")
_SC_PARAMS = pltpu.CompilerParams(needs_layout_passes=False)



def _k1_body(x_ref, wg_ref, e_ref, o_ref, p_ref):
    o_ref[...] = lax.dot_general(
        wg_ref[...], x_ref[...],
        dimension_numbers=(((0,), (1,)), ((), ())),
        preferred_element_type=jnp.float32)
    p_ref[...] = (e_ref[0:1, :] << _SHIFT) | e_ref[1:2, :]


def _k1(x, Wg, edge_index):
    return pl.pallas_call(
        _k1_body,
        out_shape=(
            jax.ShapeDtypeStruct((D_H, N), jnp.float32),
            jax.ShapeDtypeStruct((1, E), jnp.int32),
        ),
    )(x, Wg, edge_index)



@functools.partial(
    pl.kernel,
    mesh=_MESH,
    compiler_params=_SC_PARAMS,
    out_type=jax.ShapeDtypeStruct((32, N), jnp.float32),
    scratch_types=[
        pltpu.VMEM((EPT,), jnp.int32),
        pltpu.VMEM((N,), jnp.float32),
        pltpu.SemaphoreType.DMA,
    ],
)
def _sc_deg(ep_hbm, out_hbm, ep_v, deg_v, sem_e):
    wid = lax.axis_index("s") * 2 + lax.axis_index("c")

    h = pltpu.async_copy(ep_hbm.at[pl.ds(wid * EPT, EPT)], ep_v, sem_e)

    zero16 = jnp.zeros((16,), jnp.float32)

    def _init(i, c):
        deg_v[pl.ds(i * 16, 16)] = zero16
        return c
    lax.fori_loop(0, N // 16, _init, 0)
    h.wait()

    one16 = jnp.full((16,), 1.0, jnp.float32)
    dmask = jnp.full((16,), (1 << _SHIFT) - 1, jnp.int32)
    nfull = EPT // 16
    rem = EPT - nfull * 16

    def _body(i, c):
        e16 = ep_v[pl.ds(i * 16, 16)]
        plsc.addupdate_scatter(deg_v, [e16 & dmask], one16)
        return c
    lax.fori_loop(0, nfull, _body, 0)

    if rem:
        e16 = ep_v[pl.ds(EPT - 16, 16)]
        mask = lax.iota(jnp.int32, 16) >= (16 - rem)
        plsc.addupdate_scatter(deg_v, [e16 & dmask], one16, mask=mask)

    pltpu.sync_copy(deg_v, out_hbm.at[wid])



def _kd_body(degp_ref, xwt_ref, dinv_ref, gall_ref):
    deg = 1.0 + jnp.sum(degp_ref[...], axis=0, keepdims=True)
    dinv = lax.rsqrt(deg)
    dinv_ref[...] = dinv
    gall_ref[...] = dinv * xwt_ref[...]


def _kd(degP, xwT):
    return pl.pallas_call(
        _kd_body,
        out_shape=(
            jax.ShapeDtypeStruct((1, N), jnp.float32),
            jax.ShapeDtypeStruct((D_H, N), jnp.float32),
        ),
    )(degP, xwT)



@functools.partial(
    pl.kernel,
    mesh=_MESH,
    compiler_params=_SC_PARAMS,
    out_type=jax.ShapeDtypeStruct((D_H, N), jnp.float32),
    scratch_types=[
        pltpu.VMEM((EC,), jnp.int32),
        pltpu.VMEM((EC,), jnp.int32),
        pltpu.VMEM((N,), jnp.float32),
        pltpu.VMEM((N,), jnp.float32),
        pltpu.SemaphoreType.DMA,
        pltpu.SemaphoreType.DMA,
        pltpu.SemaphoreType.DMA,
    ],
)
def _sc_msg(ep_hbm, gall_hbm, out_hbm, ep_v0, ep_v1, g_v, acc_v,
            sem_0, sem_1, sem_g):
    wid = lax.axis_index("s") * 2 + lax.axis_index("c")
    ep_b = (ep_v0, ep_v1)
    sem = (sem_0, sem_1)
    dmask = jnp.full((16,), (1 << _SHIFT) - 1, jnp.int32)

    hg = pltpu.async_copy(gall_hbm.at[wid], g_v, sem_g)
    h = pltpu.async_copy(ep_hbm.at[pl.ds(0, EC)], ep_b[0], sem[0])

    zero16 = jnp.zeros((16,), jnp.float32)

    def _init(i, c):
        acc_v[pl.ds(i * 16, 16)] = zero16
        return c
    lax.fori_loop(0, N // 16, _init, 0)
    hg.wait()

    for ci in range(_NCH):
        buf = ep_b[ci % 2]
        hn = None
        if ci + 1 < _NCH:
            nb = (ci + 1) % 2
            hn = pltpu.async_copy(ep_hbm.at[pl.ds((ci + 1) * EC, EC)],
                                  ep_b[nb], sem[nb])
        h.wait()

        def _body(i, cc, buf=buf):
            e16s = [buf[pl.ds((i * _U + u) * 16, 16)] for u in range(_U)]
            vs = [plsc.load_gather(g_v, [e16 >> _SHIFT]) for e16 in e16s]
            for e16, v in zip(e16s, vs):
                plsc.addupdate_scatter(acc_v, [e16 & dmask], v)
            return cc
        lax.fori_loop(0, EC // 16 // _U, _body, 0)
        h = hn

    pltpu.sync_copy(acc_v, out_hbm.at[wid])



def _k2c_body(acc_ref, gall_ref, dinv_ref, bg_ref, o_ref):
    o_ref[...] = jnp.maximum(
        dinv_ref[...] * (acc_ref[...] + gall_ref[...]) + bg_ref[...], 0.0)


def _k2c(accT, gall, dinv, bg):
    return pl.pallas_call(
        _k2c_body,
        out_shape=jax.ShapeDtypeStruct((D_H, N), jnp.float32),
    )(accT, gall, dinv, bg.reshape(D_H, 1))



def _fc1_body(h_ref, w_ref, o_ref):
    i = pl.program_id(0)

    @pl.when(i == 0)
    def _():
        o_ref[...] = jnp.zeros_like(o_ref)

    o_ref[...] += jnp.dot(h_ref[...], w_ref[...],
                          preferred_element_type=jnp.float32)


def _k3(h2, W1):
    nblk = (N * D_H) // KBLK
    return pl.pallas_call(
        _fc1_body,
        grid=(nblk,),
        in_specs=[
            pl.BlockSpec((1, KBLK), lambda i: (0, i)),
            pl.BlockSpec((KBLK, 128), lambda i: (i, 0)),
        ],
        out_specs=pl.BlockSpec((1, 128), lambda i: (0, 0)),
        out_shape=jax.ShapeDtypeStruct((1, 128), jnp.float32),
    )(h2, W1)



def _fc2_body(h_ref, b1_ref, w2_ref, b2_ref, o_ref):
    h3 = jnp.maximum(h_ref[...] + b1_ref[...], 0.0)
    o_ref[...] = jnp.maximum(
        jnp.dot(h3, w2_ref[...], preferred_element_type=jnp.float32)
        + b2_ref[...], 0.0)


def _k4(h3pre, b1, W2, b2):
    return pl.pallas_call(
        _fc2_body,
        out_shape=jax.ShapeDtypeStruct((1, N), jnp.float32),
    )(h3pre, b1.reshape(1, 128), W2, b2.reshape(1, N))


def kernel(x, edge_index, Wg, bg, W1, b1, W2, b2):
    xwT, epacked = _k1(x, Wg, edge_index)
    ep = epacked.reshape(E)
    degP = _sc_deg(ep)
    dinv, gall = _kd(degP, xwT)
    accT = _sc_msg(ep, gall)
    h1T = _k2c(accT, gall, dinv, bg)
    h2 = h1T.T.reshape(1, N * D_H)
    h3pre = _k3(h2, W1)
    return _k4(h3pre, b1, W2, b2)

# --- scband reference (transcript-rebuilt; emitter-appended) ---
"""Pipeline reference for scband-gcn-17016660427224 (READ-ONLY COPY).

The authoritative reference and input builder live on the scoring server;
editing this copy changes nothing except your own understanding.
"""

import jax, jax.numpy as jnp
import numpy as np

N = 10000
E = 160000
D_IN = 128
D_H = 32


def setup_inputs(seed: int = 0) -> dict:
    key = jax.random.key(seed)
    ks = jax.random.split(key, 8)
    x = jax.random.normal(ks[0], (N, D_IN), dtype=jnp.float32)
    edge_index = jax.random.randint(ks[1], (2, E), 0, N, dtype=jnp.int32)
    # GCNConv(in_features=128, out=32) weight + bias
    Wg = jax.random.normal(ks[2], (D_IN, D_H), dtype=jnp.float32) * 0.05
    bg = jnp.zeros((D_H,), dtype=jnp.float32)
    # fc1: Linear(32*N -> 128)
    W1 = jax.random.normal(ks[3], (D_H * N, 128), dtype=jnp.float32) * 0.01
    b1 = jnp.zeros((128,), dtype=jnp.float32)
    # fc2: Linear(128 -> N)
    W2 = jax.random.normal(ks[4], (128, N), dtype=jnp.float32) * 0.05
    b2 = jnp.zeros((N,), dtype=jnp.float32)
    return {"x": x, "edge_index": edge_index, "Wg": Wg, "bg": bg,
            "W1": W1, "b1": b1, "W2": W2, "b2": b2}


def _gcn_conv(x, edge_index, W, b):
    # PyG-style GCNConv: add self-loops, sym-normalize, linear-then-propagate
    n = x.shape[0]
    loop = jnp.arange(n, dtype=edge_index.dtype)
    src = jnp.concatenate([edge_index[0], loop])
    dst = jnp.concatenate([edge_index[1], loop])
    deg = jnp.zeros((n,), x.dtype).at[dst].add(1.0)
    dinv = jnp.where(deg > 0, 1.0 / jnp.sqrt(deg), 0.0)
    norm = dinv[src] * dinv[dst]
    xw = x @ W                      # [N, D_H]
    msg = xw[src] * norm[:, None]   # gather by src
    out = jnp.zeros((n, W.shape[1]), x.dtype).at[dst].add(msg)  # scatter-add by dst
    return out + b


def reference(x, edge_index, Wg, bg, W1, b1, W2, b2):
    h1 = jax.nn.relu(_gcn_conv(x, edge_index, Wg, bg))
    # dropout with is_training=False is identity
    h2_flat = h1.reshape(-1, D_H * N)          # [1, 320000]
    h3 = jax.nn.relu(h2_flat @ W1 + b1)        # [1, 128]
    out = jax.nn.relu(h3 @ W2 + b2)            # [1, N] q-values
    return out

if __name__ == "__main__":
    import jax
    _d = setup_inputs()
    print(jax.jit(kernel)(*tuple(_d.values())))

</pallas_src>

<mosaic_0001>
#map = affine_map<(d0, d1) -> (0)>
#map1 = affine_map<(d0, d1) -> (0, 0)>
module attributes {stable_mosaic.version = 14 : i64} {
  func.func @_sc_msg(%arg0: i32, %arg1: i32, %arg2: memref<160000xi32, #tpu.memory_space<hbm>>, %arg3: memref<32x10000xf32, #tpu.memory_space<hbm>>, %arg4: memref<32x10000xf32, #tpu.memory_space<hbm>>, %arg5: memref<16000xi32, #tpu.memory_space<vmem>>, %arg6: memref<16000xi32, #tpu.memory_space<vmem>>, %arg7: memref<10000xf32, #tpu.memory_space<vmem>>, %arg8: memref<10000xf32, #tpu.memory_space<vmem>>, %arg9: memref<!tpu.dma_semaphore, #tpu.memory_space<semaphore_mem>>, %arg10: memref<!tpu.dma_semaphore, #tpu.memory_space<semaphore_mem>>, %arg11: memref<!tpu.dma_semaphore, #tpu.memory_space<semaphore_mem>>) attributes {dimension_semantics = [#tpu.dimension_semantics<core_parallel>, #tpu.dimension_semantics<subcore_parallel>], iteration_bounds = array<i64: 2, 16>, scalar_prefetch = 0 : i64, scratch_operands = 7 : i64, tpu.core_type = #tpu.core_type<sc_vector_subcore>, window_params = [{transform_indices = #map}, {transform_indices = #map1}, {transform_indices = #map1}]} {
    %mul3A = arith.constant 2 : i32
    %mul3A_0 = arith.muli %arg1, %mul3A : i32
    %add3A = arith.addi %mul3A_0, %arg0 : i32
    %broadcast_in_dim3A = arith.constant 16383 : i32
    %broadcast_in_dim3A_1 = vector.broadcast %broadcast_in_dim3A : i32 to vector<16xi32>
    %dma_start3A = arith.constant 0 : i32
    %dma_start3A_2 = tpu.memref_slice %arg3[%add3A, %dma_start3A] : memref<32x10000xf32, #tpu.memory_space<hbm>> -> memref<1x10000xf32, #tpu.memory_space<hbm>>
    %dma_start3A_3 = tpu.memref_squeeze %dma_start3A_2 : memref<1x10000xf32, #tpu.memory_space<hbm>> -> memref<10000xf32, #tpu.memory_space<hbm>>
    %dma_start3A_4 = arith.constant 0 : i32
    %dma_start3A_5 = tpu.memref_slice %arg3[%add3A, %dma_start3A_4] : memref<32x10000xf32, #tpu.memory_space<hbm>> -> memref<1x10000xf32, #tpu.memory_space<hbm>>
    %dma_start3A_6 = tpu.memref_squeeze %dma_start3A_5 : memref<1x10000xf32, #tpu.memory_space<hbm>> -> memref<10000xf32, #tpu.memory_space<hbm>>
    tpu.enqueue_dma source(%dma_start3A_6 : memref<10000xf32, #tpu.memory_space<hbm>>) target(%arg7 : memref<10000xf32, #tpu.memory_space<vmem>>) target_semaphore(%arg11 : memref<!tpu.dma_semaphore, #tpu.memory_space<semaphore_mem>>)
    %dma_start3A_7 = arith.constant 0 : i32
    %dma_start3A_8 = tpu.memref_slice %arg2[%dma_start3A_7] : memref<160000xi32, #tpu.memory_space<hbm>> -> memref<16000xi32, #tpu.memory_space<hbm>>
    %dma_start3A_9 = arith.constant 0 : i32
    %dma_start3A_10 = tpu.memref_slice %arg2[%dma_start3A_9] : memref<160000xi32, #tpu.memory_space<hbm>> -> memref<16000xi32, #tpu.memory_space<hbm>>
    tpu.enqueue_dma source(%dma_start3A_10 : memref<16000xi32, #tpu.memory_space<hbm>>) target(%arg5 : memref<16000xi32, #tpu.memory_space<vmem>>) target_semaphore(%arg9 : memref<!tpu.dma_semaphore, #tpu.memory_space<semaphore_mem>>)
    %broadcast_in_dim3A_11 = arith.constant 0.000000e+00 : f32
    %broadcast_in_dim3A_12 = vector.broadcast %broadcast_in_dim3A_11 : f32 to vector<16xf32>
    %scan3A = arith.constant 0 : i32
    %scan3A_13 = arith.constant 0 : i32
    %scan3A_14 = arith.constant 625 : i32
    %scan3A_15 = arith.addi %scan3A_13, %scan3A_14 : i32
    %scan3A_16 = arith.constant 1 : i32
    scf.for %scan3A_159 = %scan3A_13 to %scan3A_15 step %scan3A_16  : i32 {
      %mul3A_160 = arith.constant 16 : i32
      %mul3A_161 = arith.muli %scan3A_159, %mul3A_160 : i32
      %swap3A = arith.index_cast %mul3A_161 : i32 to index
      %swap3A_162 = tpu.vector_load %arg8[%swap3A] {strides = array<i32>} : memref<10000xf32, #tpu.memory_space<vmem>>, vector<16xf32>,
      tpu.vector_store %arg8[%swap3A], %broadcast_in_dim3A_12 {strides = array<i32>} : memref<10000xf32, #tpu.memory_space<vmem>>, vector<16xf32>,
    }
    %scan3A_17 = arith.constant 625 : i32
    %dma_wait3A = arith.constant 0 : i32
    %dma_wait3A_18 = tpu.memref_slice %arg3[%add3A, %dma_wait3A] : memref<32x10000xf32, #tpu.memory_space<hbm>> -> memref<1x10000xf32, #tpu.memory_space<hbm>>
    %dma_wait3A_19 = tpu.memref_squeeze %dma_wait3A_18 : memref<1x10000xf32, #tpu.memory_space<hbm>> -> memref<10000xf32, #tpu.memory_space<hbm>>
    %dma_wait3A_20 = arith.constant 0 : i32
    %dma_wait3A_21 = tpu.memref_slice %arg3[%add3A, %dma_wait3A_20] : memref<32x10000xf32, #tpu.memory_space<hbm>> -> memref<1x10000xf32, #tpu.memory_space<hbm>>
    %dma_wait3A_22 = tpu.memref_squeeze %dma_wait3A_21 : memref<1x10000xf32, #tpu.memory_space<hbm>> -> memref<10000xf32, #tpu.memory_space<hbm>>
    tpu.wait_dma2 semaphore(%arg11 : memref<!tpu.dma_semaphore, #tpu.memory_space<semaphore_mem>>) src(%dma_wait3A_22 : memref<10000xf32, #tpu.memory_space<hbm>>) dst(%arg7 : memref<10000xf32, #tpu.memory_space<vmem>>)
    %dma_start3A_23 = arith.constant 16000 : i32
    %dma_start3A_24 = tpu.memref_slice %arg2[%dma_start3A_23] : memref<160000xi32, #tpu.memory_space<hbm>> -> memref<16000xi32, #tpu.memory_space<hbm>>
    %dma_start3A_25 = arith.constant 16000 : i32
    %dma_start3A_26 = tpu.memref_slice %arg2[%dma_start3A_25] : memref<160000xi32, #tpu.memory_space<hbm>> -> memref<16000xi32, #tpu.memory_space<hbm>>
    tpu.enqueue_dma source(%dma_start3A_26 : memref<16000xi32, #tpu.memory_space<hbm>>) target(%arg6 : memref<16000xi32, #tpu.memory_space<vmem>>) target_semaphore(%arg10 : memref<!tpu.dma_semaphore, #tpu.memory_space<semaphore_mem>>)
    %dma_wait3A_27 = arith.constant 0 : i32
    %dma_wait3A_28 = tpu.memref_slice %arg2[%dma_wait3A_27] : memref<160000xi32, #tpu.memory_space<hbm>> -> memref<16000xi32, #tpu.memory_space<hbm>>
    %dma_wait3A_29 = arith.constant 0 : i32
    %dma_wait3A_30 = tpu.memref_slice %arg2[%dma_wait3A_29] : memref<160000xi32, #tpu.memory_space<hbm>> -> memref<16000xi32, #tpu.memory_space<hbm>>
    tpu.wait_dma2 semaphore(%arg9 : memref<!tpu.dma_semaphore, #tpu.memory_space<semaphore_mem>>) src(%dma_wait3A_30 : memref<16000xi32, #tpu.memory_space<hbm>>) dst(%arg5 : memref<16000xi32, #tpu.memory_space<vmem>>)
    %scan3A_31 = arith.constant 0 : i32
    %scan3A_32 = arith.constant 0 : i32
    %scan3A_33 = arith.constant 125 : i32
    %scan3A_34 = arith.addi %scan3A_32, %scan3A_33 : i32
    %scan3A_35 = arith.constant 1 : i32
    scf.for %scan3A_159 = %scan3A_32 to %scan3A_34 step %scan3A_35  : i32 {
      %mul3A_160 = arith.constant 8 : i32
      %mul3A_161 = arith.muli %scan3A_159, %mul3A_160 : i32
      %add3A_162 = arith.constant 0 : i32
      %add3A_163 = arith.addi %mul3A_161, %add3A_162 : i32
      %mul3A_164 = arith.constant 16 : i32
      %mul3A_165 = arith.muli %add3A_163, %mul3A_164 : i32
      %get3A = arith.index_cast %mul3A_165 : i32 to index
      %get3A_166 = tpu.vector_load %arg5[%get3A] {strides = array<i32>} : memref<16000xi32, #tpu.memory_space<vmem>>, vector<16xi32>,
      %mul3A_167 = arith.constant 8 : i32
      %mul3A_168 = arith.muli %scan3A_159, %mul3A_167 : i32
      %add3A_169 = arith.constant 1 : i32
      %add3A_170 = arith.addi %mul3A_168, %add3A_169 : i32
      %mul3A_171 = arith.constant 16 : i32
      %mul3A_172 = arith.muli %add3A_170, %mul3A_171 : i32
      %get3A_173 = arith.index_cast %mul3A_172 : i32 to index
      %get3A_174 = tpu.vector_load %arg5[%get3A_173] {strides = array<i32>} : memref<16000xi32, #tpu.memory_space<vmem>>, vector<16xi32>,
      %mul3A_175 = arith.constant 8 : i32
      %mul3A_176 = arith.muli %scan3A_159, %mul3A_175 : i32
      %add3A_177 = arith.constant 2 : i32
      %add3A_178 = arith.addi %mul3A_176, %add3A_177 : i32
      %mul3A_179 = arith.constant 16 : i32
      %mul3A_180 = arith.muli %add3A_178, %mul3A_179 : i32
      %get3A_181 = arith.index_cast %mul3A_180 : i32 to index
      %get3A_182 = tpu.vector_load %arg5[%get3A_181] {strides = array<i32>} : memref<16000xi32, #tpu.memory_space<vmem>>, vector<16xi32>,
      %mul3A_183 = arith.constant 8 : i32
      %mul3A_184 = arith.muli %scan3A_159, %mul3A_183 : i32
      %add3A_185 = arith.constant 3 : i32
      %add3A_186 = arith.addi %mul3A_184, %add3A_185 : i32
      %mul3A_187 = arith.constant 16 : i32
      %mul3A_188 = arith.muli %add3A_186, %mul3A_187 : i32
      %get3A_189 = arith.index_cast %mul3A_188 : i32 to index
      %get3A_190 = tpu.vector_load %arg5[%get3A_189] {strides = array<i32>} : memref<16000xi32, #tpu.memory_space<vmem>>, vector<16xi32>,
      %mul3A_191 = arith.constant 8 : i32
      %mul3A_192 = arith.muli %scan3A_159, %mul3A_191 : i32
      %add3A_193 = arith.constant 4 : i32
      %add3A_194 = arith.addi %mul3A_192, %add3A_193 : i32
      %mul3A_195 = arith.constant 16 : i32
      %mul3A_196 = arith.muli %add3A_194, %mul3A_195 : i32
      %get3A_197 = arith.index_cast %mul3A_196 : i32 to index
      %get3A_198 = tpu.vector_load %arg5[%get3A_197] {strides = array<i32>} : memref<16000xi32, #tpu.memory_space<vmem>>, vector<16xi32>,
      %mul3A_199 = arith.constant 8 : i32
      %mul3A_200 = arith.muli %scan3A_159, %mul3A_199 : i32
      %add3A_201 = arith.constant 5 : i32
      %add3A_202 = arith.addi %mul3A_200, %add3A_201 : i32
      %mul3A_203 = arith.constant 16 : i32
      %mul3A_204 = arith.muli %add3A_202, %mul3A_203 : i32
      %get3A_205 = arith.index_cast %mul3A_204 : i32 to index
      %get3A_206 = tpu.vector_load %arg5[%get3A_205] {strides = array<i32>} : memref<16000xi32, #tpu.memory_space<vmem>>, vector<16xi32>,
      %mul3A_207 = arith.constant 8 : i32
      %mul3A_208 = arith.muli %scan3A_159, %mul3A_207 : i32
      %add3A_209 = arith.constant 6 : i32
      %add3A_210 = arith.addi %mul3A_208, %add3A_209 : i32
      %mul3A_211 = arith.constant 16 : i32
      %mul3A_212 = arith.muli %add3A_210, %mul3A_211 : i32
      %get3A_213 = arith.index_cast %mul3A_212 : i32 to index
      %get3A_214 = tpu.vector_load %arg5[%get3A_213] {strides = array<i32>} : memref<16000xi32, #tpu.memory_space<vmem>>, vector<16xi32>,
      %mul3A_215 = arith.constant 8 : i32
      %mul3A_216 = arith.muli %scan3A_159, %mul3A_215 : i32
      %add3A_217 = arith.constant 7 : i32
      %add3A_218 = arith.addi %mul3A_216, %add3A_217 : i32
      %mul3A_219 = arith.constant 16 : i32
      %mul3A_220 = arith.muli %add3A_218, %mul3A_219 : i32
      %get3A_221 = arith.index_cast %mul3A_220 : i32 to index
      %get3A_222 = tpu.vector_load %arg5[%get3A_221] {strides = array<i32>} : memref<16000xi32, #tpu.memory_space<vmem>>, vector<16xi32>,
      %shift_right_arithmetic3A = arith.constant 14 : i32
      %shift_right_arithmetic3A_223 = vector.broadcast %shift_right_arithmetic3A : i32 to vector<16xi32>
      %shift_right_arithmetic3A_224 = arith.shrsi %get3A_166, %shift_right_arithmetic3A_223 : vector<16xi32>
      %gather3A = tpu.vector_load_idx %arg7[%shift_right_arithmetic3A_224] : memref<10000xf32, #tpu.memory_space<vmem>>[vector<16xi32>], vector<16xf32>,
      %shift_right_arithmetic3A_225 = arith.constant 14 : i32
      %shift_right_arithmetic3A_226 = vector.broadcast %shift_right_arithmetic3A_225 : i32 to vector<16xi32>
      %shift_right_arithmetic3A_227 = arith.shrsi %get3A_174, %shift_right_arithmetic3A_226 : vector<16xi32>
      %gather3A_228 = tpu.vector_load_idx %arg7[%shift_right_arithmetic3A_227] : memref<10000xf32, #tpu.memory_space<vmem>>[vector<16xi32>], vector<16xf32>,
      %shift_right_arithmetic3A_229 = arith.constant 14 : i32
      %shift_right_arithmetic3A_230 = vector.broadcast %shift_right_arithmetic3A_229 : i32 to vector<16xi32>
      %shift_right_arithmetic3A_231 = arith.shrsi %get3A_182, %shift_right_arithmetic3A_230 : vector<16xi32>
      %gather3A_232 = tpu.vector_load_idx %arg7[%shift_right_arithmetic3A_231] : memref<10000xf32, #tpu.memory_space<vmem>>[vector<16xi32>], vector<16xf32>,
      %shift_right_arithmetic3A_233 = arith.constant 14 : i32
      %shift_right_arithmetic3A_234 = vector.broadcast %shift_right_arithmetic3A_233 : i32 to vector<16xi32>
      %shift_right_arithmetic3A_235 = arith.shrsi %get3A_190, %shift_right_arithmetic3A_234 : vector<16xi32>
      %gather3A_236 = tpu.vector_load_idx %arg7[%shift_right_arithmetic3A_235] : memref<10000xf32, #tpu.memory_space<vmem>>[vector<16xi32>], vector<16xf32>,
      %shift_right_arithmetic3A_237 = arith.constant 14 : i32
      %shift_right_arithmetic3A_238 = vector.broadcast %shift_right_arithmetic3A_237 : i32 to vector<16xi32>
      %shift_right_arithmetic3A_239 = arith.shrsi %get3A_198, %shift_right_arithmetic3A_238 : vector<16xi32>
      %gather3A_240 = tpu.vector_load_idx %arg7[%shift_right_arithmetic3A_239] : memref<10000xf32, #tpu.memory_space<vmem>>[vector<16xi32>], vector<16xf32>,
      %shift_right_arithmetic3A_241 = arith.constant 14 : i32
      %shift_right_arithmetic3A_242 = vector.broadcast %shift_right_arithmetic3A_241 : i32 to vector<16xi32>
      %shift_right_arithmetic3A_243 = arith.shrsi %get3A_206, %shift_right_arithmetic3A_242 : vector<16xi32>
      %gather3A_244 = tpu.vector_load_idx %arg7[%shift_right_arithmetic3A_243] : memref<10000xf32, #tpu.memory_space<vmem>>[vector<16xi32>], vector<16xf32>,
      %shift_right_arithmetic3A_245 = arith.constant 14 : i32
      %shift_right_arithmetic3A_246 = vector.broadcast %shift_right_arithmetic3A_245 : i32 to vector<16xi32>
      %shift_right_arithmetic3A_247 = arith.shrsi %get3A_214, %shift_right_arithmetic3A_246 : vector<16xi32>
      %gather3A_248 = tpu.vector_load_idx %arg7[%shift_right_arithmetic3A_247] : memref<10000xf32, #tpu.memory_space<vmem>>[vector<16xi32>], vector<16xf32>,
      %shift_right_arithmetic3A_249 = arith.constant 14 : i32
      %shift_right_arithmetic3A_250 = vector.broadcast %shift_right_arithmetic3A_249 : i32 to vector<16xi32>
      %shift_right_arithmetic3A_251 = arith.shrsi %get3A_222, %shift_right_arithmetic3A_250 : vector<16xi32>
      %gather3A_252 = tpu.vector_load_idx %arg7[%shift_right_arithmetic3A_251] : memref<10000xf32, #tpu.memory_space<vmem>>[vector<16xi32>], vector<16xf32>,
      %and3A = arith.andi %get3A_166, %broadcast_in_dim3A_1 : vector<16xi32>
      tpu.vector_store_idx %arg8[%and3A], %gather3A {add = true} : memref<10000xf32, #tpu.memory_space<vmem>>[vector<16xi32>], vector<16xf32>,
      %and3A_253 = arith.andi %get3A_174, %broadcast_in_dim3A_1 : vector<16xi32>
      tpu.vector_store_idx %arg8[%and3A_253], %gather3A_228 {add = true} : memref<10000xf32, #tpu.memory_space<vmem>>[vector<16xi32>], vector<16xf32>,
      %and3A_254 = arith.andi %get3A_182, %broadcast_in_dim3A_1 : vector<16xi32>
      tpu.vector_store_idx %arg8[%and3A_254], %gather3A_232 {add = true} : memref<10000xf32, #tpu.memory_space<vmem>>[vector<16xi32>], vector<16xf32>,
      %and3A_255 = arith.andi %get3A_190, %broadcast_in_dim3A_1 : vector<16xi32>
      tpu.vector_store_idx %arg8[%and3A_255], %gather3A_236 {add = true} : memref<10000xf32, #tpu.memory_space<vmem>>[vector<16xi32>], vector<16xf32>,
      %and3A_256 = arith.andi %get3A_198, %broadcast_in_dim3A_1 : vector<16xi32>
      tpu.vector_store_idx %arg8[%and3A_256], %gather3A_240 {add = true} : memref<10000xf32, #tpu.memory_space<vmem>>[vector<16xi32>], vector<16xf32>,
      %and3A_257 = arith.andi %get3A_206, %broadcast_in_dim3A_1 : vector<16xi32>
      tpu.vector_store_idx %arg8[%and3A_257], %gather3A_244 {add = true} : memref<10000xf32, #tpu.memory_space<vmem>>[vector<16xi32>], vector<16xf32>,
      %and3A_258 = arith.andi %get3A_214, %broadcast_in_dim3A_1 : vector<16xi32>
      tpu.vector_store_idx %arg8[%and3A_258], %gather3A_248 {add = true} : memref<10000xf32, #tpu.memory_space<vmem>>[vector<16xi32>], vector<16xf32>,
      %and3A_259 = arith.andi %get3A_222, %broadcast_in_dim3A_1 : vector<16xi32>
      tpu.vector_store_idx %arg8[%and3A_259], %gather3A_252 {add = true} : memref<10000xf32, #tpu.memory_space<vmem>>[vector<16xi32>], vector<16xf32>,
    }
    %scan3A_36 = arith.constant 125 : i32
    %dma_start3A_37 = arith.constant 32000 : i32
    %dma_start3A_38 = tpu.memref_slice %arg2[%dma_start3A_37] : memref<160000xi32, #tpu.memory_space<hbm>> -> memref<16000xi32, #tpu.memory_space<hbm>>
    %dma_start3A_39 = arith.constant 32000 : i32
    %dma_start3A_40 = tpu.memref_slice %arg2[%dma_start3A_39] : memref<160000xi32, #tpu.memory_space<hbm>> -> memref<16000xi32, #tpu.memory_space<hbm>>
    tpu.enqueue_dma source(%dma_start3A_40 : memref<16000xi32, #tpu.memory_space<hbm>>) target(%arg5 : memref<16000xi32, #tpu.memory_space<vmem>>) target_semaphore(%arg9 : memref<!tpu.dma_semaphore, #tpu.memory_space<semaphore_mem>>)
    %dma_wait3A_41 = arith.constant 16000 : i32
    %dma_wait3A_42 = tpu.memref_slice %arg2[%dma_wait3A_41] : memref<160000xi32, #tpu.memory_space<hbm>> -> memref<16000xi32, #tpu.memory_space<hbm>>
    %dma_wait3A_43 = arith.constant 16000 : i32
    %dma_wait3A_44 = tpu.memref_slice %arg2[%dma_wait3A_43] : memref<160000xi32, #tpu.memory_space<hbm>> -> memref<16000xi32, #tpu.memory_space<hbm>>
    tpu.wait_dma2 semaphore(%arg10 : memref<!tpu.dma_semaphore, #tpu.memory_space<semaphore_mem>>) src(%dma_wait3A_44 : memref<16000xi32, #tpu.memory_space<hbm>>) dst(%arg6 : memref<16000xi32, #tpu.memory_space<vmem>>)
    %scan3A_45 = arith.constant 0 : i32
    %scan3A_46 = arith.constant 0 : i32
    %scan3A_47 = arith.constant 125 : i32
    %scan3A_48 = arith.addi %scan3A_46, %scan3A_47 : i32
    %scan3A_49 = arith.constant 1 : i32
    scf.for %scan3A_159 = %scan3A_46 to %scan3A_48 step %scan3A_49  : i32 {
      %mul3A_160 = arith.constant 8 : i32
      %mul3A_161 = arith.muli %scan3A_159, %mul3A_160 : i32
      %add3A_162 = arith.constant 0 : i32
      %add3A_163 = arith.addi %mul3A_161, %add3A_162 : i32
      %mul3A_164 = arith.constant 16 : i32
      %mul3A_165 = arith.muli %add3A_163, %mul3A_164 : i32
      %get3A = arith.index_cast %mul3A_165 : i32 to index
      %get3A_166 = tpu.vector_load %arg6[%get3A] {strides = array<i32>} : memref<16000xi32, #tpu.memory_space<vmem>>, vector<16xi32>,
      %mul3A_167 = arith.constant 8 : i32
      %mul3A_168 = arith.muli %scan3A_159, %mul3A_167 : i32
      %add3A_169 = arith.constant 1 : i32
      %add3A_170 = arith.addi %mul3A_168, %add3A_169 : i32
      %mul3A_171 = arith.constant 16 : i32
      %mul3A_172 = arith.muli %add3A_170, %mul3A_171 : i32
      %get3A_173 = arith.index_cast %mul3A_172 : i32 to index
      %get3A_174 = tpu.vector_load %arg6[%get3A_173] {strides = array<i32>} : memref<16000xi32, #tpu.memory_space<vmem>>, vector<16xi32>,
      %mul3A_175 = arith.constant 8 : i32
      %mul3A_176 = arith.muli %scan3A_159, %mul3A_175 : i32
      %add3A_177 = arith.constant 2 : i32
      %add3A_178 = arith.addi %mul3A_176, %add3A_177 : i32
      %mul3A_179 = arith.constant 16 : i32
      %mul3A_180 = arith.muli %add3A_178, %mul3A_179 : i32
      %get3A_181 = arith.index_cast %mul3A_180 : i32 to index
      %get3A_182 = tpu.vector_load %arg6[%get3A_181] {strides = array<i32>} : memref<16000xi32, #tpu.memory_space<vmem>>, vector<16xi32>,
      %mul3A_183 = arith.constant 8 : i32
      %mul3A_184 = arith.muli %scan3A_159, %mul3A_183 : i32
      %add3A_185 = arith.constant 3 : i32
      %add3A_186 = arith.addi %mul3A_184, %add3A_185 : i32
      %mul3A_187 = arith.constant 16 : i32
      %mul3A_188 = arith.muli %add3A_186, %mul3A_187 : i32
      %get3A_189 = arith.index_cast %mul3A_188 : i32 to index
      %get3A_190 = tpu.vector_load %arg6[%get3A_189] {strides = array<i32>} : memref<16000xi32, #tpu.memory_space<vmem>>, vector<16xi32>,
      %mul3A_191 = arith.constant 8 : i32
      %mul3A_192 = arith.muli %scan3A_159, %mul3A_191 : i32
      %add3A_193 = arith.constant 4 : i32
      %add3A_194 = arith.addi %mul3A_192, %add3A_193 : i32
      %mul3A_195 = arith.constant 16 : i32
      %mul3A_196 = arith.muli %add3A_194, %mul3A_195 : i32
      %get3A_197 = arith.index_cast %mul3A_196 : i32 to index
      %get3A_198 = tpu.vector_load %arg6[%get3A_197] {strides = array<i32>} : memref<16000xi32, #tpu.memory_space<vmem>>, vector<16xi32>,
      %mul3A_199 = arith.constant 8 : i32
      %mul3A_200 = arith.muli %scan3A_159, %mul3A_199 : i32
      %add3A_201 = arith.constant 5 : i32
      %add3A_202 = arith.addi %mul3A_200, %add3A_201 : i32
      %mul3A_203 = arith.constant 16 : i32
      %mul3A_204 = arith.muli %add3A_202, %mul3A_203 : i32
      %get3A_205 = arith.index_cast %mul3A_204 : i32 to index
      %get3A_206 = tpu.vector_load %arg6[%get3A_205] {strides = array<i32>} : memref<16000xi32, #tpu.memory_space<vmem>>, vector<16xi32>,
      %mul3A_207 = arith.constant 8 : i32
      %mul3A_208 = arith.muli %scan3A_159, %mul3A_207 : i32
      %add3A_209 = arith.constant 6 : i32
      %add3A_210 = arith.addi %mul3A_208, %add3A_209 : i32
      %mul3A_211 = arith.constant 16 : i32
      %mul3A_212 = arith.muli %add3A_210, %mul3A_211 : i32
      %get3A_213 = arith.index_cast %mul3A_212 : i32 to index
      %get3A_214 = tpu.vector_load %arg6[%get3A_213] {strides = array<i32>} : memref<16000xi32, #tpu.memory_space<vmem>>, vector<16xi32>,
      %mul3A_215 = arith.constant 8 : i32
      %mul3A_216 = arith.muli %scan3A_159, %mul3A_215 : i32
      %add3A_217 = arith.constant 7 : i32
      %add3A_218 = arith.addi %mul3A_216, %add3A_217 : i32
      %mul3A_219 = arith.constant 16 : i32
      %mul3A_220 = arith.muli %add3A_218, %mul3A_219 : i32
      %get3A_221 = arith.index_cast %mul3A_220 : i32 to index
      %get3A_222 = tpu.vector_load %arg6[%get3A_221] {strides = array<i32>} : memref<16000xi32, #tpu.memory_space<vmem>>, vector<16xi32>,
      %shift_right_arithmetic3A = arith.constant 14 : i32
      %shift_right_arithmetic3A_223 = vector.broadcast %shift_right_arithmetic3A : i32 to vector<16xi32>
      %shift_right_arithmetic3A_224 = arith.shrsi %get3A_166, %shift_right_arithmetic3A_223 : vector<16xi32>
      %gather3A = tpu.vector_load_idx %arg7[%shift_right_arithmetic3A_224] : memref<10000xf32, #tpu.memory_space<vmem>>[vector<16xi32>], vector<16xf32>,
      %shift_right_arithmetic3A_225 = arith.constant 14 : i32
      %shift_right_arithmetic3A_226 = vector.broadcast %shift_right_arithmetic3A_225 : i32 to vector<16xi32>
      %shift_right_arithmetic3A_227 = arith.shrsi %get3A_174, %shift_right_arithmetic3A_226 : vector<16xi32>
      %gather3A_228 = tpu.vector_load_idx %arg7[%shift_right_arithmetic3A_227] : memref<10000xf32, #tpu.memory_space<vmem>>[vector<16xi32>], vector<16xf32>,
      %shift_right_arithmetic3A_229 = arith.constant 14 : i32
      %shift_right_arithmetic3A_230 = vector.broadcast %shift_right_arithmetic3A_229 : i32 to vector<16xi32>
      %shift_right_arithmetic3A_231 = arith.shrsi %get3A_182, %shift_right_arithmetic3A_230 : vector<16xi32>
      %gather3A_232 = tpu.vector_load_idx %arg7[%shift_right_arithmetic3A_231] : memref<10000xf32, #tpu.memory_space<vmem>>[vector<16xi32>], vector<16xf32>,
      %shift_right_arithmetic3A_233 = arith.constant 14 : i32
      %shift_right_arithmetic3A_234 = vector.broadcast %shift_right_arithmetic3A_233 : i32 to vector<16xi32>
      %shift_right_arithmetic3A_235 = arith.shrsi %get3A_190, %shift_right_arithmetic3A_234 : vector<16xi32>
      %gather3A_236 = tpu.vector_load_idx %arg7[%shift_right_arithmetic3A_235] : memref<10000xf32, #tpu.memory_space<vmem>>[vector<16xi32>], vector<16xf32>,
      %shift_right_arithmetic3A_237 = arith.constant 14 : i32
      %shift_right_arithmetic3A_238 = vector.broadcast %shift_right_arithmetic3A_237 : i32 to vector<16xi32>
      %shift_right_arithmetic3A_239 = arith.shrsi %get3A_198, %shift_right_arithmetic3A_238 : vector<16xi32>
      %gather3A_240 = tpu.vector_load_idx %arg7[%shift_right_arithmetic3A_239] : memref<10000xf32, #tpu.memory_space<vmem>>[vector<16xi32>], vector<16xf32>,
      %shift_right_arithmetic3A_241 = arith.constant 14 : i32
      %shift_right_arithmetic3A_242 = vector.broadcast %shift_right_arithmetic3A_241 : i32 to vector<16xi32>
      %shift_right_arithmetic3A_243 = arith.shrsi %get3A_206, %shift_right_arithmetic3A_242 : vector<16xi32>
      %gather3A_244 = tpu.vector_load_idx %arg7[%shift_right_arithmetic3A_243] : memref<10000xf32, #tpu.memory_space<vmem>>[vector<16xi32>], vector<16xf32>,
      %shift_right_arithmetic3A_245 = arith.constant 14 : i32
      %shift_right_arithmetic3A_246 = vector.broadcast %shift_right_arithmetic3A_245 : i32 to vector<16xi32>
      %shift_right_arithmetic3A_247 = arith.shrsi %get3A_214, %shift_right_arithmetic3A_246 : vector<16xi32>
      %gather3A_248 = tpu.vector_load_idx %arg7[%shift_right_arithmetic3A_247] : memref<10000xf32, #tpu.memory_space<vmem>>[vector<16xi32>], vector<16xf32>,
      %shift_right_arithmetic3A_249 = arith.constant 14 : i32
      %shift_right_arithmetic3A_250 = vector.broadcast %shift_right_arithmetic3A_249 : i32 to vector<16xi32>
      %shift_right_arithmetic3A_251 = arith.shrsi %get3A_222, %shift_right_arithmetic3A_250 : vector<16xi32>
      %gather3A_252 = tpu.vector_load_idx %arg7[%shift_right_arithmetic3A_251] : memref<10000xf32, #tpu.memory_space<vmem>>[vector<16xi32>], vector<16xf32>,
      %and3A = arith.andi %get3A_166, %broadcast_in_dim3A_1 : vector<16xi32>
      tpu.vector_store_idx %arg8[%and3A], %gather3A {add = true} : memref<10000xf32, #tpu.memory_space<vmem>>[vector<16xi32>], vector<16xf32>,
      %and3A_253 = arith.andi %get3A_174, %broadcast_in_dim3A_1 : vector<16xi32>
      tpu.vector_store_idx %arg8[%and3A_253], %gather3A_228 {add = true} : memref<10000xf32, #tpu.memory_space<vmem>>[vector<16xi32>], vector<16xf32>,
      %and3A_254 = arith.andi %get3A_182, %broadcast_in_dim3A_1 : vector<16xi32>
      tpu.vector_store_idx %arg8[%and3A_254], %gather3A_232 {add = true} : memref<10000xf32, #tpu.memory_space<vmem>>[vector<16xi32>], vector<16xf32>,
      %and3A_255 = arith.andi %get3A_190, %broadcast_in_dim3A_1 : vector<16xi32>
      tpu.vector_store_idx %arg8[%and3A_255], %gather3A_236 {add = true} : memref<10000xf32, #tpu.memory_space<vmem>>[vector<16xi32>], vector<16xf32>,
      %and3A_256 = arith.andi %get3A_198, %broadcast_in_dim3A_1 : vector<16xi32>
      tpu.vector_store_idx %arg8[%and3A_256], %gather3A_240 {add = true} : memref<10000xf32, #tpu.memory_space<vmem>>[vector<16xi32>], vector<16xf32>,
      %and3A_257 = arith.andi %get3A_206, %broadcast_in_dim3A_1 : vector<16xi32>
      tpu.vector_store_idx %arg8[%and3A_257], %gather3A_244 {add = true} : memref<10000xf32, #tpu.memory_space<vmem>>[vector<16xi32>], vector<16xf32>,
      %and3A_258 = arith.andi %get3A_214, %broadcast_in_dim3A_1 : vector<16xi32>
      tpu.vector_store_idx %arg8[%and3A_258], %gather3A_248 {add = true} : memref<10000xf32, #tpu.memory_space<vmem>>[vector<16xi32>], vector<16xf32>,
      %and3A_259 = arith.andi %get3A_222, %broadcast_in_dim3A_1 : vector<16xi32>
      tpu.vector_store_idx %arg8[%and3A_259], %gather3A_252 {add = true} : memref<10000xf32, #tpu.memory_space<vmem>>[vector<16xi32>], vector<16xf32>,
    }
    %scan3A_50 = arith.constant 125 : i32
    %dma_start3A_51 = arith.constant 48000 : i32
    %dma_start3A_52 = tpu.memref_slice %arg2[%dma_start3A_51] : memref<160000xi32, #tpu.memory_space<hbm>> -> memref<16000xi32, #tpu.memory_space<hbm>>
    %dma_start3A_53 = arith.constant 48000 : i32
    %dma_start3A_54 = tpu.memref_slice %arg2[%dma_start3A_53] : memref<160000xi32, #tpu.memory_space<hbm>> -> memref<16000xi32, #tpu.memory_space<hbm>>
    tpu.enqueue_dma source(%dma_start3A_54 : memref<16000xi32, #tpu.memory_space<hbm>>) target(%arg6 : memref<16000xi32, #tpu.memory_space<vmem>>) target_semaphore(%arg10 : memref<!tpu.dma_semaphore, #tpu.memory_space<semaphore_mem>>)
    %dma_wait3A_55 = arith.constant 32000 : i32
    %dma_wait3A_56 = tpu.memref_slice %arg2[%dma_wait3A_55] : memref<160000xi32, #tpu.memory_space<hbm>> -> memref<16000xi32, #tpu.memory_space<hbm>>
    %dma_wait3A_57 = arith.constant 32000 : i32
    %dma_wait3A_58 = tpu.memref_slice %arg2[%dma_wait3A_57] : memref<160000xi32, #tpu.memory_space<hbm>> -> memref<16000xi32, #tpu.memory_space<hbm>>
    tpu.wait_dma2 semaphore(%arg9 : memref<!tpu.dma_semaphore, #tpu.memory_space<semaphore_mem>>) src(%dma_wait3A_58 : memref<16000xi32, #tpu.memory_space<hbm>>) dst(%arg5 : memref<16000xi32, #tpu.memory_space<vmem>>)
    %scan3A_59 = arith.constant 0 : i32
    %scan3A_60 = arith.constant 0 : i32
    %scan3A_61 = arith.constant 125 : i32
    %scan3A_62 = arith.addi %scan3A_60, %scan3A_61 : i32
    %scan3A_63 = arith.constant 1 : i32
    scf.for %scan3A_159 = %scan3A_60 to %scan3A_62 step %scan3A_63  : i32 {
      %mul3A_160 = arith.constant 8 : i32
      %mul3A_161 = arith.muli %scan3A_159, %mul3A_160 : i32
      %add3A_162 = arith.constant 0 : i32
      %add3A_163 = arith.addi %mul3A_161, %add3A_162 : i32
      %mul3A_164 = arith.constant 16 : i32
      %mul3A_165 = arith.muli %add3A_163, %mul3A_164 : i32
      %get3A = arith.index_cast %mul3A_165 : i32 to index
      %get3A_166 = tpu.vector_load %arg5[%get3A] {strides = array<i32>} : memref<16000xi32, #tpu.memory_space<vmem>>, vector<16xi32>,
      %mul3A_167 = arith.constant 8 : i32
      %mul3A_168 = arith.muli %scan3A_159, %mul3A_167 : i32
      %add3A_169 = arith.constant 1 : i32
      %add3A_170 = arith.addi %mul3A_168, %add3A_169 : i32
      %mul3A_171 = arith.constant 16 : i32
      %mul3A_172 = arith.muli %add3A_170, %mul3A_171 : i32
      %get3A_173 = arith.index_cast %mul3A_172 : i32 to index
      %get3A_174 = tpu.vector_load %arg5[%get3A_173] {strides = array<i32>} : memref<16000xi32, #tpu.memory_space<vmem>>, vector<16xi32>,
      %mul3A_175 = arith.constant 8 : i32
      %mul3A_176 = arith.muli %scan3A_159, %mul3A_175 : i32
      %add3A_177 = arith.constant 2 : i32
      %add3A_178 = arith.addi %mul3A_176, %add3A_177 : i32
      %mul3A_179 = arith.constant 16 : i32
      %mul3A_180 = arith.muli %add3A_178, %mul3A_179 : i32
      %get3A_181 = arith.index_cast %mul3A_180 : i32 to index
      %get3A_182 = tpu.vector_load %arg5[%get3A_181] {strides = array<i32>} : memref<16000xi32, #tpu.memory_space<vmem>>, vector<16xi32>,
      %mul3A_183 = arith.constant 8 : i32
      %mul3A_184 = arith.muli %scan3A_159, %mul3A_183 : i32
      %add3A_185 = arith.constant 3 : i32
      %add3A_186 = arith.addi %mul3A_184, %add3A_185 : i32
      %mul3A_187 = arith.constant 16 : i32
      %mul3A_188 = arith.muli %add3A_186, %mul3A_187 : i32
      %get3A_189 = arith.index_cast %mul3A_188 : i32 to index
      %get3A_190 = tpu.vector_load %arg5[%get3A_189] {strides = array<i32>} : memref<16000xi32, #tpu.memory_space<vmem>>, vector<16xi32>,
      %mul3A_191 = arith.constant 8 : i32
      %mul3A_192 = arith.muli %scan3A_159, %mul3A_191 : i32
      %add3A_193 = arith.constant 4 : i32
      %add3A_194 = arith.addi %mul3A_192, %add3A_193 : i32
      %mul3A_195 = arith.constant 16 : i32
      %mul3A_196 = arith.muli %add3A_194, %mul3A_195 : i32
      %get3A_197 = arith.index_cast %mul3A_196 : i32 to index
      %get3A_198 = tpu.vector_load %arg5[%get3A_197] {strides = array<i32>} : memref<16000xi32, #tpu.memory_space<vmem>>, vector<16xi32>,
      %mul3A_199 = arith.constant 8 : i32
      %mul3A_200 = arith.muli %scan3A_159, %mul3A_199 : i32
      %add3A_201 = arith.constant 5 : i32
      %add3A_202 = arith.addi %mul3A_200, %add3A_201 : i32
      %mul3A_203 = arith.constant 16 : i32
      %mul3A_204 = arith.muli %add3A_202, %mul3A_203 : i32
      %get3A_205 = arith.index_cast %mul3A_204 : i32 to index
      %get3A_206 = tpu.vector_load %arg5[%get3A_205] {strides = array<i32>} : memref<16000xi32, #tpu.memory_space<vmem>>, vector<16xi32>,
      %mul3A_207 = arith.constant 8 : i32
      %mul3A_208 = arith.muli %scan3A_159, %mul3A_207 : i32
      %add3A_209 = arith.constant 6 : i32
      %add3A_210 = arith.addi %mul3A_208, %add3A_209 : i32
      %mul3A_211 = arith.constant 16 : i32
      %mul3A_212 = arith.muli %add3A_210, %mul3A_211 : i32
      %get3A_213 = arith.index_cast %mul3A_212 : i32 to index
      %get3A_214 = tpu.vector_load %arg5[%get3A_213] {strides = array<i32>} : memref<16000xi32, #tpu.memory_space<vmem>>, vector<16xi32>,
      %mul3A_215 = arith.constant 8 : i32
      %mul3A_216 = arith.muli %scan3A_159, %mul3A_215 : i32
      %add3A_217 = arith.constant 7 : i32
      %add3A_218 = arith.addi %mul3A_216, %add3A_217 : i32
      %mul3A_219 = arith.constant 16 : i32
      %mul3A_220 = arith.muli %add3A_218, %mul3A_219 : i32
      %get3A_221 = arith.index_cast %mul3A_220 : i32 to index
      %get3A_222 = tpu.vector_load %arg5[%get3A_221] {strides = array<i32>} : memref<16000xi32, #tpu.memory_space<vmem>>, vector<16xi32>,
      %shift_right_arithmetic3A = arith.constant 14 : i32
      %shift_right_arithmetic3A_223 = vector.broadcast %shift_right_arithmetic3A : i32 to vector<16xi32>
      %shift_right_arithmetic3A_224 = arith.shrsi %get3A_166, %shift_right_arithmetic3A_223 : vector<16xi32>
      %gather3A = tpu.vector_load_idx %arg7[%shift_right_arithmetic3A_224] : memref<10000xf32, #tpu.memory_space<vmem>>[vector<16xi32>], vector<16xf32>,
      %shift_right_arithmetic3A_225 = arith.constant 14 : i32
      %shift_right_arithmetic3A_226 = vector.broadcast %shift_right_arithmetic3A_225 : i32 to vector<16xi32>
      %shift_right_arithmetic3A_227 = arith.shrsi %get3A_174, %shift_right_arithmetic3A_226 : vector<16xi32>
      %gather3A_228 = tpu.vector_load_idx %arg7[%shift_right_arithmetic3A_227] : memref<10000xf32, #tpu.memory_space<vmem>>[vector<16xi32>], vector<16xf32>,
      %shift_right_arithmetic3A_229 = arith.constant 14 : i32
      %shift_right_arithmetic3A_230 = vector.broadcast %shift_right_arithmetic3A_229 : i32 to vector<16xi32>
      %shift_right_arithmetic3A_231 = arith.shrsi %get3A_182, %shift_right_arithmetic3A_230 : vector<16xi32>
      %gather3A_232 = tpu.vector_load_idx %arg7[%shift_right_arithmetic3A_231] : memref<10000xf32, #tpu.memory_space<vmem>>[vector<16xi32>], vector<16xf32>,
      %shift_right_arithmetic3A_233 = arith.constant 14 : i32
      %shift_right_arithmetic3A_234 = vector.broadcast %shift_right_arithmetic3A_233 : i32 to vector<16xi32>
      %shift_right_arithmetic3A_235 = arith.shrsi %get3A_190, %shift_right_arithmetic3A_234 : vector<16xi32>
      %gather3A_236 = tpu.vector_load_idx %arg7[%shift_right_arithmetic3A_235] : memref<10000xf32, #tpu.memory_space<vmem>>[vector<16xi32>], vector<16xf32>,
      %shift_right_arithmetic3A_237 = arith.constant 14 : i32
      %shift_right_arithmetic3A_238 = vector.broadcast %shift_right_arithmetic3A_237 : i32 to vector<16xi32>
      %shift_right_arithmetic3A_239 = arith.shrsi %get3A_198, %shift_right_arithmetic3A_238 : vector<16xi32>
      %gather3A_240 = tpu.vector_load_idx %arg7[%shift_right_arithmetic3A_239] : memref<10000xf32, #tpu.memory_space<vmem>>[vector<16xi32>], vector<16xf32>,
      %shift_right_arithmetic3A_241 = arith.constant 14 : i32
      %shift_right_arithmetic3A_242 = vector.broadcast %shift_right_arithmetic3A_241 : i32 to vector<16xi32>
      %shift_right_arithmetic3A_243 = arith.shrsi %get3A_206, %shift_right_arithmetic3A_242 : vector<16xi32>
      %gather3A_244 = tpu.vector_load_idx %arg7[%shift_right_arithmetic3A_243] : memref<10000xf32, #tpu.memory_space<vmem>>[vector<16xi32>], vector<16xf32>,
      %shift_right_arithmetic3A_245 = arith.constant 14 : i32
      %shift_right_arithmetic3A_246 = vector.broadcast %shift_right_arithmetic3A_245 : i32 to vector<16xi32>
      %shift_right_arithmetic3A_247 = arith.shrsi %get3A_214, %shift_right_arithmetic3A_246 : vector<16xi32>
      %gather3A_248 = tpu.vector_load_idx %arg7[%shift_right_arithmetic3A_247] : memref<10000xf32, #tpu.memory_space<vmem>>[vector<16xi32>], vector<16xf32>,
      %shift_right_arithmetic3A_249 = arith.constant 14 : i32
      %shift_right_arithmetic3A_250 = vector.broadcast %shift_right_arithmetic3A_249 : i32 to vector<16xi32>
      %shift_right_arithmetic3A_251 = arith.shrsi %get3A_222, %shift_right_arithmetic3A_250 : vector<16xi32>
      %gather3A_252 = tpu.vector_load_idx %arg7[%shift_right_arithmetic3A_251] : memref<10000xf32, #tpu.memory_space<vmem>>[vector<16xi32>], vector<16xf32>,
      %and3A = arith.andi %get3A_166, %broadcast_in_dim3A_1 : vector<16xi32>
      tpu.vector_store_idx %arg8[%and3A], %gather3A {add = true} : memref<10000xf32, #tpu.memory_space<vmem>>[vector<16xi32>], vector<16xf32>,
      %and3A_253 = arith.andi %get3A_174, %broadcast_in_dim3A_1 : vector<16xi32>
      tpu.vector_store_idx %arg8[%and3A_253], %gather3A_228 {add = true} : memref<10000xf32, #tpu.memory_space<vmem>>[vector<16xi32>], vector<16xf32>,
      %and3A_254 = arith.andi %get3A_182, %broadcast_in_dim3A_1 : vector<16xi32>
      tpu.vector_store_idx %arg8[%and3A_254], %gather3A_232 {add = true} : memref<10000xf32, #tpu.memory_space<vmem>>[vector<16xi32>], vector<16xf32>,
      %and3A_255 = arith.andi %get3A_190, %broadcast_in_dim3A_1 : vector<16xi32>
      tpu.vector_store_idx %arg8[%and3A_255], %gather3A_236 {add = true} : memref<10000xf32, #tpu.memory_space<vmem>>[vector<16xi32>], vector<16xf32>,
      %and3A_256 = arith.andi %get3A_198, %broadcast_in_dim3A_1 : vector<16xi32>
      tpu.vector_store_idx %arg8[%and3A_256], %gather3A_240 {add = true} : memref<10000xf32, #tpu.memory_space<vmem>>[vector<16xi32>], vector<16xf32>,
      %and3A_257 = arith.andi %get3A_206, %broadcast_in_dim3A_1 : vector<16xi32>
      tpu.vector_store_idx %arg8[%and3A_257], %gather3A_244 {add = true} : memref<10000xf32, #tpu.memory_space<vmem>>[vector<16xi32>], vector<16xf32>,
      %and3A_258 = arith.andi %get3A_214, %broadcast_in_dim3A_1 : vector<16xi32>
      tpu.vector_store_idx %arg8[%and3A_258], %gather3A_248 {add = true} : memref<10000xf32, #tpu.memory_space<vmem>>[vector<16xi32>], vector<16xf32>,
      %and3A_259 = arith.andi %get3A_222, %broadcast_in_dim3A_1 : vector<16xi32>
      tpu.vector_store_idx %arg8[%and3A_259], %gather3A_252 {add = true} : memref<10000xf32, #tpu.memory_space<vmem>>[vector<16xi32>], vector<16xf32>,
    }
    %scan3A_64 = arith.constant 125 : i32
    %dma_start3A_65 = arith.constant 64000 : i32
    %dma_start3A_66 = tpu.memref_slice %arg2[%dma_start3A_65] : memref<160000xi32, #tpu.memory_space<hbm>> -> memref<16000xi32, #tpu.memory_space<hbm>>
    %dma_start3A_67 = arith.constant 64000 : i32
    %dma_start3A_68 = tpu.memref_slice %arg2[%dma_start3A_67] : memref<160000xi32, #tpu.memory_space<hbm>> -> memref<16000xi32, #tpu.memory_space<hbm>>
    tpu.enqueue_dma source(%dma_start3A_68 : memref<16000xi32, #tpu.memory_space<hbm>>) target(%arg5 : memref<16000xi32, #tpu.memory_space<vmem>>) target_semaphore(%arg9 : memref<!tpu.dma_semaphore, #tpu.memory_space<semaphore_mem>>)
    %dma_wait3A_69 = arith.constant 48000 : i32
    %dma_wait3A_70 = tpu.memref_slice %arg2[%dma_wait3A_69] : memref<160000xi32, #tpu.memory_space<hbm>> -> memref<16000xi32, #tpu.memory_space<hbm>>
    %dma_wait3A_71 = arith.constant 48000 : i32
    %dma_wait3A_72 = tpu.memref_slice %arg2[%dma_wait3A_71] : memref<160000xi32, #tpu.memory_space<hbm>> -> memref<16000xi32, #tpu.memory_space<hbm>>
    tpu.wait_dma2 semaphore(%arg10 : memref<!tpu.dma_semaphore, #tpu.memory_space<semaphore_mem>>) src(%dma_wait3A_72 : memref<16000xi32, #tpu.memory_space<hbm>>) dst(%arg6 : memref<16000xi32, #tpu.memory_space<vmem>>)
    %scan3A_73 = arith.constant 0 : i32
    %scan3A_74 = arith.constant 0 : i32
    %scan3A_75 = arith.constant 125 : i32
    %scan3A_76 = arith.addi %scan3A_74, %scan3A_75 : i32
    %scan3A_77 = arith.constant 1 : i32
    scf.for %scan3A_159 = %scan3A_74 to %scan3A_76 step %scan3A_77  : i32 {
      %mul3A_160 = arith.constant 8 : i32
      %mul3A_161 = arith.muli %scan3A_159, %mul3A_160 : i32
      %add3A_162 = arith.constant 0 : i32
      %add3A_163 = arith.addi %mul3A_161, %add3A_162 : i32
      %mul3A_164 = arith.constant 16 : i32
      %mul3A_165 = arith.muli %add3A_163, %mul3A_164 : i32
      %get3A = arith.index_cast %mul3A_165 : i32 to index
      %get3A_166 = tpu.vector_load %arg6[%get3A] {strides = array<i32>} : memref<16000xi32, #tpu.memory_space<vmem>>, vector<16xi32>,
      %mul3A_167 = arith.constant 8 : i32
      %mul3A_168 = arith.muli %scan3A_159, %mul3A_167 : i32
      %add3A_169 = arith.constant 1 : i32
      %add3A_170 = arith.addi %mul3A_168, %add3A_169 : i32
      %mul3A_171 = arith.constant 16 : i32
      %mul3A_172 = arith.muli %add3A_170, %mul3A_171 : i32
      %get3A_173 = arith.index_cast %mul3A_172 : i32 to index
      %get3A_174 = tpu.vector_load %arg6[%get3A_173] {strides = array<i32>} : memref<16000xi32, #tpu.memory_space<vmem>>, vector<16xi32>,
      %mul3A_175 = arith.constant 8 : i32
      %mul3A_176 = arith.muli %scan3A_159, %mul3A_175 : i32
      %add3A_177 = arith.constant 2 : i32
      %add3A_178 = arith.addi %mul3A_176, %add3A_177 : i32
      %mul3A_179 = arith.constant 16 : i32
      %mul3A_180 = arith.muli %add3A_178, %mul3A_179 : i32
      %get3A_181 = arith.index_cast %mul3A_180 : i32 to index
      %get3A_182 = tpu.vector_load %arg6[%get3A_181] {strides = array<i32>} : memref<16000xi32, #tpu.memory_space<vmem>>, vector<16xi32>,
      %mul3A_183 = arith.constant 8 : i32
      %mul3A_184 = arith.muli %scan3A_159, %mul3A_183 : i32
      %add3A_185 = arith.constant 3 : i32
      %add3A_186 = arith.addi %mul3A_184, %add3A_185 : i32
      %mul3A_187 = arith.constant 16 : i32
      %mul3A_188 = arith.muli %add3A_186, %mul3A_187 : i32
      %get3A_189 = arith.index_cast %mul3A_188 : i32 to index
      %get3A_190 = tpu.vector_load %arg6[%get3A_189] {strides = array<i32>} : memref<16000xi32, #tpu.memory_space<vmem>>, vector<16xi32>,
      %mul3A_191 = arith.constant 8 : i32
      %mul3A_192 = arith.muli %scan3A_159, %mul3A_191 : i32
      %add3A_193 = arith.constant 4 : i32
      %add3A_194 = arith.addi %mul3A_192, %add3A_193 : i32
      %mul3A_195 = arith.constant 16 : i32
      %mul3A_196 = arith.muli %add3A_194, %mul3A_195 : i32
      %get3A_197 = arith.index_cast %mul3A_196 : i32 to index
      %get3A_198 = tpu.vector_load %arg6[%get3A_197] {strides = array<i32>} : memref<16000xi32, #tpu.memory_space<vmem>>, vector<16xi32>,
      %mul3A_199 = arith.constant 8 : i32
      %mul3A_200 = arith.muli %scan3A_159, %mul3A_199 : i32
      %add3A_201 = arith.constant 5 : i32
      %add3A_202 = arith.addi %mul3A_200, %add3A_201 : i32
      %mul3A_203 = arith.constant 16 : i32
      %mul3A_204 = arith.muli %add3A_202, %mul3A_203 : i32
      %get3A_205 = arith.index_cast %mul3A_204 : i32 to index
      %get3A_206 = tpu.vector_load %arg6[%get3A_205] {strides = array<i32>} : memref<16000xi32, #tpu.memory_space<vmem>>, vector<16xi32>,
      %mul3A_207 = arith.constant 8 : i32
      %mul3A_208 = arith.muli %scan3A_159, %mul3A_207 : i32
      %add3A_209 = arith.constant 6 : i32
      %add3A_210 = arith.addi %mul3A_208, %add3A_209 : i32
      %mul3A_211 = arith.constant 16 : i32
      %mul3A_212 = arith.muli %add3A_210, %mul3A_211 : i32
      %get3A_213 = arith.index_cast %mul3A_212 : i32 to index
      %get3A_214 = tpu.vector_load %arg6[%get3A_213] {strides = array<i32>} : memref<16000xi32, #tpu.memory_space<vmem>>, vector<16xi32>,
      %mul3A_215 = arith.constant 8 : i32
      %mul3A_216 = arith.muli %scan3A_159, %mul3A_215 : i32
      %add3A_217 = arith.constant 7 : i32
      %add3A_218 = arith.addi %mul3A_216, %add3A_217 : i32
      %mul3A_219 = arith.constant 16 : i32
      %mul3A_220 = arith.muli %add3A_218, %mul3A_219 : i32
      %get3A_221 = arith.index_cast %mul3A_220 : i32 to index
      %get3A_222 = tpu.vector_load %arg6[%get3A_221] {strides = array<i32>} : memref<16000xi32, #tpu.memory_space<vmem>>, vector<16xi32>,
      %shift_right_arithmetic3A = arith.constant 14 : i32
      %shift_right_arithmetic3A_223 = vector.broadcast %shift_right_arithmetic3A : i32 to vector<16xi32>
      %shift_right_arithmetic3A_224 = arith.shrsi %get3A_166, %shift_right_arithmetic3A_223 : vector<16xi32>
      %gather3A = tpu.vector_load_idx %arg7[%shift_right_arithmetic3A_224] : memref<10000xf32, #tpu.memory_space<vmem>>[vector<16xi32>], vector<16xf32>,
      %shift_right_arithmetic3A_225 = arith.constant 14 : i32
      %shift_right_arithmetic3A_226 = vector.broadcast %shift_right_arithmetic3A_225 : i32 to vector<16xi32>
      %shift_right_arithmetic3A_227 = arith.shrsi %get3A_174, %shift_right_arithmetic3A_226 : vector<16xi32>
      %gather3A_228 = tpu.vector_load_idx %arg7[%shift_right_arithmetic3A_227] : memref<10000xf32, #tpu.memory_space<vmem>>[vector<16xi32>], vector<16xf32>,
      %shift_right_arithmetic3A_229 = arith.constant 14 : i32
      %shift_right_arithmetic3A_230 = vector.broadcast %shift_right_arithmetic3A_229 : i32 to vector<16xi32>
      %shift_right_arithmetic3A_231 = arith.shrsi %get3A_182, %shift_right_arithmetic3A_230 : vector<16xi32>
      %gather3A_232 = tpu.vector_load_idx %arg7[%shift_right_arithmetic3A_231] : memref<10000xf32, #tpu.memory_space<vmem>>[vector<16xi32>], vector<16xf32>,
      %shift_right_arithmetic3A_233 = arith.constant 14 : i32
      %shift_right_arithmetic3A_234 = vector.broadcast %shift_right_arithmetic3A_233 : i32 to vector<16xi32>
      %shift_right_arithmetic3A_235 = arith.shrsi %get3A_190, %shift_right_arithmetic3A_234 : vector<16xi32>
      %gather3A_236 = tpu.vector_load_idx %arg7[%shift_right_arithmetic3A_235] : memref<10000xf32, #tpu.memory_space<vmem>>[vector<16xi32>], vector<16xf32>,
      %shift_right_arithmetic3A_237 = arith.constant 14 : i32
      %shift_right_arithmetic3A_238 = vector.broadcast %shift_right_arithmetic3A_237 : i32 to vector<16xi32>
      %shift_right_arithmetic3A_239 = arith.shrsi %get3A_198, %shift_right_arithmetic3A_238 : vector<16xi32>
      %gather3A_240 = tpu.vector_load_idx %arg7[%shift_right_arithmetic3A_239] : memref<10000xf32, #tpu.memory_space<vmem>>[vector<16xi32>], vector<16xf32>,
      %shift_right_arithmetic3A_241 = arith.constant 14 : i32
      %shift_right_arithmetic3A_242 = vector.broadcast %shift_right_arithmetic3A_241 : i32 to vector<16xi32>
      %shift_right_arithmetic3A_243 = arith.shrsi %get3A_206, %shift_right_arithmetic3A_242 : vector<16xi32>
      %gather3A_244 = tpu.vector_load_idx %arg7[%shift_right_arithmetic3A_243] : memref<10000xf32, #tpu.memory_space<vmem>>[vector<16xi32>], vector<16xf32>,
      %shift_right_arithmetic3A_245 = arith.constant 14 : i32
      %shift_right_arithmetic3A_246 = vector.broadcast %shift_right_arithmetic3A_245 : i32 to vector<16xi32>
      %shift_right_arithmetic3A_247 = arith.shrsi %get3A_214, %shift_right_arithmetic3A_246 : vector<16xi32>
      %gather3A_248 = tpu.vector_load_idx %arg7[%shift_right_arithmetic3A_247] : memref<10000xf32, #tpu.memory_space<vmem>>[vector<16xi32>], vector<16xf32>,
      %shift_right_arithmetic3A_249 = arith.constant 14 : i32
      %shift_right_arithmetic3A_250 = vector.broadcast %shift_right_arithmetic3A_249 : i32 to vector<16xi32>
      %shift_right_arithmetic3A_251 = arith.shrsi %get3A_222, %shift_right_arithmetic3A_250 : vector<16xi32>
      %gather3A_252 = tpu.vector_load_idx %arg7[%shift_right_arithmetic3A_251] : memref<10000xf32, #tpu.memory_space<vmem>>[vector<16xi32>], vector<16xf32>,
      %and3A = arith.andi %get3A_166, %broadcast_in_dim3A_1 : vector<16xi32>
      tpu.vector_store_idx %arg8[%and3A], %gather3A {add = true} : memref<10000xf32, #tpu.memory_space<vmem>>[vector<16xi32>], vector<16xf32>,
      %and3A_253 = arith.andi %get3A_174, %broadcast_in_dim3A_1 : vector<16xi32>
      tpu.vector_store_idx %arg8[%and3A_253], %gather3A_228 {add = true} : memref<10000xf32, #tpu.memory_space<vmem>>[vector<16xi32>], vector<16xf32>,
      %and3A_254 = arith.andi %get3A_182, %broadcast_in_dim3A_1 : vector<16xi32>
      tpu.vector_store_idx %arg8[%and3A_254], %gather3A_232 {add = true} : memref<10000xf32, #tpu.memory_space<vmem>>[vector<16xi32>], vector<16xf32>,
      %and3A_255 = arith.andi %get3A_190, %broadcast_in_dim3A_1 : vector<16xi32>
      tpu.vector_store_idx %arg8[%and3A_255], %gather3A_236 {add = true} : memref<10000xf32, #tpu.memory_space<vmem>>[vector<16xi32>], vector<16xf32>,
      %and3A_256 = arith.andi %get3A_198, %broadcast_in_dim3A_1 : vector<16xi32>
      tpu.vector_store_idx %arg8[%and3A_256], %gather3A_240 {add = true} : memref<10000xf32, #tpu.memory_space<vmem>>[vector<16xi32>], vector<16xf32>,
      %and3A_257 = arith.andi %get3A_206, %broadcast_in_dim3A_1 : vector<16xi32>
      tpu.vector_store_idx %arg8[%and3A_257], %gather3A_244 {add = true} : memref<10000xf32, #tpu.memory_space<vmem>>[vector<16xi32>], vector<16xf32>,
      %and3A_258 = arith.andi %get3A_214, %broadcast_in_dim3A_1 : vector<16xi32>
      tpu.vector_store_idx %arg8[%and3A_258], %gather3A_248 {add = true} : memref<10000xf32, #tpu.memory_space<vmem>>[vector<16xi32>], vector<16xf32>,
      %and3A_259 = arith.andi %get3A_222, %broadcast_in_dim3A_1 : vector<16xi32>
      tpu.vector_store_idx %arg8[%and3A_259], %gather3A_252 {add = true} : memref<10000xf32, #tpu.memory_space<vmem>>[vector<16xi32>], vector<16xf32>,
    }
    %scan3A_78 = arith.constant 125 : i32
    %dma_start3A_79 = arith.constant 80000 : i32
    %dma_start3A_80 = tpu.memref_slice %arg2[%dma_start3A_79] : memref<160000xi32, #tpu.memory_space<hbm>> -> memref<16000xi32, #tpu.memory_space<hbm>>
    %dma_start3A_81 = arith.constant 80000 : i32
    %dma_start3A_82 = tpu.memref_slice %arg2[%dma_start3A_81] : memref<160000xi32, #tpu.memory_space<hbm>> -> memref<16000xi32, #tpu.memory_space<hbm>>
    tpu.enqueue_dma source(%dma_start3A_82 : memref<16000xi32, #tpu.memory_space<hbm>>) target(%arg6 : memref<16000xi32, #tpu.memory_space<vmem>>) target_semaphore(%arg10 : memref<!tpu.dma_semaphore, #tpu.memory_space<semaphore_mem>>)
    %dma_wait3A_83 = arith.constant 64000 : i32
    %dma_wait3A_84 = tpu.memref_slice %arg2[%dma_wait3A_83] : memref<160000xi32, #tpu.memory_space<hbm>> -> memref<16000xi32, #tpu.memory_space<hbm>>
    %dma_wait3A_85 = arith.constant 64000 : i32
    %dma_wait3A_86 = tpu.memref_slice %arg2[%dma_wait3A_85] : memref<160000xi32, #tpu.memory_space<hbm>> -> memref<16000xi32, #tpu.memory_space<hbm>>
    tpu.wait_dma2 semaphore(%arg9 : memref<!tpu.dma_semaphore, #tpu.memory_space<semaphore_mem>>) src(%dma_wait3A_86 : memref<16000xi32, #tpu.memory_space<hbm>>) dst(%arg5 : memref<16000xi32, #tpu.memory_space<vmem>>)
    %scan3A_87 = arith.constant 0 : i32
    %scan3A_88 = arith.constant 0 : i32
    %scan3A_89 = arith.constant 125 : i32
    %scan3A_90 = arith.addi %scan3A_88, %scan3A_89 : i32
    %scan3A_91 = arith.constant 1 : i32
    scf.for %scan3A_159 = %scan3A_88 to %scan3A_90 step %scan3A_91  : i32 {
      %mul3A_160 = arith.constant 8 : i32
      %mul3A_161 = arith.muli %scan3A_159, %mul3A_160 : i32
      %add3A_162 = arith.constant 0 : i32
      %add3A_163 = arith.addi %mul3A_161, %add3A_162 : i32
      %mul3A_164 = arith.constant 16 : i32
      %mul3A_165 = arith.muli %add3A_163, %mul3A_164 : i32
      %get3A = arith.index_cast %mul3A_165 : i32 to index
      %get3A_166 = tpu.vector_load %arg5[%get3A] {strides = array<i32>} : memref<16000xi32, #tpu.memory_space<vmem>>, vector<16xi32>,
      %mul3A_167 = arith.constant 8 : i32
      %mul3A_168 = arith.muli %scan3A_159, %mul3A_167 : i32
      %add3A_169 = arith.constant 1 : i32
      %add3A_170 = arith.addi %mul3A_168, %add3A_169 : i32
      %mul3A_171 = arith.constant 16 : i32
      %mul3A_172 = arith.muli %add3A_170, %mul3A_171 : i32
      %get3A_173 = arith.index_cast %mul3A_172 : i32 to index
      %get3A_174 = tpu.vector_load %arg5[%get3A_173] {strides = array<i32>} : memref<16000xi32, #tpu.memory_space<vmem>>, vector<16xi32>,
      %mul3A_175 = arith.constant 8 : i32
      %mul3A_176 = arith.muli %scan3A_159, %mul3A_175 : i32
      %add3A_177 = arith.constant 2 : i32
      %add3A_178 = arith.addi %mul3A_176, %add3A_177 : i32
      %mul3A_179 = arith.constant 16 : i32
      %mul3A_180 = arith.muli %add3A_178, %mul3A_179 : i32
      %get3A_181 = arith.index_cast %mul3A_180 : i32 to index
      %get3A_182 = tpu.vector_load %arg5[%get3A_181] {strides = array<i32>} : memref<16000xi32, #tpu.memory_space<vmem>>, vector<16xi32>,
      %mul3A_183 = arith.constant 8 : i32
      %mul3A_184 = arith.muli %scan3A_159, %mul3A_183 : i32
      %add3A_185 = arith.constant 3 : i32
      %add3A_186 = arith.addi %mul3A_184, %add3A_185 : i32
      %mul3A_187 = arith.constant 16 : i32
      %mul3A_188 = arith.muli %add3A_186, %mul3A_187 : i32
      %get3A_189 = arith.index_cast %mul3A_188 : i32 to index
      %get3A_190 = tpu.vector_load %arg5[%get3A_189] {strides = array<i32>} : memref<16000xi32, #tpu.memory_space<vmem>>, vector<16xi32>,
      %mul3A_191 = arith.constant 8 : i32
      %mul3A_192 = arith.muli %scan3A_159, %mul3A_191 : i32
      %add3A_193 = arith.constant 4 : i32
      %add3A_194 = arith.addi %mul3A_192, %add3A_193 : i32
      %mul3A_195 = arith.constant 16 : i32
      %mul3A_196 = arith.muli %add3A_194, %mul3A_195 : i32
      %get3A_197 = arith.index_cast %mul3A_196 : i32 to index
      %get3A_198 = tpu.vector_load %arg5[%get3A_197] {strides = array<i32>} : memref<16000xi32, #tpu.memory_space<vmem>>, vector<16xi32>,
      %mul3A_199 = arith.constant 8 : i32
      %mul3A_200 = arith.muli %scan3A_159, %mul3A_199 : i32
      %add3A_201 = arith.constant 5 : i32
      %add3A_202 = arith.addi %mul3A_200, %add3A_201 : i32
      %mul3A_203 = arith.constant 16 : i32
      %mul3A_204 = arith.muli %add3A_202, %mul3A_203 : i32
      %get3A_205 = arith.index_cast %mul3A_204 : i32 to index
      %get3A_206 = tpu.vector_load %arg5[%get3A_205] {strides = array<i32>} : memref<16000xi32, #tpu.memory_space<vmem>>, vector<16xi32>,
      %mul3A_207 = arith.constant 8 : i32
      %mul3A_208 = arith.muli %scan3A_159, %mul3A_207 : i32
      %add3A_209 = arith.constant 6 : i32
      %add3A_210 = arith.addi %mul3A_208, %add3A_209 : i32
      %mul3A_211 = arith.constant 16 : i32
      %mul3A_212 = arith.muli %add3A_210, %mul3A_211 : i32
      %get3A_213 = arith.index_cast %mul3A_212 : i32 to index
      %get3A_214 = tpu.vector_load %arg5[%get3A_213] {strides = array<i32>} : memref<16000xi32, #tpu.memory_space<vmem>>, vector<16xi32>,
      %mul3A_215 = arith.constant 8 : i32
      %mul3A_216 = arith.muli %scan3A_159, %mul3A_215 : i32
      %add3A_217 = arith.constant 7 : i32
      %add3A_218 = arith.addi %mul3A_216, %add3A_217 : i32
      %mul3A_219 = arith.constant 16 : i32
      %mul3A_220 = arith.muli %add3A_218, %mul3A_219 : i32
      %get3A_221 = arith.index_cast %mul3A_220 : i32 to index
      %get3A_222 = tpu.vector_load %arg5[%get3A_221] {strides = array<i32>} : memref<16000xi32, #tpu.memory_space<vmem>>, vector<16xi32>,
      %shift_right_arithmetic3A = arith.constant 14 : i32
      %shift_right_arithmetic3A_223 = vector.broadcast %shift_right_arithmetic3A : i32 to vector<16xi32>
      %shift_right_arithmetic3A_224 = arith.shrsi %get3A_166, %shift_right_arithmetic3A_223 : vector<16xi32>
      %gather3A = tpu.vector_load_idx %arg7[%shift_right_arithmetic3A_224] : memref<10000xf32, #tpu.memory_space<vmem>>[vector<16xi32>], vector<16xf32>,
      %shift_right_arithmetic3A_225 = arith.constant 14 : i32
      %shift_right_arithmetic3A_226 = vector.broadcast %shift_right_arithmetic3A_225 : i32 to vector<16xi32>
      %shift_right_arithmetic3A_227 = arith.shrsi %get3A_174, %shift_right_arithmetic3A_226 : vector<16xi32>
      %gather3A_228 = tpu.vector_load_idx %arg7[%shift_right_arithmetic3A_227] : memref<10000xf32, #tpu.memory_space<vmem>>[vector<16xi32>], vector<16xf32>,
      %shift_right_arithmetic3A_229 = arith.constant 14 : i32
      %shift_right_arithmetic3A_230 = vector.broadcast %shift_right_arithmetic3A_229 : i32 to vector<16xi32>
      %shift_right_arithmetic3A_231 = arith.shrsi %get3A_182, %shift_right_arithmetic3A_230 : vector<16xi32>
      %gather3A_232 = tpu.vector_load_idx %arg7[%shift_right_arithmetic3A_231] : memref<10000xf32, #tpu.memory_space<vmem>>[vector<16xi32>], vector<16xf32>,
      %shift_right_arithmetic3A_233 = arith.constant 14 : i32
      %shift_right_arithmetic3A_234 = vector.broadcast %shift_right_arithmetic3A_233 : i32 to vector<16xi32>
      %shift_right_arithmetic3A_235 = arith.shrsi %get3A_190, %shift_right_arithmetic3A_234 : vector<16xi32>
      %gather3A_236 = tpu.vector_load_idx %arg7[%shift_right_arithmetic3A_235] : memref<10000xf32, #tpu.memory_space<vmem>>[vector<16xi32>], vector<16xf32>,
      %shift_right_arithmetic3A_237 = arith.constant 14 : i32
      %shift_right_arithmetic3A_238 = vector.broadcast %shift_right_arithmetic3A_237 : i32 to vector<16xi32>
      %shift_right_arithmetic3A_239 = arith.shrsi %get3A_198, %shift_right_arithmetic3A_238 : vector<16xi32>
      %gather3A_240 = tpu.vector_load_idx %arg7[%shift_right_arithmetic3A_239] : memref<10000xf32, #tpu.memory_space<vmem>>[vector<16xi32>], vector<16xf32>,
      %shift_right_arithmetic3A_241 = arith.constant 14 : i32
      %shift_right_arithmetic3A_242 = vector.broadcast %shift_right_arithmetic3A_241 : i32 to vector<16xi32>
      %shift_right_arithmetic3A_243 = arith.shrsi %get3A_206, %shift_right_arithmetic3A_242 : vector<16xi32>
      %gather3A_244 = tpu.vector_load_idx %arg7[%shift_right_arithmetic3A_243] : memref<10000xf32, #tpu.memory_space<vmem>>[vector<16xi32>], vector<16xf32>,
      %shift_right_arithmetic3A_245 = arith.constant 14 : i32
      %shift_right_arithmetic3A_246 = vector.broadcast %shift_right_arithmetic3A_245 : i32 to vector<16xi32>
      %shift_right_arithmetic3A_247 = arith.shrsi %get3A_214, %shift_right_arithmetic3A_246 : vector<16xi32>
      %gather3A_248 = tpu.vector_load_idx %arg7[%shift_right_arithmetic3A_247] : memref<10000xf32, #tpu.memory_space<vmem>>[vector<16xi32>], vector<16xf32>,
      %shift_right_arithmetic3A_249 = arith.constant 14 : i32
      %shift_right_arithmetic3A_250 = vector.broadcast %shift_right_arithmetic3A_249 : i32 to vector<16xi32>
      %shift_right_arithmetic3A_251 = arith.shrsi %get3A_222, %shift_right_arithmetic3A_250 : vector<16xi32>
      %gather3A_252 = tpu.vector_load_idx %arg7[%shift_right_arithmetic3A_251] : memref<10000xf32, #tpu.memory_space<vmem>>[vector<16xi32>], vector<16xf32>,
      %and3A = arith.andi %get3A_166, %broadcast_in_dim3A_1 : vector<16xi32>
      tpu.vector_store_idx %arg8[%and3A], %gather3A {add = true} : memref<10000xf32, #tpu.memory_space<vmem>>[vector<16xi32>], vector<16xf32>,
      %and3A_253 = arith.andi %get3A_174, %broadcast_in_dim3A_1 : vector<16xi32>
      tpu.vector_store_idx %arg8[%and3A_253], %gather3A_228 {add = true} : memref<10000xf32, #tpu.memory_space<vmem>>[vector<16xi32>], vector<16xf32>,
      %and3A_254 = arith.andi %get3A_182, %broadcast_in_dim3A_1 : vector<16xi32>
      tpu.vector_store_idx %arg8[%and3A_254], %gather3A_232 {add = true} : memref<10000xf32, #tpu.memory_space<vmem>>[vector<16xi32>], vector<16xf32>,
      %and3A_255 = arith.andi %get3A_190, %broadcast_in_dim3A_1 : vector<16xi32>
      tpu.vector_store_idx %arg8[%and3A_255], %gather3A_236 {add = true} : memref<10000xf32, #tpu.memory_space<vmem>>[vector<16xi32>], vector<16xf32>,
      %and3A_256 = arith.andi %get3A_198, %broadcast_in_dim3A_1 : vector<16xi32>
      tpu.vector_store_idx %arg8[%and3A_256], %gather3A_240 {add = true} : memref<10000xf32, #tpu.memory_space<vmem>>[vector<16xi32>], vector<16xf32>,
      %and3A_257 = arith.andi %get3A_206, %broadcast_in_dim3A_1 : vector<16xi32>
      tpu.vector_store_idx %arg8[%and3A_257], %gather3A_244 {add = true} : memref<10000xf32, #tpu.memory_space<vmem>>[vector<16xi32>], vector<16xf32>,
      %and3A_258 = arith.andi %get3A_214, %broadcast_in_dim3A_1 : vector<16xi32>
      tpu.vector_store_idx %arg8[%and3A_258], %gather3A_248 {add = true} : memref<10000xf32, #tpu.memory_space<vmem>>[vector<16xi32>], vector<16xf32>,
      %and3A_259 = arith.andi %get3A_222, %broadcast_in_dim3A_1 : vector<16xi32>
      tpu.vector_store_idx %arg8[%and3A_259], %gather3A_252 {add = true} : memref<10000xf32, #tpu.memory_space<vmem>>[vector<16xi32>], vector<16xf32>,
    }
    %scan3A_92 = arith.constant 125 : i32
    %dma_start3A_93 = arith.constant 96000 : i32
    %dma_start3A_94 = tpu.memref_slice %arg2[%dma_start3A_93] : memref<160000xi32, #tpu.memory_space<hbm>> -> memref<16000xi32, #tpu.memory_space<hbm>>
    %dma_start3A_95 = arith.constant 96000 : i32
    %dma_start3A_96 = tpu.memref_slice %arg2[%dma_start3A_95] : memref<160000xi32, #tpu.memory_space<hbm>> -> memref<16000xi32, #tpu.memory_space<hbm>>
    tpu.enqueue_dma source(%dma_start3A_96 : memref<16000xi32, #tpu.memory_space<hbm>>) target(%arg5 : memref<16000xi32, #tpu.memory_space<vmem>>) target_semaphore(%arg9 : memref<!tpu.dma_semaphore, #tpu.memory_space<semaphore_mem>>)
    %dma_wait3A_97 = arith.constant 80000 : i32
    %dma_wait3A_98 = tpu.memref_slice %arg2[%dma_wait3A_97] : memref<160000xi32, #tpu.memory_space<hbm>> -> memref<16000xi32, #tpu.memory_space<hbm>>
    %dma_wait3A_99 = arith.constant 80000 : i32
    %dma_wait3A_100 = tpu.memref_slice %arg2[%dma_wait3A_99] : memref<160000xi32, #tpu.memory_space<hbm>> -> memref<16000xi32, #tpu.memory_space<hbm>>
    tpu.wait_dma2 semaphore(%arg10 : memref<!tpu.dma_semaphore, #tpu.memory_space<semaphore_mem>>) src(%dma_wait3A_100 : memref<16000xi32, #tpu.memory_space<hbm>>) dst(%arg6 : memref<16000xi32, #tpu.memory_space<vmem>>)
    %scan3A_101 = arith.constant 0 : i32
    %scan3A_102 = arith.constant 0 : i32
    %scan3A_103 = arith.constant 125 : i32
    %scan3A_104 = arith.addi %scan3A_102, %scan3A_103 : i32
    %scan3A_105 = arith.constant 1 : i32
    scf.for %scan3A_159 = %scan3A_102 to %scan3A_104 step %scan3A_105  : i32 {
      %mul3A_160 = arith.constant 8 : i32
      %mul3A_161 = arith.muli %scan3A_159, %mul3A_160 : i32
      %add3A_162 = arith.constant 0 : i32
      %add3A_163 = arith.addi %mul3A_161, %add3A_162 : i32
      %mul3A_164 = arith.constant 16 : i32
      %mul3A_165 = arith.muli %add3A_163, %mul3A_164 : i32
      %get3A = arith.index_cast %mul3A_165 : i32 to index
      %get3A_166 = tpu.vector_load %arg6[%get3A] {strides = array<i32>} : memref<16000xi32, #tpu.memory_space<vmem>>, vector<16xi32>,
      %mul3A_167 = arith.constant 8 : i32
      %mul3A_168 = arith.muli %scan3A_159, %mul3A_167 : i32
      %add3A_169 = arith.constant 1 : i32
      %add3A_170 = arith.addi %mul3A_168, %add3A_169 : i32
      %mul3A_171 = arith.constant 16 : i32
      %mul3A_172 = arith.muli %add3A_170, %mul3A_171 : i32
      %get3A_173 = arith.index_cast %mul3A_172 : i32 to index
      %get3A_174 = tpu.vector_load %arg6[%get3A_173] {strides = array<i32>} : memref<16000xi32, #tpu.memory_space<vmem>>, vector<16xi32>,
      %mul3A_175 = arith.constant 8 : i32
      %mul3A_176 = arith.muli %scan3A_159, %mul3A_175 : i32
      %add3A_177 = arith.constant 2 : i32
      %add3A_178 = arith.addi %mul3A_176, %add3A_177 : i32
      %mul3A_179 = arith.constant 16 : i32
      %mul3A_180 = arith.muli %add3A_178, %mul3A_179 : i32
      %get3A_181 = arith.index_cast %mul3A_180 : i32 to index
      %get3A_182 = tpu.vector_load %arg6[%get3A_181] {strides = array<i32>} : memref<16000xi32, #tpu.memory_space<vmem>>, vector<16xi32>,
      %mul3A_183 = arith.constant 8 : i32
      %mul3A_184 = arith.muli %scan3A_159, %mul3A_183 : i32
      %add3A_185 = arith.constant 3 : i32
      %add3A_186 = arith.addi %mul3A_184, %add3A_185 : i32
      %mul3A_187 = arith.constant 16 : i32
      %mul3A_188 = arith.muli %add3A_186, %mul3A_187 : i32
      %get3A_189 = arith.index_cast %mul3A_188 : i32 to index
      %get3A_190 = tpu.vector_load %arg6[%get3A_189] {strides = array<i32>} : memref<16000xi32, #tpu.memory_space<vmem>>, vector<16xi32>,
      %mul3A_191 = arith.constant 8 : i32
      %mul3A_192 = arith.muli %scan3A_159, %mul3A_191 : i32
      %add3A_193 = arith.constant 4 : i32
      %add3A_194 = arith.addi %mul3A_192, %add3A_193 : i32
      %mul3A_195 = arith.constant 16 : i32
      %mul3A_196 = arith.muli %add3A_194, %mul3A_195 : i32
      %get3A_197 = arith.index_cast %mul3A_196 : i32 to index
      %get3A_198 = tpu.vector_load %arg6[%get3A_197] {strides = array<i32>} : memref<16000xi32, #tpu.memory_space<vmem>>, vector<16xi32>,
      %mul3A_199 = arith.constant 8 : i32
      %mul3A_200 = arith.muli %scan3A_159, %mul3A_199 : i32
      %add3A_201 = arith.constant 5 : i32
      %add3A_202 = arith.addi %mul3A_200, %add3A_201 : i32
      %mul3A_203 = arith.constant 16 : i32
      %mul3A_204 = arith.muli %add3A_202, %mul3A_203 : i32
      %get3A_205 = arith.index_cast %mul3A_204 : i32 to index
      %get3A_206 = tpu.vector_load %arg6[%get3A_205] {strides = array<i32>} : memref<16000xi32, #tpu.memory_space<vmem>>, vector<16xi32>,
      %mul3A_207 = arith.constant 8 : i32
      %mul3A_208 = arith.muli %scan3A_159, %mul3A_207 : i32
      %add3A_209 = arith.constant 6 : i32
      %add3A_210 = arith.addi %mul3A_208, %add3A_209 : i32
      %mul3A_211 = arith.constant 16 : i32
      %mul3A_212 = arith.muli %add3A_210, %mul3A_211 : i32
      %get3A_213 = arith.index_cast %mul3A_212 : i32 to index
      %get3A_214 = tpu.vector_load %arg6[%get3A_213] {strides = array<i32>} : memref<16000xi32, #tpu.memory_space<vmem>>, vector<16xi32>,
      %mul3A_215 = arith.constant 8 : i32
      %mul3A_216 = arith.muli %scan3A_159, %mul3A_215 : i32
      %add3A_217 = arith.constant 7 : i32
      %add3A_218 = arith.addi %mul3A_216, %add3A_217 : i32
      %mul3A_219 = arith.constant 16 : i32
      %mul3A_220 = arith.muli %add3A_218, %mul3A_219 : i32
      %get3A_221 = arith.index_cast %mul3A_220 : i32 to index
      %get3A_222 = tpu.vector_load %arg6[%get3A_221] {strides = array<i32>} : memref<16000xi32, #tpu.memory_space<vmem>>, vector<16xi32>,
      %shift_right_arithmetic3A = arith.constant 14 : i32
      %shift_right_arithmetic3A_223 = vector.broadcast %shift_right_arithmetic3A : i32 to vector<16xi32>
      %shift_right_arithmetic3A_224 = arith.shrsi %get3A_166, %shift_right_arithmetic3A_223 : vector<16xi32>
      %gather3A = tpu.vector_load_idx %arg7[%shift_right_arithmetic3A_224] : memref<10000xf32, #tpu.memory_space<vmem>>[vector<16xi32>], vector<16xf32>,
      %shift_right_arithmetic3A_225 = arith.constant 14 : i32
      %shift_right_arithmetic3A_226 = vector.broadcast %shift_right_arithmetic3A_225 : i32 to vector<16xi32>
      %shift_right_arithmetic3A_227 = arith.shrsi %get3A_174, %shift_right_arithmetic3A_226 : vector<16xi32>
      %gather3A_228 = tpu.vector_load_idx %arg7[%shift_right_arithmetic3A_227] : memref<10000xf32, #tpu.memory_space<vmem>>[vector<16xi32>], vector<16xf32>,
      %shift_right_arithmetic3A_229 = arith.constant 14 : i32
      %shift_right_arithmetic3A_230 = vector.broadcast %shift_right_arithmetic3A_229 : i32 to vector<16xi32>
      %shift_right_arithmetic3A_231 = arith.shrsi %get3A_182, %shift_right_arithmetic3A_230 : vector<16xi32>
      %gather3A_232 = tpu.vector_load_idx %arg7[%shift_right_arithmetic3A_231] : memref<10000xf32, #tpu.memory_space<vmem>>[vector<16xi32>], vector<16xf32>,
      %shift_right_arithmetic3A_233 = arith.constant 14 : i32
      %shift_right_arithmetic3A_234 = vector.broadcast %shift_right_arithmetic3A_233 : i32 to vector<16xi32>
      %shift_right_arithmetic3A_235 = arith.shrsi %get3A_190, %shift_right_arithmetic3A_234 : vector<16xi32>
      %gather3A_236 = tpu.vector_load_idx %arg7[%shift_right_arithmetic3A_235] : memref<10000xf32, #tpu.memory_space<vmem>>[vector<16xi32>], vector<16xf32>,
      %shift_right_arithmetic3A_237 = arith.constant 14 : i32
      %shift_right_arithmetic3A_238 = vector.broadcast %shift_right_arithmetic3A_237 : i32 to vector<16xi32>
      %shift_right_arithmetic3A_239 = arith.shrsi %get3A_198, %shift_right_arithmetic3A_238 : vector<16xi32>
      %gather3A_240 = tpu.vector_load_idx %arg7[%shift_right_arithmetic3A_239] : memref<10000xf32, #tpu.memory_space<vmem>>[vector<16xi32>], vector<16xf32>,
      %shift_right_arithmetic3A_241 = arith.constant 14 : i32
      %shift_right_arithmetic3A_242 = vector.broadcast %shift_right_arithmetic3A_241 : i32 to vector<16xi32>
      %shift_right_arithmetic3A_243 = arith.shrsi %get3A_206, %shift_right_arithmetic3A_242 : vector<16xi32>
      %gather3A_244 = tpu.vector_load_idx %arg7[%shift_right_arithmetic3A_243] : memref<10000xf32, #tpu.memory_space<vmem>>[vector<16xi32>], vector<16xf32>,
      %shift_right_arithmetic3A_245 = arith.constant 14 : i32
      %shift_right_arithmetic3A_246 = vector.broadcast %shift_right_arithmetic3A_245 : i32 to vector<16xi32>
      %shift_right_arithmetic3A_247 = arith.shrsi %get3A_214, %shift_right_arithmetic3A_246 : vector<16xi32>
      %gather3A_248 = tpu.vector_load_idx %arg7[%shift_right_arithmetic3A_247] : memref<10000xf32, #tpu.memory_space<vmem>>[vector<16xi32>], vector<16xf32>,
      %shift_right_arithmetic3A_249 = arith.constant 14 : i32
      %shift_right_arithmetic3A_250 = vector.broadcast %shift_right_arithmetic3A_249 : i32 to vector<16xi32>
      %shift_right_arithmetic3A_251 = arith.shrsi %get3A_222, %shift_right_arithmetic3A_250 : vector<16xi32>
      %gather3A_252 = tpu.vector_load_idx %arg7[%shift_right_arithmetic3A_251] : memref<10000xf32, #tpu.memory_space<vmem>>[vector<16xi32>], vector<16xf32>,
      %and3A = arith.andi %get3A_166, %broadcast_in_dim3A_1 : vector<16xi32>
      tpu.vector_store_idx %arg8[%and3A], %gather3A {add = true} : memref<10000xf32, #tpu.memory_space<vmem>>[vector<16xi32>], vector<16xf32>,
      %and3A_253 = arith.andi %get3A_174, %broadcast_in_dim3A_1 : vector<16xi32>
      tpu.vector_store_idx %arg8[%and3A_253], %gather3A_228 {add = true} : memref<10000xf32, #tpu.memory_space<vmem>>[vector<16xi32>], vector<16xf32>,
      %and3A_254 = arith.andi %get3A_182, %broadcast_in_dim3A_1 : vector<16xi32>
      tpu.vector_store_idx %arg8[%and3A_254], %gather3A_232 {add = true} : memref<10000xf32, #tpu.memory_space<vmem>>[vector<16xi32>], vector<16xf32>,
      %and3A_255 = arith.andi %get3A_190, %broadcast_in_dim3A_1 : vector<16xi32>
      tpu.vector_store_idx %arg8[%and3A_255], %gather3A_236 {add = true} : memref<10000xf32, #tpu.memory_space<vmem>>[vector<16xi32>], vector<16xf32>,
      %and3A_256 = arith.andi %get3A_198, %broadcast_in_dim3A_1 : vector<16xi32>
      tpu.vector_store_idx %arg8[%and3A_256], %gather3A_240 {add = true} : memref<10000xf32, #tpu.memory_space<vmem>>[vector<16xi32>], vector<16xf32>,
      %and3A_257 = arith.andi %get3A_206, %broadcast_in_dim3A_1 : vector<16xi32>
      tpu.vector_store_idx %arg8[%and3A_257], %gather3A_244 {add = true} : memref<10000xf32, #tpu.memory_space<vmem>>[vector<16xi32>], vector<16xf32>,
      %and3A_258 = arith.andi %get3A_214, %broadcast_in_dim3A_1 : vector<16xi32>
      tpu.vector_store_idx %arg8[%and3A_258], %gather3A_248 {add = true} : memref<10000xf32, #tpu.memory_space<vmem>>[vector<16xi32>], vector<16xf32>,
      %and3A_259 = arith.andi %get3A_222, %broadcast_in_dim3A_1 : vector<16xi32>
      tpu.vector_store_idx %arg8[%and3A_259], %gather3A_252 {add = true} : memref<10000xf32, #tpu.memory_space<vmem>>[vector<16xi32>], vector<16xf32>,
    }
    %scan3A_106 = arith.constant 125 : i32
    %dma_start3A_107 = arith.constant 112000 : i32
    %dma_start3A_108 = tpu.memref_slice %arg2[%dma_start3A_107] : memref<160000xi32, #tpu.memory_space<hbm>> -> memref<16000xi32, #tpu.memory_space<hbm>>
    %dma_start3A_109 = arith.constant 112000 : i32
    %dma_start3A_110 = tpu.memref_slice %arg2[%dma_start3A_109] : memref<160000xi32, #tpu.memory_space<hbm>> -> memref<16000xi32, #tpu.memory_space<hbm>>
    tpu.enqueue_dma source(%dma_start3A_110 : memref<16000xi32, #tpu.memory_space<hbm>>) target(%arg6 : memref<16000xi32, #tpu.memory_space<vmem>>) target_semaphore(%arg10 : memref<!tpu.dma_semaphore, #tpu.memory_space<semaphore_mem>>)
    %dma_wait3A_111 = arith.constant 96000 : i32
    %dma_wait3A_112 = tpu.memref_slice %arg2[%dma_wait3A_111] : memref<160000xi32, #tpu.memory_space<hbm>> -> memref<16000xi32, #tpu.memory_space<hbm>>
    %dma_wait3A_113 = arith.constant 96000 : i32
    %dma_wait3A_114 = tpu.memref_slice %arg2[%dma_wait3A_113] : memref<160000xi32, #tpu.memory_space<hbm>> -> memref<16000xi32, #tpu.memory_space<hbm>>
    tpu.wait_dma2 semaphore(%arg9 : memref<!tpu.dma_semaphore, #tpu.memory_space<semaphore_mem>>) src(%dma_wait3A_114 : memref<16000xi32, #tpu.memory_space<hbm>>) dst(%arg5 : memref<16000xi32, #tpu.memory_space<vmem>>)
    %scan3A_115 = arith.constant 0 : i32
    %scan3A_116 = arith.constant 0 : i32
    %scan3A_117 = arith.constant 125 : i32
    %scan3A_118 = arith.addi %scan3A_116, %scan3A_117 : i32
    %scan3A_119 = arith.constant 1 : i32
    scf.for %scan3A_159 = %scan3A_116 to %scan3A_118 step %scan3A_119  : i32 {
      %mul3A_160 = arith.constant 8 : i32
      %mul3A_161 = arith.muli %scan3A_159, %mul3A_160 : i32
      %add3A_162 = arith.constant 0 : i32
      %add3A_163 = arith.addi %mul3A_161, %add3A_162 : i32
      %mul3A_164 = arith.constant 16 : i32
      %mul3A_165 = arith.muli %add3A_163, %mul3A_164 : i32
      %get3A = arith.index_cast %mul3A_165 : i32 to index
      %get3A_166 = tpu.vector_load %arg5[%get3A] {strides = array<i32>} : memref<16000xi32, #tpu.memory_space<vmem>>, vector<16xi32>,
      %mul3A_167 = arith.constant 8 : i32
      %mul3A_168 = arith.muli %scan3A_159, %mul3A_167 : i32
      %add3A_169 = arith.constant 1 : i32
      %add3A_170 = arith.addi %mul3A_168, %add3A_169 : i32
      %mul3A_171 = arith.constant 16 : i32
      %mul3A_172 = arith.muli %add3A_170, %mul3A_171 : i32
      %get3A_173 = arith.index_cast %mul3A_172 : i32 to index
      %get3A_174 = tpu.vector_load %arg5[%get3A_173] {strides = array<i32>} : memref<16000xi32, #tpu.memory_space<vmem>>, vector<16xi32>,
      %mul3A_175 = arith.constant 8 : i32
      %mul3A_176 = arith.muli %scan3A_159, %mul3A_175 : i32
      %add3A_177 = arith.constant 2 : i32
      %add3A_178 = arith.addi %mul3A_176, %add3A_177 : i32
      %mul3A_179 = arith.constant 16 : i32
      %mul3A_180 = arith.muli %add3A_178, %mul3A_179 : i32
      %get3A_181 = arith.index_cast %mul3A_180 : i32 to index
      %get3A_182 = tpu.vector_load %arg5[%get3A_181] {strides = array<i32>} : memref<16000xi32, #tpu.memory_space<vmem>>, vector<16xi32>,
      %mul3A_183 = arith.constant 8 : i32
      %mul3A_184 = arith.muli %scan3A_159, %mul3A_183 : i32
      %add3A_185 = arith.constant 3 : i32
      %add3A_186 = arith.addi %mul3A_184, %add3A_185 : i32
      %mul3A_187 = arith.constant 16 : i32
      %mul3A_188 = arith.muli %add3A_186, %mul3A_187 : i32
      %get3A_189 = arith.index_cast %mul3A_188 : i32 to index
      %get3A_190 = tpu.vector_load %arg5[%get3A_189] {strides = array<i32>} : memref<16000xi32, #tpu.memory_space<vmem>>, vector<16xi32>,
      %mul3A_191 = arith.constant 8 : i32
      %mul3A_192 = arith.muli %scan3A_159, %mul3A_191 : i32
      %add3A_193 = arith.constant 4 : i32
      %add3A_194 = arith.addi %mul3A_192, %add3A_193 : i32
      %mul3A_195 = arith.constant 16 : i32
      %mul3A_196 = arith.muli %add3A_194, %mul3A_195 : i32
      %get3A_197 = arith.index_cast %mul3A_196 : i32 to index
      %get3A_198 = tpu.vector_load %arg5[%get3A_197] {strides = array<i32>} : memref<16000xi32, #tpu.memory_space<vmem>>, vector<16xi32>,
      %mul3A_199 = arith.constant 8 : i32
      %mul3A_200 = arith.muli %scan3A_159, %mul3A_199 : i32
      %add3A_201 = arith.constant 5 : i32
      %add3A_202 = arith.addi %mul3A_200, %add3A_201 : i32
      %mul3A_203 = arith.constant 16 : i32
      %mul3A_204 = arith.muli %add3A_202, %mul3A_203 : i32
      %get3A_205 = arith.index_cast %mul3A_204 : i32 to index
      %get3A_206 = tpu.vector_load %arg5[%get3A_205] {strides = array<i32>} : memref<16000xi32, #tpu.memory_space<vmem>>, vector<16xi32>,
      %mul3A_207 = arith.constant 8 : i32
      %mul3A_208 = arith.muli %scan3A_159, %mul3A_207 : i32
      %add3A_209 = arith.constant 6 : i32
      %add3A_210 = arith.addi %mul3A_208, %add3A_209 : i32
      %mul3A_211 = arith.constant 16 : i32
      %mul3A_212 = arith.muli %add3A_210, %mul3A_211 : i32
      %get3A_213 = arith.index_cast %mul3A_212 : i32 to index
      %get3A_214 = tpu.vector_load %arg5[%get3A_213] {strides = array<i32>} : memref<16000xi32, #tpu.memory_space<vmem>>, vector<16xi32>,
      %mul3A_215 = arith.constant 8 : i32
      %mul3A_216 = arith.muli %scan3A_159, %mul3A_215 : i32
      %add3A_217 = arith.constant 7 : i32
      %add3A_218 = arith.addi %mul3A_216, %add3A_217 : i32
      %mul3A_219 = arith.constant 16 : i32
      %mul3A_220 = arith.muli %add3A_218, %mul3A_219 : i32
      %get3A_221 = arith.index_cast %mul3A_220 : i32 to index
      %get3A_222 = tpu.vector_load %arg5[%get3A_221] {strides = array<i32>} : memref<16000xi32, #tpu.memory_space<vmem>>, vector<16xi32>,
      %shift_right_arithmetic3A = arith.constant 14 : i32
      %shift_right_arithmetic3A_223 = vector.broadcast %shift_right_arithmetic3A : i32 to vector<16xi32>
      %shift_right_arithmetic3A_224 = arith.shrsi %get3A_166, %shift_right_arithmetic3A_223 : vector<16xi32>
      %gather3A = tpu.vector_load_idx %arg7[%shift_right_arithmetic3A_224] : memref<10000xf32, #tpu.memory_space<vmem>>[vector<16xi32>], vector<16xf32>,
      %shift_right_arithmetic3A_225 = arith.constant 14 : i32
      %shift_right_arithmetic3A_226 = vector.broadcast %shift_right_arithmetic3A_225 : i32 to vector<16xi32>
      %shift_right_arithmetic3A_227 = arith.shrsi %get3A_174, %shift_right_arithmetic3A_226 : vector<16xi32>
      %gather3A_228 = tpu.vector_load_idx %arg7[%shift_right_arithmetic3A_227] : memref<10000xf32, #tpu.memory_space<vmem>>[vector<16xi32>], vector<16xf32>,
      %shift_right_arithmetic3A_229 = arith.constant 14 : i32
      %shift_right_arithmetic3A_230 = vector.broadcast %shift_right_arithmetic3A_229 : i32 to vector<16xi32>
      %shift_right_arithmetic3A_231 = arith.shrsi %get3A_182, %shift_right_arithmetic3A_230 : vector<16xi32>
      %gather3A_232 = tpu.vector_load_idx %arg7[%shift_right_arithmetic3A_231] : memref<10000xf32, #tpu.memory_space<vmem>>[vector<16xi32>], vector<16xf32>,
      %shift_right_arithmetic3A_233 = arith.constant 14 : i32
      %shift_right_arithmetic3A_234 = vector.broadcast %shift_right_arithmetic3A_233 : i32 to vector<16xi32>
      %shift_right_arithmetic3A_235 = arith.shrsi %get3A_190, %shift_right_arithmetic3A_234 : vector<16xi32>
      %gather3A_236 = tpu.vector_load_idx %arg7[%shift_right_arithmetic3A_235] : memref<10000xf32, #tpu.memory_space<vmem>>[vector<16xi32>], vector<16xf32>,
      %shift_right_arithmetic3A_237 = arith.constant 14 : i32
      %shift_right_arithmetic3A_238 = vector.broadcast %shift_right_arithmetic3A_237 : i32 to vector<16xi32>
      %shift_right_arithmetic3A_239 = arith.shrsi %get3A_198, %shift_right_arithmetic3A_238 : vector<16xi32>
      %gather3A_240 = tpu.vector_load_idx %arg7[%shift_right_arithmetic3A_239] : memref<10000xf32, #tpu.memory_space<vmem>>[vector<16xi32>], vector<16xf32>,
      %shift_right_arithmetic3A_241 = arith.constant 14 : i32
      %shift_right_arithmetic3A_242 = vector.broadcast %shift_right_arithmetic3A_241 : i32 to vector<16xi32>
      %shift_right_arithmetic3A_243 = arith.shrsi %get3A_206, %shift_right_arithmetic3A_242 : vector<16xi32>
      %gather3A_244 = tpu.vector_load_idx %arg7[%shift_right_arithmetic3A_243] : memref<10000xf32, #tpu.memory_space<vmem>>[vector<16xi32>], vector<16xf32>,
      %shift_right_arithmetic3A_245 = arith.constant 14 : i32
      %shift_right_arithmetic3A_246 = vector.broadcast %shift_right_arithmetic3A_245 : i32 to vector<16xi32>
      %shift_right_arithmetic3A_247 = arith.shrsi %get3A_214, %shift_right_arithmetic3A_246 : vector<16xi32>
      %gather3A_248 = tpu.vector_load_idx %arg7[%shift_right_arithmetic3A_247] : memref<10000xf32, #tpu.memory_space<vmem>>[vector<16xi32>], vector<16xf32>,
      %shift_right_arithmetic3A_249 = arith.constant 14 : i32
      %shift_right_arithmetic3A_250 = vector.broadcast %shift_right_arithmetic3A_249 : i32 to vector<16xi32>
      %shift_right_arithmetic3A_251 = arith.shrsi %get3A_222, %shift_right_arithmetic3A_250 : vector<16xi32>
      %gather3A_252 = tpu.vector_load_idx %arg7[%shift_right_arithmetic3A_251] : memref<10000xf32, #tpu.memory_space<vmem>>[vector<16xi32>], vector<16xf32>,
      %and3A = arith.andi %get3A_166, %broadcast_in_dim3A_1 : vector<16xi32>
      tpu.vector_store_idx %arg8[%and3A], %gather3A {add = true} : memref<10000xf32, #tpu.memory_space<vmem>>[vector<16xi32>], vector<16xf32>,
      %and3A_253 = arith.andi %get3A_174, %broadcast_in_dim3A_1 : vector<16xi32>
      tpu.vector_store_idx %arg8[%and3A_253], %gather3A_228 {add = true} : memref<10000xf32, #tpu.memory_space<vmem>>[vector<16xi32>], vector<16xf32>,
      %and3A_254 = arith.andi %get3A_182, %broadcast_in_dim3A_1 : vector<16xi32>
      tpu.vector_store_idx %arg8[%and3A_254], %gather3A_232 {add = true} : memref<10000xf32, #tpu.memory_space<vmem>>[vector<16xi32>], vector<16xf32>,
      %and3A_255 = arith.andi %get3A_190, %broadcast_in_dim3A_1 : vector<16xi32>
      tpu.vector_store_idx %arg8[%and3A_255], %gather3A_236 {add = true} : memref<10000xf32, #tpu.memory_space<vmem>>[vector<16xi32>], vector<16xf32>,
      %and3A_256 = arith.andi %get3A_198, %broadcast_in_dim3A_1 : vector<16xi32>
      tpu.vector_store_idx %arg8[%and3A_256], %gather3A_240 {add = true} : memref<10000xf32, #tpu.memory_space<vmem>>[vector<16xi32>], vector<16xf32>,
      %and3A_257 = arith.andi %get3A_206, %broadcast_in_dim3A_1 : vector<16xi32>
      tpu.vector_store_idx %arg8[%and3A_257], %gather3A_244 {add = true} : memref<10000xf32, #tpu.memory_space<vmem>>[vector<16xi32>], vector<16xf32>,
      %and3A_258 = arith.andi %get3A_214, %broadcast_in_dim3A_1 : vector<16xi32>
      tpu.vector_store_idx %arg8[%and3A_258], %gather3A_248 {add = true} : memref<10000xf32, #tpu.memory_space<vmem>>[vector<16xi32>], vector<16xf32>,
      %and3A_259 = arith.andi %get3A_222, %broadcast_in_dim3A_1 : vector<16xi32>
      tpu.vector_store_idx %arg8[%and3A_259], %gather3A_252 {add = true} : memref<10000xf32, #tpu.memory_space<vmem>>[vector<16xi32>], vector<16xf32>,
    }
    %scan3A_120 = arith.constant 125 : i32
    %dma_start3A_121 = arith.constant 128000 : i32
    %dma_start3A_122 = tpu.memref_slice %arg2[%dma_start3A_121] : memref<160000xi32, #tpu.memory_space<hbm>> -> memref<16000xi32, #tpu.memory_space<hbm>>
    %dma_start3A_123 = arith.constant 128000 : i32
    %dma_start3A_124 = tpu.memref_slice %arg2[%dma_start3A_123] : memref<160000xi32, #tpu.memory_space<hbm>> -> memref<16000xi32, #tpu.memory_space<hbm>>
    tpu.enqueue_dma source(%dma_start3A_124 : memref<16000xi32, #tpu.memory_space<hbm>>) target(%arg5 : memref<16000xi32, #tpu.memory_space<vmem>>) target_semaphore(%arg9 : memref<!tpu.dma_semaphore, #tpu.memory_space<semaphore_mem>>)
    %dma_wait3A_125 = arith.constant 112000 : i32
    %dma_wait3A_126 = tpu.memref_slice %arg2[%dma_wait3A_125] : memref<160000xi32, #tpu.memory_space<hbm>> -> memref<16000xi32, #tpu.memory_space<hbm>>
    %dma_wait3A_127 = arith.constant 112000 : i32
    %dma_wait3A_128 = tpu.memref_slice %arg2[%dma_wait3A_127] : memref<160000xi32, #tpu.memory_space<hbm>> -> memref<16000xi32, #tpu.memory_space<hbm>>
    tpu.wait_dma2 semaphore(%arg10 : memref<!tpu.dma_semaphore, #tpu.memory_space<semaphore_mem>>) src(%dma_wait3A_128 : memref<16000xi32, #tpu.memory_space<hbm>>) dst(%arg6 : memref<16000xi32, #tpu.memory_space<vmem>>)
    %scan3A_129 = arith.constant 0 : i32
    %scan3A_130 = arith.constant 0 : i32
    %scan3A_131 = arith.constant 125 : i32
    %scan3A_132 = arith.addi %scan3A_130, %scan3A_131 : i32
    %scan3A_133 = arith.constant 1 : i32
    scf.for %scan3A_159 = %scan3A_130 to %scan3A_132 step %scan3A_133  : i32 {
      %mul3A_160 = arith.constant 8 : i32
      %mul3A_161 = arith.muli %scan3A_159, %mul3A_160 : i32
      %add3A_162 = arith.constant 0 : i32
      %add3A_163 = arith.addi %mul3A_161, %add3A_162 : i32
      %mul3A_164 = arith.constant 16 : i32
      %mul3A_165 = arith.muli %add3A_163, %mul3A_164 : i32
      %get3A = arith.index_cast %mul3A_165 : i32 to index
      %get3A_166 = tpu.vector_load %arg6[%get3A] {strides = array<i32>} : memref<16000xi32, #tpu.memory_space<vmem>>, vector<16xi32>,
      %mul3A_167 = arith.constant 8 : i32
      %mul3A_168 = arith.muli %scan3A_159, %mul3A_167 : i32
      %add3A_169 = arith.constant 1 : i32
      %add3A_170 = arith.addi %mul3A_168, %add3A_169 : i32
      %mul3A_171 = arith.constant 16 : i32
      %mul3A_172 = arith.muli %add3A_170, %mul3A_171 : i32
      %get3A_173 = arith.index_cast %mul3A_172 : i32 to index
      %get3A_174 = tpu.vector_load %arg6[%get3A_173] {strides = array<i32>} : memref<16000xi32, #tpu.memory_space<vmem>>, vector<16xi32>,
      %mul3A_175 = arith.constant 8 : i32
      %mul3A_176 = arith.muli %scan3A_159, %mul3A_175 : i32
      %add3A_177 = arith.constant 2 : i32
      %add3A_178 = arith.addi %mul3A_176, %add3A_177 : i32
      %mul3A_179 = arith.constant 16 : i32
      %mul3A_180 = arith.muli %add3A_178, %mul3A_179 : i32
      %get3A_181 = arith.index_cast %mul3A_180 : i32 to index
      %get3A_182 = tpu.vector_load %arg6[%get3A_181] {strides = array<i32>} : memref<16000xi32, #tpu.memory_space<vmem>>, vector<16xi32>,
      %mul3A_183 = arith.constant 8 : i32
      %mul3A_184 = arith.muli %scan3A_159, %mul3A_183 : i32
      %add3A_185 = arith.constant 3 : i32
      %add3A_186 = arith.addi %mul3A_184, %add3A_185 : i32
      %mul3A_187 = arith.constant 16 : i32
      %mul3A_188 = arith.muli %add3A_186, %mul3A_187 : i32
      %get3A_189 = arith.index_cast %mul3A_188 : i32 to index
      %get3A_190 = tpu.vector_load %arg6[%get3A_189] {strides = array<i32>} : memref<16000xi32, #tpu.memory_space<vmem>>, vector<16xi32>,
      %mul3A_191 = arith.constant 8 : i32
      %mul3A_192 = arith.muli %scan3A_159, %mul3A_191 : i32
      %add3A_193 = arith.constant 4 : i32
      %add3A_194 = arith.addi %mul3A_192, %add3A_193 : i32
      %mul3A_195 = arith.constant 16 : i32
      %mul3A_196 = arith.muli %add3A_194, %mul3A_195 : i32
      %get3A_197 = arith.index_cast %mul3A_196 : i32 to index
      %get3A_198 = tpu.vector_load %arg6[%get3A_197] {strides = array<i32>} : memref<16000xi32, #tpu.memory_space<vmem>>, vector<16xi32>,
      %mul3A_199 = arith.constant 8 : i32
      %mul3A_200 = arith.muli %scan3A_159, %mul3A_199 : i32
      %add3A_201 = arith.constant 5 : i32
      %add3A_202 = arith.addi %mul3A_200, %add3A_201 : i32
      %mul3A_203 = arith.constant 16 : i32
      %mul3A_204 = arith.muli %add3A_202, %mul3A_203 : i32
      %get3A_205 = arith.index_cast %mul3A_204 : i32 to index
      %get3A_206 = tpu.vector_load %arg6[%get3A_205] {strides = array<i32>} : memref<16000xi32, #tpu.memory_space<vmem>>, vector<16xi32>,
      %mul3A_207 = arith.constant 8 : i32
      %mul3A_208 = arith.muli %scan3A_159, %mul3A_207 : i32
      %add3A_209 = arith.constant 6 : i32
      %add3A_210 = arith.addi %mul3A_208, %add3A_209 : i32
      %mul3A_211 = arith.constant 16 : i32
      %mul3A_212 = arith.muli %add3A_210, %mul3A_211 : i32
      %get3A_213 = arith.index_cast %mul3A_212 : i32 to index
      %get3A_214 = tpu.vector_load %arg6[%get3A_213] {strides = array<i32>} : memref<16000xi32, #tpu.memory_space<vmem>>, vector<16xi32>,
      %mul3A_215 = arith.constant 8 : i32
      %mul3A_216 = arith.muli %scan3A_159, %mul3A_215 : i32
      %add3A_217 = arith.constant 7 : i32
      %add3A_218 = arith.addi %mul3A_216, %add3A_217 : i32
      %mul3A_219 = arith.constant 16 : i32
      %mul3A_220 = arith.muli %add3A_218, %mul3A_219 : i32
      %get3A_221 = arith.index_cast %mul3A_220 : i32 to index
      %get3A_222 = tpu.vector_load %arg6[%get3A_221] {strides = array<i32>} : memref<16000xi32, #tpu.memory_space<vmem>>, vector<16xi32>,
      %shift_right_arithmetic3A = arith.constant 14 : i32
      %shift_right_arithmetic3A_223 = vector.broadcast %shift_right_arithmetic3A : i32 to vector<16xi32>
      %shift_right_arithmetic3A_224 = arith.shrsi %get3A_166, %shift_right_arithmetic3A_223 : vector<16xi32>
      %gather3A = tpu.vector_load_idx %arg7[%shift_right_arithmetic3A_224] : memref<10000xf32, #tpu.memory_space<vmem>>[vector<16xi32>], vector<16xf32>,
      %shift_right_arithmetic3A_225 = arith.constant 14 : i32
      %shift_right_arithmetic3A_226 = vector.broadcast %shift_right_arithmetic3A_225 : i32 to vector<16xi32>
      %shift_right_arithmetic3A_227 = arith.shrsi %get3A_174, %shift_right_arithmetic3A_226 : vector<16xi32>
      %gather3A_228 = tpu.vector_load_idx %arg7[%shift_right_arithmetic3A_227] : memref<10000xf32, #tpu.memory_space<vmem>>[vector<16xi32>], vector<16xf32>,
      %shift_right_arithmetic3A_229 = arith.constant 14 : i32
      %shift_right_arithmetic3A_230 = vector.broadcast %shift_right_arithmetic3A_229 : i32 to vector<16xi32>
      %shift_right_arithmetic3A_231 = arith.shrsi %get3A_182, %shift_right_arithmetic3A_230 : vector<16xi32>
      %gather3A_232 = tpu.vector_load_idx %arg7[%shift_right_arithmetic3A_231] : memref<10000xf32, #tpu.memory_space<vmem>>[vector<16xi32>], vector<16xf32>,
      %shift_right_arithmetic3A_233 = arith.constant 14 : i32
      %shift_right_arithmetic3A_234 = vector.broadcast %shift_right_arithmetic3A_233 : i32 to vector<16xi32>
      %shift_right_arithmetic3A_235 = arith.shrsi %get3A_190, %shift_right_arithmetic3A_234 : vector<16xi32>
      %gather3A_236 = tpu.vector_load_idx %arg7[%shift_right_arithmetic3A_235] : memref<10000xf32, #tpu.memory_space<vmem>>[vector<16xi32>], vector<16xf32>,
      %shift_right_arithmetic3A_237 = arith.constant 14 : i32
      %shift_right_arithmetic3A_238 = vector.broadcast %shift_right_arithmetic3A_237 : i32 to vector<16xi32>
      %shift_right_arithmetic3A_239 = arith.shrsi %get3A_198, %shift_right_arithmetic3A_238 : vector<16xi32>
      %gather3A_240 = tpu.vector_load_idx %arg7[%shift_right_arithmetic3A_239] : memref<10000xf32, #tpu.memory_space<vmem>>[vector<16xi32>], vector<16xf32>,
      %shift_right_arithmetic3A_241 = arith.constant 14 : i32
      %shift_right_arithmetic3A_242 = vector.broadcast %shift_right_arithmetic3A_241 : i32 to vector<16xi32>
      %shift_right_arithmetic3A_243 = arith.shrsi %get3A_206, %shift_right_arithmetic3A_242 : vector<16xi32>
      %gather3A_244 = tpu.vector_load_idx %arg7[%shift_right_arithmetic3A_243] : memref<10000xf32, #tpu.memory_space<vmem>>[vector<16xi32>], vector<16xf32>,
      %shift_right_arithmetic3A_245 = arith.constant 14 : i32
      %shift_right_arithmetic3A_246 = vector.broadcast %shift_right_arithmetic3A_245 : i32 to vector<16xi32>
      %shift_right_arithmetic3A_247 = arith.shrsi %get3A_214, %shift_right_arithmetic3A_246 : vector<16xi32>
      %gather3A_248 = tpu.vector_load_idx %arg7[%shift_right_arithmetic3A_247] : memref<10000xf32, #tpu.memory_space<vmem>>[vector<16xi32>], vector<16xf32>,
      %shift_right_arithmetic3A_249 = arith.constant 14 : i32
      %shift_right_arithmetic3A_250 = vector.broadcast %shift_right_arithmetic3A_249 : i32 to vector<16xi32>
      %shift_right_arithmetic3A_251 = arith.shrsi %get3A_222, %shift_right_arithmetic3A_250 : vector<16xi32>
      %gather3A_252 = tpu.vector_load_idx %arg7[%shift_right_arithmetic3A_251] : memref<10000xf32, #tpu.memory_space<vmem>>[vector<16xi32>], vector<16xf32>,
      %and3A = arith.andi %get3A_166, %broadcast_in_dim3A_1 : vector<16xi32>
      tpu.vector_store_idx %arg8[%and3A], %gather3A {add = true} : memref<10000xf32, #tpu.memory_space<vmem>>[vector<16xi32>], vector<16xf32>,
      %and3A_253 = arith.andi %get3A_174, %broadcast_in_dim3A_1 : vector<16xi32>
      tpu.vector_store_idx %arg8[%and3A_253], %gather3A_228 {add = true} : memref<10000xf32, #tpu.memory_space<vmem>>[vector<16xi32>], vector<16xf32>,
      %and3A_254 = arith.andi %get3A_182, %broadcast_in_dim3A_1 : vector<16xi32>
      tpu.vector_store_idx %arg8[%and3A_254], %gather3A_232 {add = true} : memref<10000xf32, #tpu.memory_space<vmem>>[vector<16xi32>], vector<16xf32>,
      %and3A_255 = arith.andi %get3A_190, %broadcast_in_dim3A_1 : vector<16xi32>
      tpu.vector_store_idx %arg8[%and3A_255], %gather3A_236 {add = true} : memref<10000xf32, #tpu.memory_space<vmem>>[vector<16xi32>], vector<16xf32>,
      %and3A_256 = arith.andi %get3A_198, %broadcast_in_dim3A_1 : vector<16xi32>
      tpu.vector_store_idx %arg8[%and3A_256], %gather3A_240 {add = true} : memref<10000xf32, #tpu.memory_space<vmem>>[vector<16xi32>], vector<16xf32>,
      %and3A_257 = arith.andi %get3A_206, %broadcast_in_dim3A_1 : vector<16xi32>
      tpu.vector_store_idx %arg8[%and3A_257], %gather3A_244 {add = true} : memref<10000xf32, #tpu.memory_space<vmem>>[vector<16xi32>], vector<16xf32>,
      %and3A_258 = arith.andi %get3A_214, %broadcast_in_dim3A_1 : vector<16xi32>
      tpu.vector_store_idx %arg8[%and3A_258], %gather3A_248 {add = true} : memref<10000xf32, #tpu.memory_space<vmem>>[vector<16xi32>], vector<16xf32>,
      %and3A_259 = arith.andi %get3A_222, %broadcast_in_dim3A_1 : vector<16xi32>
      tpu.vector_store_idx %arg8[%and3A_259], %gather3A_252 {add = true} : memref<10000xf32, #tpu.memory_space<vmem>>[vector<16xi32>], vector<16xf32>,
    }
    %scan3A_134 = arith.constant 125 : i32
    %dma_start3A_135 = arith.constant 144000 : i32
    %dma_start3A_136 = tpu.memref_slice %arg2[%dma_start3A_135] : memref<160000xi32, #tpu.memory_space<hbm>> -> memref<16000xi32, #tpu.memory_space<hbm>>
    %dma_start3A_137 = arith.constant 144000 : i32
    %dma_start3A_138 = tpu.memref_slice %arg2[%dma_start3A_137] : memref<160000xi32, #tpu.memory_space<hbm>> -> memref<16000xi32, #tpu.memory_space<hbm>>
    tpu.enqueue_dma source(%dma_start3A_138 : memref<16000xi32, #tpu.memory_space<hbm>>) target(%arg6 : memref<16000xi32, #tpu.memory_space<vmem>>) target_semaphore(%arg10 : memref<!tpu.dma_semaphore, #tpu.memory_space<semaphore_mem>>)
    %dma_wait3A_139 = arith.constant 128000 : i32
    %dma_wait3A_140 = tpu.memref_slice %arg2[%dma_wait3A_139] : memref<160000xi32, #tpu.memory_space<hbm>> -> memref<16000xi32, #tpu.memory_space<hbm>>
    %dma_wait3A_141 = arith.constant 128000 : i32
    %dma_wait3A_142 = tpu.memref_slice %arg2[%dma_wait3A_141] : memref<160000xi32, #tpu.memory_space<hbm>> -> memref<16000xi32, #tpu.memory_space<hbm>>
    tpu.wait_dma2 semaphore(%arg9 : memref<!tpu.dma_semaphore, #tpu.memory_space<semaphore_mem>>) src(%dma_wait3A_142 : memref<16000xi32, #tpu.memory_space<hbm>>) dst(%arg5 : memref<16000xi32, #tpu.memory_space<vmem>>)
    %scan3A_143 = arith.constant 0 : i32
    %scan3A_144 = arith.constant 0 : i32
    %scan3A_145 = arith.constant 125 : i32
    %scan3A_146 = arith.addi %scan3A_144, %scan3A_145 : i32
    %scan3A_147 = arith.constant 1 : i32
    scf.for %scan3A_159 = %scan3A_144 to %scan3A_146 step %scan3A_147  : i32 {
      %mul3A_160 = arith.constant 8 : i32
      %mul3A_161 = arith.muli %scan3A_159, %mul3A_160 : i32
      %add3A_162 = arith.constant 0 : i32
      %add3A_163 = arith.addi %mul3A_161, %add3A_162 : i32
      %mul3A_164 = arith.constant 16 : i32
      %mul3A_165 = arith.muli %add3A_163, %mul3A_164 : i32
      %get3A = arith.index_cast %mul3A_165 : i32 to index
      %get3A_166 = tpu.vector_load %arg5[%get3A] {strides = array<i32>} : memref<16000xi32, #tpu.memory_space<vmem>>, vector<16xi32>,
      %mul3A_167 = arith.constant 8 : i32
      %mul3A_168 = arith.muli %scan3A_159, %mul3A_167 : i32
      %add3A_169 = arith.constant 1 : i32
      %add3A_170 = arith.addi %mul3A_168, %add3A_169 : i32
      %mul3A_171 = arith.constant 16 : i32
      %mul3A_172 = arith.muli %add3A_170, %mul3A_171 : i32
      %get3A_173 = arith.index_cast %mul3A_172 : i32 to index
      %get3A_174 = tpu.vector_load %arg5[%get3A_173] {strides = array<i32>} : memref<16000xi32, #tpu.memory_space<vmem>>, vector<16xi32>,
      %mul3A_175 = arith.constant 8 : i32
      %mul3A_176 = arith.muli %scan3A_159, %mul3A_175 : i32
      %add3A_177 = arith.constant 2 : i32
      %add3A_178 = arith.addi %mul3A_176, %add3A_177 : i32
      %mul3A_179 = arith.constant 16 : i32
      %mul3A_180 = arith.muli %add3A_178, %mul3A_179 : i32
      %get3A_181 = arith.index_cast %mul3A_180 : i32 to index
      %get3A_182 = tpu.vector_load %arg5[%get3A_181] {strides = array<i32>} : memref<16000xi32, #tpu.memory_space<vmem>>, vector<16xi32>,
      %mul3A_183 = arith.constant 8 : i32
      %mul3A_184 = arith.muli %scan3A_159, %mul3A_183 : i32
      %add3A_185 = arith.constant 3 : i32
      %add3A_186 = arith.addi %mul3A_184, %add3A_185 : i32
      %mul3A_187 = arith.constant 16 : i32
      %mul3A_188 = arith.muli %add3A_186, %mul3A_187 : i32
      %get3A_189 = arith.index_cast %mul3A_188 : i32 to index
      %get3A_190 = tpu.vector_load %arg5[%get3A_189] {strides = array<i32>} : memref<16000xi32, #tpu.memory_space<vmem>>, vector<16xi32>,
      %mul3A_191 = arith.constant 8 : i32
      %mul3A_192 = arith.muli %scan3A_159, %mul3A_191 : i32
      %add3A_193 = arith.constant 4 : i32
      %add3A_194 = arith.addi %mul3A_192, %add3A_193 : i32
      %mul3A_195 = arith.constant 16 : i32
      %mul3A_196 = arith.muli %add3A_194, %mul3A_195 : i32
      %get3A_197 = arith.index_cast %mul3A_196 : i32 to index
      %get3A_198 = tpu.vector_load %arg5[%get3A_197] {strides = array<i32>} : memref<16000xi32, #tpu.memory_space<vmem>>, vector<16xi32>,
      %mul3A_199 = arith.constant 8 : i32
      %mul3A_200 = arith.muli %scan3A_159, %mul3A_199 : i32
      %add3A_201 = arith.constant 5 : i32
      %add3A_202 = arith.addi %mul3A_200, %add3A_201 : i32
      %mul3A_203 = arith.constant 16 : i32
      %mul3A_204 = arith.muli %add3A_202, %mul3A_203 : i32
      %get3A_205 = arith.index_cast %mul3A_204 : i32 to index
      %get3A_206 = tpu.vector_load %arg5[%get3A_205] {strides = array<i32>} : memref<16000xi32, #tpu.memory_space<vmem>>, vector<16xi32>,
      %mul3A_207 = arith.constant 8 : i32
      %mul3A_208 = arith.muli %scan3A_159, %mul3A_207 : i32
      %add3A_209 = arith.constant 6 : i32
      %add3A_210 = arith.addi %mul3A_208, %add3A_209 : i32
      %mul3A_211 = arith.constant 16 : i32
      %mul3A_212 = arith.muli %add3A_210, %mul3A_211 : i32
      %get3A_213 = arith.index_cast %mul3A_212 : i32 to index
      %get3A_214 = tpu.vector_load %arg5[%get3A_213] {strides = array<i32>} : memref<16000xi32, #tpu.memory_space<vmem>>, vector<16xi32>,
      %mul3A_215 = arith.constant 8 : i32
      %mul3A_216 = arith.muli %scan3A_159, %mul3A_215 : i32
      %add3A_217 = arith.constant 7 : i32
      %add3A_218 = arith.addi %mul3A_216, %add3A_217 : i32
      %mul3A_219 = arith.constant 16 : i32
      %mul3A_220 = arith.muli %add3A_218, %mul3A_219 : i32
      %get3A_221 = arith.index_cast %mul3A_220 : i32 to index
      %get3A_222 = tpu.vector_load %arg5[%get3A_221] {strides = array<i32>} : memref<16000xi32, #tpu.memory_space<vmem>>, vector<16xi32>,
      %shift_right_arithmetic3A = arith.constant 14 : i32
      %shift_right_arithmetic3A_223 = vector.broadcast %shift_right_arithmetic3A : i32 to vector<16xi32>
      %shift_right_arithmetic3A_224 = arith.shrsi %get3A_166, %shift_right_arithmetic3A_223 : vector<16xi32>
      %gather3A = tpu.vector_load_idx %arg7[%shift_right_arithmetic3A_224] : memref<10000xf32, #tpu.memory_space<vmem>>[vector<16xi32>], vector<16xf32>,
      %shift_right_arithmetic3A_225 = arith.constant 14 : i32
      %shift_right_arithmetic3A_226 = vector.broadcast %shift_right_arithmetic3A_225 : i32 to vector<16xi32>
      %shift_right_arithmetic3A_227 = arith.shrsi %get3A_174, %shift_right_arithmetic3A_226 : vector<16xi32>
      %gather3A_228 = tpu.vector_load_idx %arg7[%shift_right_arithmetic3A_227] : memref<10000xf32, #tpu.memory_space<vmem>>[vector<16xi32>], vector<16xf32>,
      %shift_right_arithmetic3A_229 = arith.constant 14 : i32
      %shift_right_arithmetic3A_230 = vector.broadcast %shift_right_arithmetic3A_229 : i32 to vector<16xi32>
      %shift_right_arithmetic3A_231 = arith.shrsi %get3A_182, %shift_right_arithmetic3A_230 : vector<16xi32>
      %gather3A_232 = tpu.vector_load_idx %arg7[%shift_right_arithmetic3A_231] : memref<10000xf32, #tpu.memory_space<vmem>>[vector<16xi32>], vector<16xf32>,
      %shift_right_arithmetic3A_233 = arith.constant 14 : i32
      %shift_right_arithmetic3A_234 = vector.broadcast %shift_right_arithmetic3A_233 : i32 to vector<16xi32>
      %shift_right_arithmetic3A_235 = arith.shrsi %get3A_190, %shift_right_arithmetic3A_234 : vector<16xi32>
      %gather3A_236 = tpu.vector_load_idx %arg7[%shift_right_arithmetic3A_235] : memref<10000xf32, #tpu.memory_space<vmem>>[vector<16xi32>], vector<16xf32>,
      %shift_right_arithmetic3A_237 = arith.constant 14 : i32
      %shift_right_arithmetic3A_238 = vector.broadcast %shift_right_arithmetic3A_237 : i32 to vector<16xi32>
      %shift_right_arithmetic3A_239 = arith.shrsi %get3A_198, %shift_right_arithmetic3A_238 : vector<16xi32>
      %gather3A_240 = tpu.vector_load_idx %arg7[%shift_right_arithmetic3A_239] : memref<10000xf32, #tpu.memory_space<vmem>>[vector<16xi32>], vector<16xf32>,
      %shift_right_arithmetic3A_241 = arith.constant 14 : i32
      %shift_right_arithmetic3A_242 = vector.broadcast %shift_right_arithmetic3A_241 : i32 to vector<16xi32>
      %shift_right_arithmetic3A_243 = arith.shrsi %get3A_206, %shift_right_arithmetic3A_242 : vector<16xi32>
      %gather3A_244 = tpu.vector_load_idx %arg7[%shift_right_arithmetic3A_243] : memref<10000xf32, #tpu.memory_space<vmem>>[vector<16xi32>], vector<16xf32>,
      %shift_right_arithmetic3A_245 = arith.constant 14 : i32
      %shift_right_arithmetic3A_246 = vector.broadcast %shift_right_arithmetic3A_245 : i32 to vector<16xi32>
      %shift_right_arithmetic3A_247 = arith.shrsi %get3A_214, %shift_right_arithmetic3A_246 : vector<16xi32>
      %gather3A_248 = tpu.vector_load_idx %arg7[%shift_right_arithmetic3A_247] : memref<10000xf32, #tpu.memory_space<vmem>>[vector<16xi32>], vector<16xf32>,
      %shift_right_arithmetic3A_249 = arith.constant 14 : i32
      %shift_right_arithmetic3A_250 = vector.broadcast %shift_right_arithmetic3A_249 : i32 to vector<16xi32>
      %shift_right_arithmetic3A_251 = arith.shrsi %get3A_222, %shift_right_arithmetic3A_250 : vector<16xi32>
      %gather3A_252 = tpu.vector_load_idx %arg7[%shift_right_arithmetic3A_251] : memref<10000xf32, #tpu.memory_space<vmem>>[vector<16xi32>], vector<16xf32>,
      %and3A = arith.andi %get3A_166, %broadcast_in_dim3A_1 : vector<16xi32>
      tpu.vector_store_idx %arg8[%and3A], %gather3A {add = true} : memref<10000xf32, #tpu.memory_space<vmem>>[vector<16xi32>], vector<16xf32>,
      %and3A_253 = arith.andi %get3A_174, %broadcast_in_dim3A_1 : vector<16xi32>
      tpu.vector_store_idx %arg8[%and3A_253], %gather3A_228 {add = true} : memref<10000xf32, #tpu.memory_space<vmem>>[vector<16xi32>], vector<16xf32>,
      %and3A_254 = arith.andi %get3A_182, %broadcast_in_dim3A_1 : vector<16xi32>
      tpu.vector_store_idx %arg8[%and3A_254], %gather3A_232 {add = true} : memref<10000xf32, #tpu.memory_space<vmem>>[vector<16xi32>], vector<16xf32>,
      %and3A_255 = arith.andi %get3A_190, %broadcast_in_dim3A_1 : vector<16xi32>
      tpu.vector_store_idx %arg8[%and3A_255], %gather3A_236 {add = true} : memref<10000xf32, #tpu.memory_space<vmem>>[vector<16xi32>], vector<16xf32>,
      %and3A_256 = arith.andi %get3A_198, %broadcast_in_dim3A_1 : vector<16xi32>
      tpu.vector_store_idx %arg8[%and3A_256], %gather3A_240 {add = true} : memref<10000xf32, #tpu.memory_space<vmem>>[vector<16xi32>], vector<16xf32>,
      %and3A_257 = arith.andi %get3A_206, %broadcast_in_dim3A_1 : vector<16xi32>
      tpu.vector_store_idx %arg8[%and3A_257], %gather3A_244 {add = true} : memref<10000xf32, #tpu.memory_space<vmem>>[vector<16xi32>], vector<16xf32>,
      %and3A_258 = arith.andi %get3A_214, %broadcast_in_dim3A_1 : vector<16xi32>
      tpu.vector_store_idx %arg8[%and3A_258], %gather3A_248 {add = true} : memref<10000xf32, #tpu.memory_space<vmem>>[vector<16xi32>], vector<16xf32>,
      %and3A_259 = arith.andi %get3A_222, %broadcast_in_dim3A_1 : vector<16xi32>
      tpu.vector_store_idx %arg8[%and3A_259], %gather3A_252 {add = true} : memref<10000xf32, #tpu.memory_space<vmem>>[vector<16xi32>], vector<16xf32>,
    }
    %scan3A_148 = arith.constant 125 : i32
    %dma_wait3A_149 = arith.constant 144000 : i32
    %dma_wait3A_150 = tpu.memref_slice %arg2[%dma_wait3A_149] : memref<160000xi32, #tpu.memory_space<hbm>> -> memref<16000xi32, #tpu.memory_space<hbm>>
    %dma_wait3A_151 = arith.constant 144000 : i32
    %dma_wait3A_152 = tpu.memref_slice %arg2[%dma_wait3A_151] : memref<160000xi32, #tpu.memory_space<hbm>> -> memref<16000xi32, #tpu.memory_space<hbm>>
    tpu.wait_dma2 semaphore(%arg10 : memref<!tpu.dma_semaphore, #tpu.memory_space<semaphore_mem>>) src(%dma_wait3A_152 : memref<16000xi32, #tpu.memory_space<hbm>>) dst(%arg6 : memref<16000xi32, #tpu.memory_space<vmem>>)
    %scan3A_153 = arith.constant 0 : i32
    %scan3A_154 = arith.constant 0 : i32
    %scan3A_155 = arith.constant 125 : i32
    %scan3A_156 = arith.addi %scan3A_154, %scan3A_155 : i32
    %scan3A_157 = arith.constant 1 : i32
    scf.for %scan3A_159 = %scan3A_154 to %scan3A_156 step %scan3A_157  : i32 {
      %mul3A_160 = arith.constant 8 : i32
      %mul3A_161 = arith.muli %scan3A_159, %mul3A_160 : i32
      %add3A_162 = arith.constant 0 : i32
      %add3A_163 = arith.addi %mul3A_161, %add3A_162 : i32
      %mul3A_164 = arith.constant 16 : i32
      %mul3A_165 = arith.muli %add3A_163, %mul3A_164 : i32
      %get3A = arith.index_cast %mul3A_165 : i32 to index
      %get3A_166 = tpu.vector_load %arg6[%get3A] {strides = array<i32>} : memref<16000xi32, #tpu.memory_space<vmem>>, vector<16xi32>,
      %mul3A_167 = arith.constant 8 : i32
      %mul3A_168 = arith.muli %scan3A_159, %mul3A_167 : i32
      %add3A_169 = arith.constant 1 : i32
      %add3A_170 = arith.addi %mul3A_168, %add3A_169 : i32
      %mul3A_171 = arith.constant 16 : i32
      %mul3A_172 = arith.muli %add3A_170, %mul3A_171 : i32
      %get3A_173 = arith.index_cast %mul3A_172 : i32 to index
      %get3A_174 = tpu.vector_load %arg6[%get3A_173] {strides = array<i32>} : memref<16000xi32, #tpu.memory_space<vmem>>, vector<16xi32>,
      %mul3A_175 = arith.constant 8 : i32
      %mul3A_176 = arith.muli %scan3A_159, %mul3A_175 : i32
      %add3A_177 = arith.constant 2 : i32
      %add3A_178 = arith.addi %mul3A_176, %add3A_177 : i32
      %mul3A_179 = arith.constant 16 : i32
      %mul3A_180 = arith.muli %add3A_178, %mul3A_179 : i32
      %get3A_181 = arith.index_cast %mul3A_180 : i32 to index
      %get3A_182 = tpu.vector_load %arg6[%get3A_181] {strides = array<i32>} : memref<16000xi32, #tpu.memory_space<vmem>>, vector<16xi32>,
      %mul3A_183 = arith.constant 8 : i32
      %mul3A_184 = arith.muli %scan3A_159, %mul3A_183 : i32
      %add3A_185 = arith.constant 3 : i32
      %add3A_186 = arith.addi %mul3A_184, %add3A_185 : i32
      %mul3A_187 = arith.constant 16 : i32
      %mul3A_188 = arith.muli %add3A_186, %mul3A_187 : i32
      %get3A_189 = arith.index_cast %mul3A_188 : i32 to index
      %get3A_190 = tpu.vector_load %arg6[%get3A_189] {strides = array<i32>} : memref<16000xi32, #tpu.memory_space<vmem>>, vector<16xi32>,
      %mul3A_191 = arith.constant 8 : i32
      %mul3A_192 = arith.muli %scan3A_159, %mul3A_191 : i32
      %add3A_193 = arith.constant 4 : i32
      %add3A_194 = arith.addi %mul3A_192, %add3A_193 : i32
      %mul3A_195 = arith.constant 16 : i32
      %mul3A_196 = arith.muli %add3A_194, %mul3A_195 : i32
      %get3A_197 = arith.index_cast %mul3A_196 : i32 to index
      %get3A_198 = tpu.vector_load %arg6[%get3A_197] {strides = array<i32>} : memref<16000xi32, #tpu.memory_space<vmem>>, vector<16xi32>,
      %mul3A_199 = arith.constant 8 : i32
      %mul3A_200 = arith.muli %scan3A_159, %mul3A_199 : i32
      %add3A_201 = arith.constant 5 : i32
      %add3A_202 = arith.addi %mul3A_200, %add3A_201 : i32
      %mul3A_203 = arith.constant 16 : i32
      %mul3A_204 = arith.muli %add3A_202, %mul3A_203 : i32
      %get3A_205 = arith.index_cast %mul3A_204 : i32 to index
      %get3A_206 = tpu.vector_load %arg6[%get3A_205] {strides = array<i32>} : memref<16000xi32, #tpu.memory_space<vmem>>, vector<16xi32>,
      %mul3A_207 = arith.constant 8 : i32
      %mul3A_208 = arith.muli %scan3A_159, %mul3A_207 : i32
      %add3A_209 = arith.constant 6 : i32
      %add3A_210 = arith.addi %mul3A_208, %add3A_209 : i32
      %mul3A_211 = arith.constant 16 : i32
      %mul3A_212 = arith.muli %add3A_210, %mul3A_211 : i32
      %get3A_213 = arith.index_cast %mul3A_212 : i32 to index
      %get3A_214 = tpu.vector_load %arg6[%get3A_213] {strides = array<i32>} : memref<16000xi32, #tpu.memory_space<vmem>>, vector<16xi32>,
      %mul3A_215 = arith.constant 8 : i32
      %mul3A_216 = arith.muli %scan3A_159, %mul3A_215 : i32
      %add3A_217 = arith.constant 7 : i32
      %add3A_218 = arith.addi %mul3A_216, %add3A_217 : i32
      %mul3A_219 = arith.constant 16 : i32
      %mul3A_220 = arith.muli %add3A_218, %mul3A_219 : i32
      %get3A_221 = arith.index_cast %mul3A_220 : i32 to index
      %get3A_222 = tpu.vector_load %arg6[%get3A_221] {strides = array<i32>} : memref<16000xi32, #tpu.memory_space<vmem>>, vector<16xi32>,
      %shift_right_arithmetic3A = arith.constant 14 : i32
      %shift_right_arithmetic3A_223 = vector.broadcast %shift_right_arithmetic3A : i32 to vector<16xi32>
      %shift_right_arithmetic3A_224 = arith.shrsi %get3A_166, %shift_right_arithmetic3A_223 : vector<16xi32>
      %gather3A = tpu.vector_load_idx %arg7[%shift_right_arithmetic3A_224] : memref<10000xf32, #tpu.memory_space<vmem>>[vector<16xi32>], vector<16xf32>,
      %shift_right_arithmetic3A_225 = arith.constant 14 : i32
      %shift_right_arithmetic3A_226 = vector.broadcast %shift_right_arithmetic3A_225 : i32 to vector<16xi32>
      %shift_right_arithmetic3A_227 = arith.shrsi %get3A_174, %shift_right_arithmetic3A_226 : vector<16xi32>
      %gather3A_228 = tpu.vector_load_idx %arg7[%shift_right_arithmetic3A_227] : memref<10000xf32, #tpu.memory_space<vmem>>[vector<16xi32>], vector<16xf32>,
      %shift_right_arithmetic3A_229 = arith.constant 14 : i32
      %shift_right_arithmetic3A_230 = vector.broadcast %shift_right_arithmetic3A_229 : i32 to vector<16xi32>
      %shift_right_arithmetic3A_231 = arith.shrsi %get3A_182, %shift_right_arithmetic3A_230 : vector<16xi32>
      %gather3A_232 = tpu.vector_load_idx %arg7[%shift_right_arithmetic3A_231] : memref<10000xf32, #tpu.memory_space<vmem>>[vector<16xi32>], vector<16xf32>,
      %shift_right_arithmetic3A_233 = arith.constant 14 : i32
      %shift_right_arithmetic3A_234 = vector.broadcast %shift_right_arithmetic3A_233 : i32 to vector<16xi32>
      %shift_right_arithmetic3A_235 = arith.shrsi %get3A_190, %shift_right_arithmetic3A_234 : vector<16xi32>
      %gather3A_236 = tpu.vector_load_idx %arg7[%shift_right_arithmetic3A_235] : memref<10000xf32, #tpu.memory_space<vmem>>[vector<16xi32>], vector<16xf32>,
      %shift_right_arithmetic3A_237 = arith.constant 14 : i32
      %shift_right_arithmetic3A_238 = vector.broadcast %shift_right_arithmetic3A_237 : i32 to vector<16xi32>
      %shift_right_arithmetic3A_239 = arith.shrsi %get3A_198, %shift_right_arithmetic3A_238 : vector<16xi32>
      %gather3A_240 = tpu.vector_load_idx %arg7[%shift_right_arithmetic3A_239] : memref<10000xf32, #tpu.memory_space<vmem>>[vector<16xi32>], vector<16xf32>,
      %shift_right_arithmetic3A_241 = arith.constant 14 : i32
      %shift_right_arithmetic3A_242 = vector.broadcast %shift_right_arithmetic3A_241 : i32 to vector<16xi32>
      %shift_right_arithmetic3A_243 = arith.shrsi %get3A_206, %shift_right_arithmetic3A_242 : vector<16xi32>
      %gather3A_244 = tpu.vector_load_idx %arg7[%shift_right_arithmetic3A_243] : memref<10000xf32, #tpu.memory_space<vmem>>[vector<16xi32>], vector<16xf32>,
      %shift_right_arithmetic3A_245 = arith.constant 14 : i32
      %shift_right_arithmetic3A_246 = vector.broadcast %shift_right_arithmetic3A_245 : i32 to vector<16xi32>
      %shift_right_arithmetic3A_247 = arith.shrsi %get3A_214, %shift_right_arithmetic3A_246 : vector<16xi32>
      %gather3A_248 = tpu.vector_load_idx %arg7[%shift_right_arithmetic3A_247] : memref<10000xf32, #tpu.memory_space<vmem>>[vector<16xi32>], vector<16xf32>,
      %shift_right_arithmetic3A_249 = arith.constant 14 : i32
      %shift_right_arithmetic3A_250 = vector.broadcast %shift_right_arithmetic3A_249 : i32 to vector<16xi32>
      %shift_right_arithmetic3A_251 = arith.shrsi %get3A_222, %shift_right_arithmetic3A_250 : vector<16xi32>
      %gather3A_252 = tpu.vector_load_idx %arg7[%shift_right_arithmetic3A_251] : memref<10000xf32, #tpu.memory_space<vmem>>[vector<16xi32>], vector<16xf32>,
      %and3A = arith.andi %get3A_166, %broadcast_in_dim3A_1 : vector<16xi32>
      tpu.vector_store_idx %arg8[%and3A], %gather3A {add = true} : memref<10000xf32, #tpu.memory_space<vmem>>[vector<16xi32>], vector<16xf32>,
      %and3A_253 = arith.andi %get3A_174, %broadcast_in_dim3A_1 : vector<16xi32>
      tpu.vector_store_idx %arg8[%and3A_253], %gather3A_228 {add = true} : memref<10000xf32, #tpu.memory_space<vmem>>[vector<16xi32>], vector<16xf32>,
      %and3A_254 = arith.andi %get3A_182, %broadcast_in_dim3A_1 : vector<16xi32>
      tpu.vector_store_idx %arg8[%and3A_254], %gather3A_232 {add = true} : memref<10000xf32, #tpu.memory_space<vmem>>[vector<16xi32>], vector<16xf32>,
      %and3A_255 = arith.andi %get3A_190, %broadcast_in_dim3A_1 : vector<16xi32>
      tpu.vector_store_idx %arg8[%and3A_255], %gather3A_236 {add = true} : memref<10000xf32, #tpu.memory_space<vmem>>[vector<16xi32>], vector<16xf32>,
      %and3A_256 = arith.andi %get3A_198, %broadcast_in_dim3A_1 : vector<16xi32>
      tpu.vector_store_idx %arg8[%and3A_256], %gather3A_240 {add = true} : memref<10000xf32, #tpu.memory_space<vmem>>[vector<16xi32>], vector<16xf32>,
      %and3A_257 = arith.andi %get3A_206, %broadcast_in_dim3A_1 : vector<16xi32>
      tpu.vector_store_idx %arg8[%and3A_257], %gather3A_244 {add = true} : memref<10000xf32, #tpu.memory_space<vmem>>[vector<16xi32>], vector<16xf32>,
      %and3A_258 = arith.andi %get3A_214, %broadcast_in_dim3A_1 : vector<16xi32>
      tpu.vector_store_idx %arg8[%and3A_258], %gather3A_248 {add = true} : memref<10000xf32, #tpu.memory_space<vmem>>[vector<16xi32>], vector<16xf32>,
      %and3A_259 = arith.andi %get3A_222, %broadcast_in_dim3A_1 : vector<16xi32>
      tpu.vector_store_idx %arg8[%and3A_259], %gather3A_252 {add = true} : memref<10000xf32, #tpu.memory_space<vmem>>[vector<16xi32>], vector<16xf32>,
    }
    %scan3A_158 = arith.constant 125 : i32
    "tpu.region"() ({
      %run_scoped3A = tpu.sem_alloc : memref<!tpu.dma_semaphore, #tpu.memory_space<semaphore_mem>>
      %dma_start3A_159 = arith.constant 0 : i32
      %dma_start3A_160 = tpu.memref_slice %arg4[%add3A, %dma_start3A_159] : memref<32x10000xf32, #tpu.memory_space<hbm>> -> memref<1x10000xf32, #tpu.memory_space<hbm>>
      %dma_start3A_161 = tpu.memref_squeeze %dma_start3A_160 : memref<1x10000xf32, #tpu.memory_space<hbm>> -> memref<10000xf32, #tpu.memory_space<hbm>>
      %dma_start3A_162 = arith.constant 0 : i32
      %dma_start3A_163 = tpu.memref_slice %arg4[%add3A, %dma_start3A_162] : memref<32x10000xf32, #tpu.memory_space<hbm>> -> memref<1x10000xf32, #tpu.memory_space<hbm>>
      %dma_start3A_164 = tpu.memref_squeeze %dma_start3A_163 : memref<1x10000xf32, #tpu.memory_space<hbm>> -> memref<10000xf32, #tpu.memory_space<hbm>>
      tpu.enqueue_dma source(%arg8 : memref<10000xf32, #tpu.memory_space<vmem>>) target(%dma_start3A_164 : memref<10000xf32, #tpu.memory_space<hbm>>) target_semaphore(%run_scoped3A : memref<!tpu.dma_semaphore, #tpu.memory_space<semaphore_mem>>)
      %dma_wait3A_165 = arith.constant 0 : i32
      %dma_wait3A_166 = tpu.memref_slice %arg4[%add3A, %dma_wait3A_165] : memref<32x10000xf32, #tpu.memory_space<hbm>> -> memref<1x10000xf32, #tpu.memory_space<hbm>>
      %dma_wait3A_167 = tpu.memref_squeeze %dma_wait3A_166 : memref<1x10000xf32, #tpu.memory_space<hbm>> -> memref<10000xf32, #tpu.memory_space<hbm>>
      %dma_wait3A_168 = arith.constant 0 : i32
      %dma_wait3A_169 = tpu.memref_slice %arg4[%add3A, %dma_wait3A_168] : memref<32x10000xf32, #tpu.memory_space<hbm>> -> memref<1x10000xf32, #tpu.memory_space<hbm>>
      %dma_wait3A_170 = tpu.memref_squeeze %dma_wait3A_169 : memref<1x10000xf32, #tpu.memory_space<hbm>> -> memref<10000xf32, #tpu.memory_space<hbm>>
      tpu.wait_dma2 semaphore(%run_scoped3A : memref<!tpu.dma_semaphore, #tpu.memory_space<semaphore_mem>>) src(%arg8 : memref<10000xf32, #tpu.memory_space<vmem>>) dst(%dma_wait3A_170 : memref<10000xf32, #tpu.memory_space<hbm>>)
      tpu.yield
    }) : () -> ()
    return
  }
}

#map = affine_map<(d0, d1) -> (0)>
#map1 = affine_map<(d0, d1) -> (0, 0)>
module attributes {stable_mosaic.version = 14 : i64} {
  func.func @_sc_deg(%arg0: i32, %arg1: i32, %arg2: memref<160000xi32, #tpu.memory_space<hbm>>, %arg3: memref<32x10000xf32, #tpu.memory_space<hbm>>, %arg4: memref<5000xi32, #tpu.memory_space<vmem>>, %arg5: memref<10000xf32, #tpu.memory_space<vmem>>, %arg6: memref<!tpu.dma_semaphore, #tpu.memory_space<semaphore_mem>>) attributes {dimension_semantics = [#tpu.dimension_semantics<core_parallel>, #tpu.dimension_semantics<subcore_parallel>], iteration_bounds = array<i64: 2, 16>, scalar_prefetch = 0 : i64, scratch_operands = 3 : i64, tpu.core_type = #tpu.core_type<sc_vector_subcore>, window_params = [{transform_indices = #map}, {transform_indices = #map1}]} {
    %mul3A = arith.constant 2 : i32
    %mul3A_0 = arith.muli %arg1, %mul3A : i32
    %add3A = arith.addi %mul3A_0, %arg0 : i32
    %mul3A_1 = arith.constant 5000 : i32
    %mul3A_2 = arith.muli %add3A, %mul3A_1 : i32
    %dma_start3A = tpu.memref_slice %arg2[%mul3A_2] : memref<160000xi32, #tpu.memory_space<hbm>> -> memref<5000xi32, #tpu.memory_space<hbm>>
    %dma_start3A_3 = tpu.memref_slice %arg2[%mul3A_2] : memref<160000xi32, #tpu.memory_space<hbm>> -> memref<5000xi32, #tpu.memory_space<hbm>>
    tpu.enqueue_dma source(%dma_start3A_3 : memref<5000xi32, #tpu.memory_space<hbm>>) target(%arg4 : memref<5000xi32, #tpu.memory_space<vmem>>) target_semaphore(%arg6 : memref<!tpu.dma_semaphore, #tpu.memory_space<semaphore_mem>>)
    %broadcast_in_dim3A = arith.constant 0.000000e+00 : f32
    %broadcast_in_dim3A_4 = vector.broadcast %broadcast_in_dim3A : f32 to vector<16xf32>
    %scan3A = arith.constant 0 : i32
    %scan3A_5 = arith.constant 0 : i32
    %scan3A_6 = arith.constant 625 : i32
    %scan3A_7 = arith.addi %scan3A_5, %scan3A_6 : i32
    %scan3A_8 = arith.constant 1 : i32
    scf.for %scan3A_24 = %scan3A_5 to %scan3A_7 step %scan3A_8  : i32 {
      %mul3A_25 = arith.constant 16 : i32
      %mul3A_26 = arith.muli %scan3A_24, %mul3A_25 : i32
      %swap3A = arith.index_cast %mul3A_26 : i32 to index
      %swap3A_27 = tpu.vector_load %arg5[%swap3A] {strides = array<i32>} : memref<10000xf32, #tpu.memory_space<vmem>>, vector<16xf32>,
      tpu.vector_store %arg5[%swap3A], %broadcast_in_dim3A_4 {strides = array<i32>} : memref<10000xf32, #tpu.memory_space<vmem>>, vector<16xf32>,
    }
    %scan3A_9 = arith.constant 625 : i32
    %dma_wait3A = tpu.memref_slice %arg2[%mul3A_2] : memref<160000xi32, #tpu.memory_space<hbm>> -> memref<5000xi32, #tpu.memory_space<hbm>>
    %dma_wait3A_10 = tpu.memref_slice %arg2[%mul3A_2] : memref<160000xi32, #tpu.memory_space<hbm>> -> memref<5000xi32, #tpu.memory_space<hbm>>
    tpu.wait_dma2 semaphore(%arg6 : memref<!tpu.dma_semaphore, #tpu.memory_space<semaphore_mem>>) src(%dma_wait3A_10 : memref<5000xi32, #tpu.memory_space<hbm>>) dst(%arg4 : memref<5000xi32, #tpu.memory_space<vmem>>)
    %broadcast_in_dim3A_11 = arith.constant 1.000000e+00 : f32
    %broadcast_in_dim3A_12 = vector.broadcast %broadcast_in_dim3A_11 : f32 to vector<16xf32>
    %broadcast_in_dim3A_13 = arith.constant 16383 : i32
    %broadcast_in_dim3A_14 = vector.broadcast %broadcast_in_dim3A_13 : i32 to vector<16xi32>
    %scan3A_15 = arith.constant 0 : i32
    %scan3A_16 = arith.constant 0 : i32
    %scan3A_17 = arith.constant 312 : i32
    %scan3A_18 = arith.addi %scan3A_16, %scan3A_17 : i32
    %scan3A_19 = arith.constant 1 : i32
    scf.for %scan3A_24 = %scan3A_16 to %scan3A_18 step %scan3A_19  : i32 {
      %mul3A_25 = arith.constant 16 : i32
      %mul3A_26 = arith.muli %scan3A_24, %mul3A_25 : i32
      %get3A_27 = arith.index_cast %mul3A_26 : i32 to index
      %get3A_28 = tpu.vector_load %arg4[%get3A_27] {strides = array<i32>} : memref<5000xi32, #tpu.memory_space<vmem>>, vector<16xi32>,
      %and3A_29 = arith.andi %get3A_28, %broadcast_in_dim3A_14 : vector<16xi32>
      tpu.vector_store_idx %arg5[%and3A_29], %broadcast_in_dim3A_12 {add = true} : memref<10000xf32, #tpu.memory_space<vmem>>[vector<16xi32>], vector<16xf32>,
    }
    %scan3A_20 = arith.constant 312 : i32
    %get3A = arith.constant 4984 : index
    %get3A_21 = tpu.vector_load %arg4[%get3A] {strides = array<i32>} : memref<5000xi32, #tpu.memory_space<vmem>>, vector<16xi32>,
    %iota3A = tpu.iota {dimensions = array<i32: 0>} : vector<16xi32>
    %ge3A = arith.constant 8 : i32
    %ge3A_22 = vector.broadcast %ge3A : i32 to vector<16xi32>
    %ge3A_23 = arith.cmpi sge, %iota3A, %ge3A_22 : vector<16xi32>
    %and3A = arith.andi %get3A_21, %broadcast_in_dim3A_14 : vector<16xi32>
    tpu.vector_store_idx %arg5[%and3A], %broadcast_in_dim3A_12 masked %ge3A_23 {add = true} : memref<10000xf32, #tpu.memory_space<vmem>>[vector<16xi32>], vector<16xf32>, vector<16xi1>
    "tpu.region"() ({
      %run_scoped3A = tpu.sem_alloc : memref<!tpu.dma_semaphore, #tpu.memory_space<semaphore_mem>>
      %dma_start3A_24 = arith.constant 0 : i32
      %dma_start3A_25 = tpu.memref_slice %arg3[%add3A, %dma_start3A_24] : memref<32x10000xf32, #tpu.memory_space<hbm>> -> memref<1x10000xf32, #tpu.memory_space<hbm>>
      %dma_start3A_26 = tpu.memref_squeeze %dma_start3A_25 : memref<1x10000xf32, #tpu.memory_space<hbm>> -> memref<10000xf32, #tpu.memory_space<hbm>>
      %dma_start3A_27 = arith.constant 0 : i32
      %dma_start3A_28 = tpu.memref_slice %arg3[%add3A, %dma_start3A_27] : memref<32x10000xf32, #tpu.memory_space<hbm>> -> memref<1x10000xf32, #tpu.memory_space<hbm>>
      %dma_start3A_29 = tpu.memref_squeeze %dma_start3A_28 : memref<1x10000xf32, #tpu.memory_space<hbm>> -> memref<10000xf32, #tpu.memory_space<hbm>>
      tpu.enqueue_dma source(%arg5 : memref<10000xf32, #tpu.memory_space<vmem>>) target(%dma_start3A_29 : memref<10000xf32, #tpu.memory_space<hbm>>) target_semaphore(%run_scoped3A : memref<!tpu.dma_semaphore, #tpu.memory_space<semaphore_mem>>)
      %dma_wait3A_30 = arith.constant 0 : i32
      %dma_wait3A_31 = tpu.memref_slice %arg3[%add3A, %dma_wait3A_30] : memref<32x10000xf32, #tpu.memory_space<hbm>> -> memref<1x10000xf32, #tpu.memory_space<hbm>>
      %dma_wait3A_32 = tpu.memref_squeeze %dma_wait3A_31 : memref<1x10000xf32, #tpu.memory_space<hbm>> -> memref<10000xf32, #tpu.memory_space<hbm>>
      %dma_wait3A_33 = arith.constant 0 : i32
      %dma_wait3A_34 = tpu.memref_slice %arg3[%add3A, %dma_wait3A_33] : memref<32x10000xf32, #tpu.memory_space<hbm>> -> memref<1x10000xf32, #tpu.memory_space<hbm>>
      %dma_wait3A_35 = tpu.memref_squeeze %dma_wait3A_34 : memref<1x10000xf32, #tpu.memory_space<hbm>> -> memref<10000xf32, #tpu.memory_space<hbm>>
      tpu.wait_dma2 semaphore(%run_scoped3A : memref<!tpu.dma_semaphore, #tpu.memory_space<semaphore_mem>>) src(%arg5 : memref<10000xf32, #tpu.memory_space<vmem>>) dst(%dma_wait3A_35 : memref<10000xf32, #tpu.memory_space<hbm>>)
      tpu.yield
    }) : () -> ()
    return
  }
}

module attributes {stable_mosaic.version = 14 : i64} {
  func.func @_kd_body(%arg0: memref<32x10000xf32, #tpu.memory_space<vmem>>, %arg1: memref<32x10000xf32, #tpu.memory_space<vmem>>, %arg2: memref<1x10000xf32, #tpu.memory_space<vmem>>, %arg3: memref<32x10000xf32, #tpu.memory_space<vmem>>) attributes {dimension_semantics = [], scalar_prefetch = 0 : i64, scratch_operands = 0 : i64, tpu.core_type = #tpu.core_type<tc>} {
    %get3A = arith.constant 0 : index
    %get3A_0 = arith.constant 0 : index
    %get3A_1 = vector.load %arg0[%get3A, %get3A_0] : memref<32x10000xf32, #tpu.memory_space<vmem>>, vector<32x10000xf32>
    %reduce_sum3A = arith.constant dense<0.000000e+00> : vector<10000xf32>
    %reduce_sum3A_2 = vector.multi_reduction <add>, %get3A_1, %reduce_sum3A [0] : vector<32x10000xf32> to vector<10000xf32>
    %broadcast_in_dim3A = vector.shape_cast %reduce_sum3A_2 : vector<10000xf32> to vector<1x10000xf32>
    %add3A = arith.constant 1.000000e+00 : f32
    %add3A_3 = vector.broadcast %add3A : f32 to vector<1x10000xf32>
    %add3A_4 = arith.addf %add3A_3, %broadcast_in_dim3A : vector<1x10000xf32>
    %rsqrt3A = math.rsqrt %add3A_4 : vector<1x10000xf32>
    %swap3A = arith.constant 0 : index
    %swap3A_5 = arith.constant 0 : index
    %swap3A_6 = vector.load %arg2[%swap3A, %swap3A_5] : memref<1x10000xf32, #tpu.memory_space<vmem>>, vector<1x10000xf32>
    tpu.vector_store %arg2[%swap3A, %swap3A_5], %rsqrt3A {strides = array<i32>} : memref<1x10000xf32, #tpu.memory_space<vmem>>, vector<1x10000xf32>,
    %get3A_7 = arith.constant 0 : index
    %get3A_8 = arith.constant 0 : index
    %get3A_9 = vector.load %arg1[%get3A_7, %get3A_8] : memref<32x10000xf32, #tpu.memory_space<vmem>>, vector<32x10000xf32>
    %mul3A = vector.broadcast %rsqrt3A : vector<1x10000xf32> to vector<32x10000xf32>
    %mul3A_10 = arith.mulf %mul3A, %get3A_9 : vector<32x10000xf32>
    %swap3A_11 = arith.constant 0 : index
    %swap3A_12 = arith.constant 0 : index
    %swap3A_13 = vector.load %arg3[%swap3A_11, %swap3A_12] : memref<32x10000xf32, #tpu.memory_space<vmem>>, vector<32x10000xf32>
    tpu.vector_store %arg3[%swap3A_11, %swap3A_12], %mul3A_10 {strides = array<i32>} : memref<32x10000xf32, #tpu.memory_space<vmem>>, vector<32x10000xf32>,
    return
  }
}

module attributes {stable_mosaic.version = 14 : i64} {
  func.func @_k1_body(%arg0: memref<10000x128xf32, #tpu.memory_space<vmem>>, %arg1: memref<128x32xf32, #tpu.memory_space<vmem>>, %arg2: memref<2x160000xi32, #tpu.memory_space<vmem>>, %arg3: memref<32x10000xf32, #tpu.memory_space<vmem>>, %arg4: memref<1x160000xi32, #tpu.memory_space<vmem>>) attributes {dimension_semantics = [], scalar_prefetch = 0 : i64, scratch_operands = 0 : i64, tpu.core_type = #tpu.core_type<tc>} {
    %get3A = arith.constant 0 : index
    %get3A_0 = arith.constant 0 : index
    %get3A_1 = vector.load %arg1[%get3A, %get3A_0] : memref<128x32xf32, #tpu.memory_space<vmem>>, vector<128x32xf32>
    %get3A_2 = arith.constant 0 : index
    %get3A_3 = arith.constant 0 : index
    %get3A_4 = vector.load %arg0[%get3A_2, %get3A_3] : memref<10000x128xf32, #tpu.memory_space<vmem>>, vector<10000x128xf32>
    %dot_general3A = arith.constant dense<0.000000e+00> : vector<32x10000xf32>
    %dot_general3A_5 = tpu.matmul %get3A_1, %get3A_4, %dot_general3A {dimension_numbers = #tpu.dot_dimension_numbers<[0], [1], [1], [0], [0, 1, 1, 0], [], []>, transpose_lhs_hint = false} : vector<128x32xf32>, vector<10000x128xf32>, vector<32x10000xf32> -> vector<32x10000xf32>
    %swap3A = arith.constant 0 : index
    %swap3A_6 = arith.constant 0 : index
    %swap3A_7 = vector.load %arg3[%swap3A, %swap3A_6] : memref<32x10000xf32, #tpu.memory_space<vmem>>, vector<32x10000xf32>
    tpu.vector_store %arg3[%swap3A, %swap3A_6], %dot_general3A_5 {strides = array<i32>} : memref<32x10000xf32, #tpu.memory_space<vmem>>, vector<32x10000xf32>,
    %get3A_8 = arith.constant 0 : index
    %get3A_9 = arith.constant 0 : index
    %get3A_10 = vector.load %arg2[%get3A_8, %get3A_9] : memref<2x160000xi32, #tpu.memory_space<vmem>>, vector<1x160000xi32>
    %shift_left3A = arith.constant 14 : i32
    %shift_left3A_11 = vector.broadcast %shift_left3A : i32 to vector<1x160000xi32>
    %shift_left3A_12 = arith.shli %get3A_10, %shift_left3A_11 : vector<1x160000xi32>
    %get3A_13 = arith.constant 1 : index
    %get3A_14 = arith.constant 0 : index
    %get3A_15 = vector.load %arg2[%get3A_13, %get3A_14] : memref<2x160000xi32, #tpu.memory_space<vmem>>, vector<1x160000xi32>
    %or3A = arith.ori %shift_left3A_12, %get3A_15 : vector<1x160000xi32>
    %swap3A_16 = arith.constant 0 : index
    %swap3A_17 = arith.constant 0 : index
    %swap3A_18 = vector.load %arg4[%swap3A_16, %swap3A_17] : memref<1x160000xi32, #tpu.memory_space<vmem>>, vector<1x160000xi32>
    tpu.vector_store %arg4[%swap3A_16, %swap3A_17], %or3A {strides = array<i32>} : memref<1x160000xi32, #tpu.memory_space<vmem>>, vector<1x160000xi32>,
    return
  }
}

module attributes {stable_mosaic.version = 14 : i64} {
  func.func @_k2c_body(%arg0: memref<32x10000xf32, #tpu.memory_space<vmem>>, %arg1: memref<32x10000xf32, #tpu.memory_space<vmem>>, %arg2: memref<1x10000xf32, #tpu.memory_space<vmem>>, %arg3: memref<32x1xf32, #tpu.memory_space<vmem>>, %arg4: memref<32x10000xf32, #tpu.memory_space<vmem>>) attributes {dimension_semantics = [], scalar_prefetch = 0 : i64, scratch_operands = 0 : i64, tpu.core_type = #tpu.core_type<tc>} {
    %get3A = arith.constant 0 : index
    %get3A_0 = arith.constant 0 : index
    %get3A_1 = vector.load %arg2[%get3A, %get3A_0] : memref<1x10000xf32, #tpu.memory_space<vmem>>, vector<1x10000xf32>
    %get3A_2 = arith.constant 0 : index
    %get3A_3 = arith.constant 0 : index
    %get3A_4 = vector.load %arg0[%get3A_2, %get3A_3] : memref<32x10000xf32, #tpu.memory_space<vmem>>, vector<32x10000xf32>
    %get3A_5 = arith.constant 0 : index
    %get3A_6 = arith.constant 0 : index
    %get3A_7 = vector.load %arg1[%get3A_5, %get3A_6] : memref<32x10000xf32, #tpu.memory_space<vmem>>, vector<32x10000xf32>
    %add3A = arith.addf %get3A_4, %get3A_7 : vector<32x10000xf32>
    %mul3A = vector.broadcast %get3A_1 : vector<1x10000xf32> to vector<32x10000xf32>
    %mul3A_8 = arith.mulf %mul3A, %add3A : vector<32x10000xf32>
    %get3A_9 = arith.constant 0 : index
    %get3A_10 = arith.constant 0 : index
    %get3A_11 = vector.load %arg3[%get3A_9, %get3A_10] : memref<32x1xf32, #tpu.memory_space<vmem>>, vector<32x1xf32>
    %add3A_12 = vector.broadcast %get3A_11 : vector<32x1xf32> to vector<32x10000xf32>
    %add3A_13 = arith.addf %mul3A_8, %add3A_12 : vector<32x10000xf32>
    %max3A = arith.constant 0.000000e+00 : f32
    %max3A_14 = vector.broadcast %max3A : f32 to vector<32x10000xf32>
    %max3A_15 = arith.maximumf %add3A_13, %max3A_14 : vector<32x10000xf32>
    %swap3A = arith.constant 0 : index
    %swap3A_16 = arith.constant 0 : index
    %swap3A_17 = vector.load %arg4[%swap3A, %swap3A_16] : memref<32x10000xf32, #tpu.memory_space<vmem>>, vector<32x10000xf32>
    tpu.vector_store %arg4[%swap3A, %swap3A_16], %max3A_15 {strides = array<i32>} : memref<32x10000xf32, #tpu.memory_space<vmem>>, vector<32x10000xf32>,
    return
  }
}

module attributes {stable_mosaic.version = 14 : i64} {
  func.func @_fc1_body(%arg0: i32, %arg1: memref<1x16000xf32, #tpu.memory_space<vmem>>, %arg2: memref<16000x128xf32, #tpu.memory_space<vmem>>, %arg3: memref<1x128xf32, #tpu.memory_space<vmem>>) attributes {dimension_semantics = [#tpu.dimension_semantics<arbitrary>], iteration_bounds = array<i64: 20>, scalar_prefetch = 0 : i64, scratch_operands = 0 : i64, tpu.core_type = #tpu.core_type<tc>, window_params = [{transform_indices = @transform_0, window_bounds = array<i64: 1, 16000>}, {transform_indices = @transform_1, window_bounds = array<i64: 16000, 128>}, {pipeline_mode = #tpu.pipeline_mode<synchronous>, transform_indices = @transform_2, window_bounds = array<i64: 1, 128>}]} {
    %eq3A = arith.constant 0 : i32
    %eq3A_0 = arith.cmpi eq, %arg0, %eq3A : i32
    %convert_element_type3A = arith.extui %eq3A_0 : i1 to i32
    %cond3A = arith.constant 0 : i32
    %cond3A_1 = arith.cmpi ne, %convert_element_type3A, %cond3A : i32
    scf.if %cond3A_1 {
      %broadcast_in_dim3A = arith.constant 0.000000e+00 : f32
      %broadcast_in_dim3A_13 = vector.broadcast %broadcast_in_dim3A : f32 to vector<1x128xf32>
      %swap3A_14 = arith.constant 0 : index
      %swap3A_15 = arith.constant 0 : index
      %swap3A_16 = vector.load %arg3[%swap3A_14, %swap3A_15] : memref<1x128xf32, #tpu.memory_space<vmem>>, vector<1x128xf32>
      tpu.vector_store %arg3[%swap3A_14, %swap3A_15], %broadcast_in_dim3A_13 {strides = array<i32>} : memref<1x128xf32, #tpu.memory_space<vmem>>, vector<1x128xf32>,
    } else {
    }
    %get3A = arith.constant 0 : index
    %get3A_2 = arith.constant 0 : index
    %get3A_3 = vector.load %arg3[%get3A, %get3A_2] : memref<1x128xf32, #tpu.memory_space<vmem>>, vector<1x128xf32>
    %get3A_4 = arith.constant 0 : index
    %get3A_5 = arith.constant 0 : index
    %get3A_6 = vector.load %arg1[%get3A_4, %get3A_5] : memref<1x16000xf32, #tpu.memory_space<vmem>>, vector<1x16000xf32>
    %get3A_7 = arith.constant 0 : index
    %get3A_8 = arith.constant 0 : index
    %get3A_9 = vector.load %arg2[%get3A_7, %get3A_8] : memref<16000x128xf32, #tpu.memory_space<vmem>>, vector<16000x128xf32>
    %dot_general3A = arith.constant dense<0.000000e+00> : vector<1x128xf32>
    %dot_general3A_10 = tpu.matmul %get3A_6, %get3A_9, %dot_general3A {dimension_numbers = #tpu.dot_dimension_numbers<[1], [0], [0], [1], [0, 0, 1, 1], [], []>, transpose_lhs_hint = false} : vector<1x16000xf32>, vector<16000x128xf32>, vector<1x128xf32> -> vector<1x128xf32>
    %add3A = arith.addf %get3A_3, %dot_general3A_10 : vector<1x128xf32>
    %swap3A = arith.constant 0 : index
    %swap3A_11 = arith.constant 0 : index
    %swap3A_12 = vector.load %arg3[%swap3A, %swap3A_11] : memref<1x128xf32, #tpu.memory_space<vmem>>, vector<1x128xf32>
    tpu.vector_store %arg3[%swap3A, %swap3A_11], %add3A {strides = array<i32>} : memref<1x128xf32, #tpu.memory_space<vmem>>, vector<1x128xf32>,
    return
  }
  func.func @transform_0(%arg0: i32) -> (i32, i32) {
    %c0_i32 = arith.constant 0 : i32
    %c0_i32_0 = arith.constant 0 : i32
    return %c0_i32, %arg0 : i32, i32
  }
  func.func @transform_1(%arg0: i32) -> (i32, i32) {
    %c0_i32 = arith.constant 0 : i32
    %c0_i32_0 = arith.constant 0 : i32
    return %arg0, %c0_i32 : i32, i32
  }
  func.func @transform_2(%arg0: i32) -> (i32, i32) {
    %c0_i32 = arith.constant 0 : i32
    %c0_i32_0 = arith.constant 0 : i32
    %c0_i32_1 = arith.constant 0 : i32
    return %c0_i32, %c0_i32_0 : i32, i32
  }
}

module attributes {stable_mosaic.version = 14 : i64} {
  func.func @_fc2_body(%arg0: memref<1x128xf32, #tpu.memory_space<vmem>>, %arg1: memref<1x128xf32, #tpu.memory_space<vmem>>, %arg2: memref<128x10000xf32, #tpu.memory_space<vmem>>, %arg3: memref<1x10000xf32, #tpu.memory_space<vmem>>, %arg4: memref<1x10000xf32, #tpu.memory_space<vmem>>) attributes {dimension_semantics = [], scalar_prefetch = 0 : i64, scratch_operands = 0 : i64, tpu.core_type = #tpu.core_type<tc>} {
    %get3A = arith.constant 0 : index
    %get3A_0 = arith.constant 0 : index
    %get3A_1 = vector.load %arg0[%get3A, %get3A_0] : memref<1x128xf32, #tpu.memory_space<vmem>>, vector<1x128xf32>
    %get3A_2 = arith.constant 0 : index
    %get3A_3 = arith.constant 0 : index
    %get3A_4 = vector.load %arg1[%get3A_2, %get3A_3] : memref<1x128xf32, #tpu.memory_space<vmem>>, vector<1x128xf32>
    %add3A = arith.addf %get3A_1, %get3A_4 : vector<1x128xf32>
    %max3A = arith.constant 0.000000e+00 : f32
    %max3A_5 = vector.broadcast %max3A : f32 to vector<1x128xf32>
    %max3A_6 = arith.maximumf %add3A, %max3A_5 : vector<1x128xf32>
    %get3A_7 = arith.constant 0 : index
    %get3A_8 = arith.constant 0 : index
    %get3A_9 = vector.load %arg2[%get3A_7, %get3A_8] : memref<128x10000xf32, #tpu.memory_space<vmem>>, vector<128x10000xf32>
    %dot_general3A = arith.constant dense<0.000000e+00> : vector<1x10000xf32>
    %dot_general3A_10 = tpu.matmul %max3A_6, %get3A_9, %dot_general3A {dimension_numbers = #tpu.dot_dimension_numbers<[1], [0], [0], [1], [0, 0, 1, 1], [], []>, transpose_lhs_hint = false} : vector<1x128xf32>, vector<128x10000xf32>, vector<1x10000xf32> -> vector<1x10000xf32>
    %get3A_11 = arith.constant 0 : index
    %get3A_12 = arith.constant 0 : index
    %get3A_13 = vector.load %arg3[%get3A_11, %get3A_12] : memref<1x10000xf32, #tpu.memory_space<vmem>>, vector<1x10000xf32>
    %add3A_14 = arith.addf %dot_general3A_10, %get3A_13 : vector<1x10000xf32>
    %max3A_15 = arith.constant 0.000000e+00 : f32
    %max3A_16 = vector.broadcast %max3A_15 : f32 to vector<1x10000xf32>
    %max3A_17 = arith.maximumf %add3A_14, %max3A_16 : vector<1x10000xf32>
    %swap3A = arith.constant 0 : index
    %swap3A_18 = arith.constant 0 : index
    %swap3A_19 = vector.load %arg4[%swap3A, %swap3A_18] : memref<1x10000xf32, #tpu.memory_space<vmem>>, vector<1x10000xf32>
    tpu.vector_store %arg4[%swap3A, %swap3A_18], %max3A_17 {strides = array<i32>} : memref<1x10000xf32, #tpu.memory_space<vmem>>, vector<1x10000xf32>,
    return
  }
}

</mosaic_0001>

<sc_bundles>
// kernel: kernel.12.cloned.1.call-start
scs
__scs_entry_jumppad:
0x0: {  	(pc) =	sbr.rel $0x88, $3  }
0x1: {  	(tag) =	ssettag $0x0;
	lr =	simm.s32 $0x1  }
0x2: {  	[smem:$0x3F99] =	sst lr;
	_ =	strace $0xD0000000  }
0x3: {  	_ = 	snop  }
0x4: {  	_ = 	snop  }
0x5: {  	_ = 	snop  }
0x6: {  	_ = 	snop  }
0x7: {  	_ = 	snop  }
__scs_overlays_trampoline_lowered:
0x8: {  	[smem:$0x3FA8] =	sst s0  }
0x9: {  	[smem:$0x3FA9] =	sst s1  }
0xa: {  	[smem:$0x3FAA] =	sst s2  }
0xb: {  	[smem:$0x3FAB] =	sst s3  }
0xc: {  	[smem:$0x3FAC] =	sst s4  }
0xd: {  	[smem:$0x3FAD] =	sst s5  }
0xe: {  	[smem:$0x3FAE] =	sst s6  }
0xf: {  	[smem:$0x3FAF] =	sst s7  }
0x10: {  	[smem:$0x3FB0] =	sst s8  }
0x11: {  	[smem:$0x3FB1] =	sst s9;
	s0 =	simm.s32 @!p0 $0x0  }
0x12: {  	s1 =	sld [smem:$0x3F97];
	s0 =	simm.s32 @p0 $0x1  }
0x13: {  	[smem:$0x3FB2] =	sst s0;
	s0 =	simm.s32 @!p1 $0x0  }
0x14: {  	s2 =	sld [smem:$0x3F96];
	s0 =	simm.s32 @p1 $0x1  }
0x15: {  	[smem:$0x3FB3] =	sst s0;
	s0 =	simm.s32 @!p2 $0x0  }
0x16: {  	s3 =	sld [smem:$0x3FDB];
	s0 =	simm.s32 @p2 $0x1  }
0x17: {  	s4 =	simm.s32 $0x1BF5;
	[smem:$0x3FB5] =	sst s0  }
0x18: {  	s0 =	sld [smem:$0x3F98];
	_ =	swait.ge [sflag:s4], $0x0  }
0x19: {  	s7 =	sld [smem:$0x3F99]  }
0x1a: {  	s8 =	sadd.s32 $0xFFFFE003, lr  }
0x1b: {  	s9 =	sadd.s32 $0xFFFFFEF7, lr;
	s5 =	simm.s32 $0xFFFFFFFF;
	p2 =	slt.u32 s8, $0xFFFFF086  }
0x1c: {  	p1 =	slt.u32 s9, $0xF7A;
	s5 =	simm.s32 @!p2 $0x0  }
0x1d: {  	s5 =	simm.s32 @p1 $0x1;
	p0 =	seq.s32 s7, s2  }
0x1e: {  	s7 =	smul.u32 @!p0 $0xF7A, s2;
	p2 =	seq.s32 @!p0 s5, $0x0  }
0x1f: {  	s9 =	smul.u32 $0xF7A, s1;
	s8 =	simm.s32 @!p0 $0x1BF5;
	p2 =	por !p2, p0  }
0x20: {  	[sflag:s8] =	ssyncset.s32 @!p0 $0xFFFFF086;
	s6 =	sadd.s32 @!p0 s3, s7;
	s7 =	simm.s32 @!p0 $0x108  }
0x21: {  	s3 =	sadd.s32 s3, s9;
	s6 =	sadd.s32 @!p0 $0x88, s6;
	s7 =	simm.s32 @p2 $0x1082  }
0x22: {  	[simem:s7], [sflag:s8] =	dma.local @!p0 [hbm:s6], $0xF7A  }
0x23: {  	s9 =	sor.u32 $0xD0000000, s2;
	s6 =	simm.s32 $0x108;
	_ =	swait.ge @!p0 [sflag:s8], $0x0  }
0x24: {  	s3 =	sadd.s32 $0x88, s3;
	s6 =	simm.s32 @!p1 $0x1082;
	[sflag:s4] =	ssyncset.s32 $0xFFFFF086  }
0x25: {  	[simem:s6], [sflag:s4] =	dma.local [hbm:s3], $0xF7A  }
0x26: {  	[smem:$0x3F99] =	sst s1;
	(tag) =	ssettag s2;
	_ =	strace s9  }
0x27: {  	s1 =	sld [smem:$0x3FA9]  }
0x28: {  	s2 =	sld [smem:$0x3FAA]  }
0x29: {  	s4 =	sld [smem:$0x3FAC]  }
0x2a: {  	p0 =	seq.s32 s5, $0x0;
	s5 =	sld [smem:$0x3FAD]  }
0x2b: {  	s6 =	sld [smem:$0x3FAE]  }
0x2c: {  	s7 =	sld [smem:$0x3FAF]  }
0x2d: {  	s3 =	simm.s32 $0x108;
	s8 =	sld [smem:$0x3FB0]  }
0x2e: {  	s3 =	simm.s32 @!p0 $0x1082;
	s9 =	sld [smem:$0x3FB1]  }
0x2f: {  	lr =	sadd.s32 s0, s3;
	s0 =	sld [smem:$0x3FA8]  }
0x30: {  	s3 =	sld [smem:$0x3FAB]  }
0x31: {  	[smem:$0x3FB4] =	sst s10  }
0x32: {  	s10 =	sld [smem:$0x3FB2];
	_ =	sdelay $0x3  }
0x33: {  	p0 =	seq.s32 s10, $0x1;
	s10 =	sld [smem:$0x3FB4];
	_ =	sdelay $0x3  }
0x34: {  	[smem:$0x3FB4] =	sst s10  }
0x35: {  	s10 =	sld [smem:$0x3FB3];
	_ =	sdelay $0x3  }
0x36: {  	p1 =	seq.s32 s10, $0x1;
	s10 =	sld [smem:$0x3FB4];
	_ =	sdelay $0x3  }
0x37: {  	[smem:$0x3FB4] =	sst s10  }
0x38: {  	s10 =	sld [smem:$0x3FB5]  }
0x39: {  	_ = 	snop;
	(pc) =	sbr.ind lr, $3  }
0x3a: {  	_ = 	snop  }
0x3b: {  	_ = 	snop  }
0x3c: {  	p2 =	seq.s32 s10, $0x1;
	s10 =	sld [smem:$0x3FB4]  }
0x3d: {  	_ =	shalt  }
0x3e: {  	_ =	shalt  }
0x3f: {  	_ =	shalt  }
0x40: {  	_ =	shalt  }
0x41: {  	_ =	shalt  }
0x42: {  	_ =	shalt  }
0x43: {  	_ =	shalt  }
0x44: {  	_ =	shalt  }
0x45: {  	_ =	shalt  }
0x46: {  	_ =	shalt  }
0x47: {  	_ =	shalt  }
0x48: {  	_ =	shalt  }
0x49: {  	_ =	shalt  }
0x4a: {  	_ =	shalt  }
0x4b: {  	_ =	shalt  }
0x4c: {  	_ =	shalt  }
0x4d: {  	_ =	shalt  }
0x4e: {  	_ =	shalt  }
0x4f: {  	_ =	shalt  }
0x50: {  	_ =	shalt  }
0x51: {  	_ =	shalt  }
0x52: {  	_ =	shalt  }
0x53: {  	_ =	shalt  }
0x54: {  	_ =	shalt  }
0x55: {  	_ =	shalt  }
0x56: {  	_ =	shalt  }
0x57: {  	_ =	shalt  }
0x58: {  	_ =	shalt  }
0x59: {  	_ =	shalt  }
0x5a: {  	_ =	shalt  }
0x5b: {  	_ =	shalt  }
0x5c: {  	_ =	shalt  }
0x5d: {  	_ =	shalt  }
0x5e: {  	_ =	shalt  }
0x5f: {  	_ =	shalt  }
0x60: {  	_ =	shalt  }
0x61: {  	_ =	shalt  }
0x62: {  	_ =	shalt  }
0x63: {  	_ =	shalt  }
0x64: {  	_ =	shalt  }
0x65: {  	_ =	shalt  }
0x66: {  	_ =	shalt  }
0x67: {  	_ =	shalt  }
0x68: {  	_ =	shalt  }
0x69: {  	_ =	shalt  }
0x6a: {  	_ =	shalt  }
0x6b: {  	_ =	shalt  }
0x6c: {  	_ =	shalt  }
0x6d: {  	_ =	shalt  }
0x6e: {  	_ =	shalt  }
0x6f: {  	_ =	shalt  }
0x70: {  	_ =	shalt  }
0x71: {  	_ =	shalt  }
0x72: {  	_ =	shalt  }
0x73: {  	_ =	shalt  }
0x74: {  	_ =	shalt  }
0x75: {  	_ =	shalt  }
0x76: {  	_ =	shalt  }
0x77: {  	_ =	shalt  }
0x78: {  	_ =	shalt  }
0x79: {  	_ =	shalt  }
0x7a: {  	_ =	shalt  }
0x7b: {  	_ =	shalt  }
0x7c: {  	_ =	shalt  }
0x7d: {  	_ =	shalt  }
0x7e: {  	_ =	shalt  }
0x7f: {  	_ =	shalt  }
0x80: {  	_ =	shalt  }
0x81: {  	_ =	shalt  }
0x82: {  	_ =	shalt  }
0x83: {  	_ =	shalt  }
0x84: {  	_ =	shalt  }
0x85: {  	_ =	shalt  }
0x86: {  	_ =	shalt  }
0x87: {  	_ =	shalt  }
.Lfunc_end0:
.L_simem_size_0:
called_computation.1_lowered:
.L_overlay_start_0:
0x88: {  	s2 =	sld [smem:$0x3FD9]  }
0x89: {  	s3 =	sld [smem:$0x3FFE];
	_ =	sdelay $0x1  }
0x8a: {  	s1 =	srdreg.scid  }
0x8b: {  	s0 =	sand.u32 $0x1, s1  }
0x8c: {  	s16 =	sshll.u32 s0, $0xA;
	s2 =	sadd.s32 s3, s2  }
0x8d: {  	s2 =	sadd.s32 s2, s16  }
0x8e: {  	[smem:$0x3FC0] =	sst s2  }
0x8f: {  	_ = 	snop  }
0x90: {  	(tm) =	ssettm $0x1  }
0x91: {  	s17 =	sld [smem:$0x3FFB];
	_ =	sdelay $0x3  }
0x92: {  	_ =	strace s17  }
0x93: {  	s2 =	sld [smem:$0x3FFC];
	_ =	sdelay $0x3  }
0x94: {  	_ =	strace s2  }
0x95: {  	s2 =	sld [smem:$0x3FFD];
	_ =	sdelay $0x3  }
0x96: {  	_ =	strace s2  }
0x97: {  	_ =	strace $0x8FFFFFFF  }
0x98: {  	s18 =	sld [smem:$0x3FDB];
	_ =	sdelay $0x1  }
0x99: {  	s19 =	simm.s32 $_scs_section_size  }
0x9a: {  	s4 =	simm.s32 $_size__tile_overlayer_lowered;
	s5 =	simm.s32 $_tile_overlayer_lowered  }
0x9b: {  	s22 =	simm.s32 $0x1BFF;
	s21 =	sshll.u32 s5, $0x1;
	s2 =	sadd.s32 s19, s18  }
0x9c: {  	s6 =	simm.s32 $0x0;
	s20 =	sshll.u32 s4, $0x1;
	s4 =	sadd.s32 s21, s2  }
0x9d: {  	[timem:s6], [sflag:s22] =	dma.local [hbm:s4], s20  }
0x9e: {  	_ =	swait.ge [sflag:s22], s20  }
0x9f: {  	s3 =	ssub.s32 $0x0, s20;
	[sflag:s22] =	ssyncset.done $0x0  }
0xa0: {  	[sflag:s22] =	ssyncadd.s32 s3;
	_ =	sdelay $0x1  }
0xa1: {  	s23 =	simm.s32 $0x1B8B  }
0xa2: {  	_ =	swait.ge [sflag:s23], $0x1  }
0xa3: {  	[sflag:s23] =	ssyncset.done $0x0  }
0xa4: {  	s25 =	simm.s32 $0x1B8E;
	s24 =	sld [smem:$0x3FFE];
	[sflag:s23] =	ssyncadd.s32 $0xFFFFFFFF  }
0xa5: {  	s26 =	simm.s32 $execute0_lowered;
	[smem:$0x3FD2] =	sst s25  }
0xa6: {  	s4 =	sshll.u32 s26, $0x1;
	_ =	strace $0x80000049;
	[dreg:$0x1] =	wrdreg $0xFFFFFFFF  }
0xa7: {  	s28 =	simm.s32 $_size_execute0_lowered;
	s2 =	sadd.s32 s2, s4;
	[dreg:$0x0] =	wrdreg $0x0  }
0xa8: {  	s4 =	sshll.u32 s28, $0x1;
	[dreg:$0x2] =	wrdreg s2  }
0xa9: {  	[dreg:$0x3] =	wrdreg s4  }
0xaa: {  	[dreg:$0x4] =	wrdreg $0xC0  }
0xab: {  	_ =	task [dreg:s6], $0x5FFFF  }
0xac: {  	[dreg:$0x1] =	wrdreg $0xFFFFFFFF  }
0xad: {  	[dreg:$0x0] =	wrdreg $0x60  }
0xae: {  	[dreg:$0x2] =	wrdreg s24  }
0xaf: {  	[dreg:$0x3] =	wrdreg $0x9  }
0xb0: {  	_ =	task.clear_ibuf [dreg:s6], $0x4FFFF;
	_ =	strace $0x90000049  }
0xb1: {  	s29 =	simm.s32 $0x9;
	_ =	strace $0x8000004B  }
0xb2: {  	_ =	swait.ge [sflag:s29], $0x1  }
0xb3: {  	[sflag:s29] =	ssyncadd.s32 $0xFFFFFFFF  }
0xb4: {  	_ =	strace $0x9000004B  }
0xb5: {  	_ =	sfence  }
0xb6: {  	s30 =	sld [smem:$0x0];
	_ =	sdelay $0x2  }
0xb7: {  	s31 =	sshll.u32 s1, $0xD;
	s1 =	sshrl.u32 s1, $0x2  }
0xb8: {  	s3 =	sand.u32 $0x4000, s31;
	s1 =	sadd.s32 s1, s30  }
0xb9: {  	s0 =	sor.u32 s3, s0;
	s1 =	sshll.u32 s1, $0x11  }
0xba: {  	s0 =	sor.u32 s1, s0  }
0xbb: {  	s0 =	sadd.s32 $0x8F2B, s0  }
0xbc: {  	[sflag:s0] =	ssyncadd.remote.s32 $0x1  }
0xbd: {  	_ =	sfence.sel $0xFFFF  }
0xbe: {  	[dreg:$0x0] =	wrdreg $0xFFFFFFFF;
	(pc) =	sbr.abs _section_cstart, $3  }
0xbf: {  	[dreg:$0x1] =	wrdreg $0xFFFFFFFF  }
0xc0: {  	_ =	task.clear_ibuf [dreg:s6], $0x2FFFF;
	_ =	strace $0x9FFFFFFF  }
0xc1: {  	(tm) =	ssettm $0x7FFFFFFF  }
tec
execute0_lowered:
.L_overlay_start_1:
0x0: {  	(tag) =	ssettag $0x1  }
0x1: {  	s1 =	srdreg.scid  }
0x2: {  	s0 =	stileid.u32;
	s13 =	rddreg [dreg:$0x0];
	s16 =	simm.s32 $0x80  }
0x3: {  	s17 =	simm.s32 $0x400;
	s18 =	simm.s32 $0x7D00;
	s19 =	simm.s32 $0x3  }
0x4: {  	s20 =	simm.s32 $0x3E80;
	s21 =	simm.s32 $0x1;
	s22 =	simm.s32 $0xA480  }
0x5: {  	s23 =	simm.s32 $0x2;
	s24 =	simm.s32 $0x4;
	s25 =	simm.s32 $0x0  }
0x6: {  	s3 =	sand.u32 $0x1, s1;
	s28 =	sshrl.u32 s0, $0x2;
	s2 =	sshll.u32 s0, $0x8  }
0x7: {  	s1 =	rddreg [dreg:$0x1];
	s6 =	sadd.s32 $0x31A0, s13;
	s7 =	sadd.s32 $0x3970, s13  }
0x8: {  	s8 =	sadd.s32 $0x4140, s13;
	s9 =	sadd.s32 $0x4910, s13;
	s10 =	sadd.s32 $0x50E0, s13  }
0x9: {  	s11 =	sadd.s32 $0x58B0, s13;
	s12 =	sadd.s32 $0x6080, s13;
	s4 =	smul.u32 $0x13C00, s28  }
0xa: {  	s29 =	sshll.u32 s3, $0x7;
	s2 =	sand.u32 $0x300, s2;
	s30 =	ssub.s32 $0x2, s3  }
0xb: {  	s3 =	sadd.s32 $0x2200, s13;
	s5 =	sor.u32 s29, s2;
	s2 =	simm.s32 $0x0  }
0xc: {  	s31 =	sshrl.u32 s30, $0x1;
	s4 =	sor.u32 s4, s5;
	[smem:$0x7FF] =	sst s2  }
0xd: {  	s15 =	ssub.s32 s30, s31;
	s5 =	sadd.s32 $0x29D0, s13;
	s4 =	sshrl.u32 s4, $0x3  }
0xe: {  	_ =	strace $0x8000004A;
	s15 =	smax.u32 s15, $0x1;
	s14 =	sadd.s32 s4, s13  }
0xf: {  	v0 =	vimm.f32 $0.0e+00;
	s13 =	sadd.s32 $0x6850, s13;
	s4 =	sadd.s32 $0x7200, s14;
	s14 =	sadd.s32 $0x11000, s14  }
.LBB2_1:
0x10: {  	[tilespmem:s18], [sflag:$0x3] =	stream.strided.gather [hbm4b:s4+s16], $0x2780, s17, s16, $0x38;
	[tilespmem:$0xCC00] =	vst v63  }
0x11: {  	s26 =	simm.s32 $0x40;
	s28 =	simm.s32 $0x0  }
0x12: {  	[tilespmem:s2], [sflag:$0x1] =	stream.linear.gather [hbm4b:s3+s2], $0x3E80, $0x38;
	[tilespmem:$0xCC00] =	vst v63  }
.LBB2_2:
0x13: {  	p0 =	sne.s32 s26, $0x9C00;
	[tilespmem:s28+$0xA480] =	vst v0;
	s28 =	smov.u32 s26;
	s26 =	sadd.s32 $0x40, s26  }
.Ltmp0:
0x14: {  	(pc) =	sbr.rel @p0 .LBB2_2-.Ltmp0, $2  }
0x15: {  	_ =	sdelay $0x2  }
0x16: {  	s28 =	sshra.s32 s28, $0x2  }
0x17: {  	[tilespmem:s28+$0xA480] =	vst v0  }
0x18: {  	_ =	swait.ge [sflag:s19], $0x2780  }
0x19: {  	[sflag:s19] =	ssyncset.done $0x0  }
0x1a: {  	s26 =	simm.s32 $0x0;
	[sflag:s19] =	ssyncadd.s32 $0xFFFFD880  }
0x1b: {  	[tilespmem:s20], [sflag:$0x2] =	stream.linear.gather [hbm4b:s5+s26], $0x3E80, $0x38;
	[tilespmem:$0xCC00] =	vst v63  }
0x1c: {  	_ =	swait.ge [sflag:s21], $0x3E80  }
0x1d: {  	[sflag:s21] =	ssyncset.done $0x0  }
0x1e: {  	s31 =	simm.s32 $0x0;
	[sflag:s21] =	ssyncadd.s32 $0xFFFFC180  }
0x1f: {  	v7 =	vld [tilespmem:s31+$0x20]  }
0x20: {  	v3 =	vld [tilespmem:s31+$0x10]  }
0x21: {  	v2 =	vld [tilespmem:s31+$0x0]  }
0x22: {  	v8 =	vld [tilespmem:s31+$0x30]  }
0x23: {  	v9 =	vld [tilespmem:s31+$0x40]  }
0x24: {  	v10 =	vld [tilespmem:s31+$0x50];
	v1 =	vshra.s32 v7, $0xE  }
0x25: {  	v12 =	vld [tilespmem:s31+$0x70];
	v4 =	vshra.s32 v3, $0xE  }
0x26: {  	v11 =	vld [tilespmem:s31+$0x60];
	v5 =	vshra.s32 v2, $0xE  }
0x27: {  	v6 =	vshra.s32 v8, $0xE  }
0x28: {  	v13 =	vshra.s32 v9, $0xE  }
0x29: {  	v14 =	vshra.s32 v10, $0xE;
	v1 =	vld.idx.msk [tilespmem:v1+s18+$0x0], $0xffff  }
0x2a: {  	v16 =	vshra.s32 v12, $0xE;
	v15 =	vld.idx.msk [tilespmem:v4+s18+$0x0], $0xffff  }
0x2b: {  	v18 =	vshra.s32 v11, $0xE;
	v17 =	vld.idx.msk [tilespmem:v5+s18+$0x0], $0xffff  }
0x2c: {  	v19 =	vand.u32 $0x3FFF, v2;
	v2 =	vld.idx.msk [tilespmem:v6+s18+$0x0], $0xffff  }
0x2d: {  	v20 =	vand.u32 $0x3FFF, v3;
	v4 =	vld.idx.msk [tilespmem:v13+s18+$0x0], $0xffff  }
0x2e: {  	v7 =	vand.u32 $0x3FFF, v7;
	v5 =	vld.idx.msk [tilespmem:v14+s18+$0x0], $0xffff  }
0x2f: {  	v8 =	vand.u32 $0x3FFF, v8;
	v3 =	vld.idx.msk [tilespmem:v16+s18+$0x0], $0xffff  }
0x30: {  	v9 =	vand.u32 $0x3FFF, v9;
	v6 =	vld.idx.msk [tilespmem:v18+s18+$0x0], $0xffff  }
0x31: {  	v10 =	vand.u32 $0x3FFF, v10;
	[tilespmem:v19+s22+$0x0] =	vst.idx.add.f32.msk $0xffff, v17  }
0x32: {  	s26 =	simm.s32 $0x200;
	v11 =	vand.u32 $0x3FFF, v11;
	v12 =	vand.u32 $0x3FFF, v12;
	[tilespmem:v20+s22+$0x0] =	vst.idx.add.f32.msk $0xffff, v15  }
.LBB2_4:
0x33: {  	s28 =	sshra.s32 s26, $0x2;
	p0 =	sne.s32 s26, $0xF800;
	s26 =	sadd.s32 $0x200, s26;
	[tilespmem:v7+s22+$0x0] =	vst.idx.add.f32.msk $0xffff, v1  }
0x34: {  	[tilespmem:v8+s22+$0x0] =	vst.idx.add.f32.msk $0xffff, v2  }
0x35: {  	[tilespmem:v9+s22+$0x0] =	vst.idx.add.f32.msk $0xffff, v4  }
0x36: {  	[tilespmem:v10+s22+$0x0] =	vst.idx.add.f32.msk $0xffff, v5  }
0x37: {  	[tilespmem:v11+s22+$0x0] =	vst.idx.add.f32.msk $0xffff, v6  }
0x38: {  	[tilespmem:v12+s22+$0x0] =	vst.idx.add.f32.msk $0xffff, v3  }
0x39: {  	v3 =	vld [tilespmem:s28+$0x20]  }
0x3a: {  	v4 =	vld [tilespmem:s28+$0x10]  }
0x3b: {  	v2 =	vld [tilespmem:s28+$0x0]  }
0x3c: {  	v6 =	vld [tilespmem:s28+$0x30]  }
0x3d: {  	v9 =	vld [tilespmem:s28+$0x40]  }
0x3e: {  	v10 =	vld [tilespmem:s28+$0x50];
	v1 =	vshra.s32 v3, $0xE  }
0x3f: {  	v12 =	vld [tilespmem:s28+$0x70];
	v5 =	vshra.s32 v4, $0xE  }
0x40: {  	v11 =	vld [tilespmem:s28+$0x60];
	v7 =	vshra.s32 v2, $0xE  }
0x41: {  	v8 =	vshra.s32 v6, $0xE  }
0x42: {  	v13 =	vshra.s32 v9, $0xE  }
0x43: {  	v1 =	vld.idx.msk [tilespmem:v1+s18+$0x0], $0xffff;
	v14 =	vshra.s32 v10, $0xE  }
0x44: {  	v15 =	vld.idx.msk [tilespmem:v5+s18+$0x0], $0xffff;
	v16 =	vshra.s32 v12, $0xE  }
0x45: {  	v19 =	vand.u32 $0x3FFF, v2;
	v17 =	vld.idx.msk [tilespmem:v7+s18+$0x0], $0xffff;
	v18 =	vshra.s32 v11, $0xE  }
0x46: {  	v20 =	vand.u32 $0x3FFF, v4;
	v2 =	vld.idx.msk [tilespmem:v8+s18+$0x0], $0xffff  }
0x47: {  	v7 =	vand.u32 $0x3FFF, v3;
	v4 =	vld.idx.msk [tilespmem:v13+s18+$0x0], $0xffff  }
.Ltmp1:
0x48: {  	v8 =	vand.u32 $0x3FFF, v6;
	v5 =	vld.idx.msk [tilespmem:v14+s18+$0x0], $0xffff;
	(pc) =	sbr.rel @p0 .LBB2_4-.Ltmp1, $4  }
0x49: {  	v9 =	vand.u32 $0x3FFF, v9;
	v3 =	vld.idx.msk [tilespmem:v16+s18+$0x0], $0xffff  }
0x4a: {  	v10 =	vand.u32 $0x3FFF, v10;
	v6 =	vld.idx.msk [tilespmem:v18+s18+$0x0], $0xffff  }
0x4b: {  	v11 =	vand.u32 $0x3FFF, v11;
	[tilespmem:v19+s22+$0x0] =	vst.idx.add.f32.msk $0xffff, v17  }
0x4c: {  	v12 =	vand.u32 $0x3FFF, v12;
	[tilespmem:v20+s22+$0x0] =	vst.idx.add.f32.msk $0xffff, v15  }
0x4d: {  	_ =	sdelay $0x3  }
0x4e: {  	[tilespmem:v7+s22+$0x0] =	vst.idx.add.f32.msk $0xffff, v1  }
0x4f: {  	[tilespmem:v8+s22+$0x0] =	vst.idx.add.f32.msk $0xffff, v2  }
0x50: {  	[tilespmem:v9+s22+$0x0] =	vst.idx.add.f32.msk $0xffff, v4  }
0x51: {  	[tilespmem:v10+s22+$0x0] =	vst.idx.add.f32.msk $0xffff, v5  }
0x52: {  	[tilespmem:v11+s22+$0x0] =	vst.idx.add.f32.msk $0xffff, v6  }
0x53: {  	s26 =	simm.s32 $0x0;
	[tilespmem:v12+s22+$0x0] =	vst.idx.add.f32.msk $0xffff, v3  }
0x54: {  	[tilespmem:s26], [sflag:$0x1] =	stream.linear.gather [hbm4b:s6+s26], $0x3E80, $0x38;
	[tilespmem:$0xCC00] =	vst v63  }
0x55: {  	_ =	swait.ge [sflag:s23], $0x3E80  }
0x56: {  	[sflag:s23] =	ssyncset.done $0x0  }
0x57: {  	s31 =	simm.s32 $0x0;
	[sflag:s23] =	ssyncadd.s32 $0xFFFFC180  }
0x58: {  	v7 =	vld [tilespmem:s31+$0x3EA0]  }
0x59: {  	v3 =	vld [tilespmem:s31+$0x3E90]  }
0x5a: {  	v2 =	vld [tilespmem:s31+$0x3E80]  }
0x5b: {  	v8 =	vld [tilespmem:s31+$0x3EB0]  }
0x5c: {  	v9 =	vld [tilespmem:s31+$0x3EC0]  }
0x5d: {  	v10 =	vld [tilespmem:s31+$0x3ED0];
	v1 =	vshra.s32 v7, $0xE  }
0x5e: {  	v12 =	vld [tilespmem:s31+$0x3EF0];
	v4 =	vshra.s32 v3, $0xE  }
0x5f: {  	v11 =	vld [tilespmem:s31+$0x3EE0];
	v5 =	vshra.s32 v2, $0xE  }
0x60: {  	v6 =	vshra.s32 v8, $0xE  }
0x61: {  	v13 =	vshra.s32 v9, $0xE  }
0x62: {  	v14 =	vshra.s32 v10, $0xE;
	v1 =	vld.idx.msk [tilespmem:v1+s18+$0x0], $0xffff  }
0x63: {  	v16 =	vshra.s32 v12, $0xE;
	v15 =	vld.idx.msk [tilespmem:v4+s18+$0x0], $0xffff  }
0x64: {  	v18 =	vshra.s32 v11, $0xE;
	v17 =	vld.idx.msk [tilespmem:v5+s18+$0x0], $0xffff  }
0x65: {  	v19 =	vand.u32 $0x3FFF, v2;
	v2 =	vld.idx.msk [tilespmem:v6+s18+$0x0], $0xffff  }
0x66: {  	v20 =	vand.u32 $0x3FFF, v3;
	v4 =	vld.idx.msk [tilespmem:v13+s18+$0x0], $0xffff  }
0x67: {  	v7 =	vand.u32 $0x3FFF, v7;
	v5 =	vld.idx.msk [tilespmem:v14+s18+$0x0], $0xffff  }
0x68: {  	v8 =	vand.u32 $0x3FFF, v8;
	v3 =	vld.idx.msk [tilespmem:v16+s18+$0x0], $0xffff  }
0x69: {  	v9 =	vand.u32 $0x3FFF, v9;
	v6 =	vld.idx.msk [tilespmem:v18+s18+$0x0], $0xffff  }
0x6a: {  	v10 =	vand.u32 $0x3FFF, v10;
	[tilespmem:v19+s22+$0x0] =	vst.idx.add.f32.msk $0xffff, v17  }
0x6b: {  	s26 =	simm.s32 $0x200;
	v11 =	vand.u32 $0x3FFF, v11;
	v12 =	vand.u32 $0x3FFF, v12;
	[tilespmem:v20+s22+$0x0] =	vst.idx.add.f32.msk $0xffff, v15  }
.LBB2_6:
0x6c: {  	s28 =	sshra.s32 s26, $0x2;
	p0 =	sne.s32 s26, $0xF800;
	s26 =	sadd.s32 $0x200, s26;
	[tilespmem:v7+s22+$0x0] =	vst.idx.add.f32.msk $0xffff, v1  }
0x6d: {  	[tilespmem:v8+s22+$0x0] =	vst.idx.add.f32.msk $0xffff, v2  }
0x6e: {  	[tilespmem:v9+s22+$0x0] =	vst.idx.add.f32.msk $0xffff, v4  }
0x6f: {  	[tilespmem:v10+s22+$0x0] =	vst.idx.add.f32.msk $0xffff, v5  }
0x70: {  	[tilespmem:v11+s22+$0x0] =	vst.idx.add.f32.msk $0xffff, v6  }
0x71: {  	[tilespmem:v12+s22+$0x0] =	vst.idx.add.f32.msk $0xffff, v3  }
0x72: {  	v3 =	vld [tilespmem:s28+$0x3EA0]  }
0x73: {  	v4 =	vld [tilespmem:s28+$0x3E90]  }
0x74: {  	v2 =	vld [tilespmem:s28+$0x3E80]  }
0x75: {  	v6 =	vld [tilespmem:s28+$0x3EB0]  }
0x76: {  	v9 =	vld [tilespmem:s28+$0x3EC0]  }
0x77: {  	v10 =	vld [tilespmem:s28+$0x3ED0];
	v1 =	vshra.s32 v3, $0xE  }
0x78: {  	v12 =	vld [tilespmem:s28+$0x3EF0];
	v5 =	vshra.s32 v4, $0xE  }
0x79: {  	v11 =	vld [tilespmem:s28+$0x3EE0];
	v7 =	vshra.s32 v2, $0xE  }
0x7a: {  	v8 =	vshra.s32 v6, $0xE  }
0x7b: {  	v13 =	vshra.s32 v9, $0xE  }
0x7c: {  	v1 =	vld.idx.msk [tilespmem:v1+s18+$0x0], $0xffff;
	v14 =	vshra.s32 v10, $0xE  }
0x7d: {  	v15 =	vld.idx.msk [tilespmem:v5+s18+$0x0], $0xffff;
	v16 =	vshra.s32 v12, $0xE  }
0x7e: {  	v19 =	vand.u32 $0x3FFF, v2;
	v17 =	vld.idx.msk [tilespmem:v7+s18+$0x0], $0xffff;
	v18 =	vshra.s32 v11, $0xE  }
0x7f: {  	v20 =	vand.u32 $0x3FFF, v4;
	v2 =	vld.idx.msk [tilespmem:v8+s18+$0x0], $0xffff  }
0x80: {  	v7 =	vand.u32 $0x3FFF, v3;
	v4 =	vld.idx.msk [tilespmem:v13+s18+$0x0], $0xffff  }
.Ltmp2:
0x81: {  	v8 =	vand.u32 $0x3FFF, v6;
	v5 =	vld.idx.msk [tilespmem:v14+s18+$0x0], $0xffff;
	(pc) =	sbr.rel @p0 .LBB2_6-.Ltmp2, $4  }
0x82: {  	v9 =	vand.u32 $0x3FFF, v9;
	v3 =	vld.idx.msk [tilespmem:v16+s18+$0x0], $0xffff  }
0x83: {  	v10 =	vand.u32 $0x3FFF, v10;
	v6 =	vld.idx.msk [tilespmem:v18+s18+$0x0], $0xffff  }
0x84: {  	v11 =	vand.u32 $0x3FFF, v11;
	[tilespmem:v19+s22+$0x0] =	vst.idx.add.f32.msk $0xffff, v17  }
0x85: {  	v12 =	vand.u32 $0x3FFF, v12;
	[tilespmem:v20+s22+$0x0] =	vst.idx.add.f32.msk $0xffff, v15  }
0x86: {  	_ =	sdelay $0x3  }
0x87: {  	[tilespmem:v7+s22+$0x0] =	vst.idx.add.f32.msk $0xffff, v1  }
0x88: {  	[tilespmem:v8+s22+$0x0] =	vst.idx.add.f32.msk $0xffff, v2  }
0x89: {  	[tilespmem:v9+s22+$0x0] =	vst.idx.add.f32.msk $0xffff, v4  }
0x8a: {  	[tilespmem:v10+s22+$0x0] =	vst.idx.add.f32.msk $0xffff, v5  }
0x8b: {  	[tilespmem:v11+s22+$0x0] =	vst.idx.add.f32.msk $0xffff, v6  }
0x8c: {  	s26 =	simm.s32 $0x0;
	[tilespmem:v12+s22+$0x0] =	vst.idx.add.f32.msk $0xffff, v3  }
0x8d: {  	[tilespmem:s20], [sflag:$0x2] =	stream.linear.gather [hbm4b:s7+s26], $0x3E80, $0x38;
	[tilespmem:$0xCC00] =	vst v63  }
0x8e: {  	_ =	swait.ge [sflag:s21], $0x3E80  }
0x8f: {  	[sflag:s21] =	ssyncset.done $0x0  }
0x90: {  	s31 =	simm.s32 $0x0;
	[sflag:s21] =	ssyncadd.s32 $0xFFFFC180  }
0x91: {  	v7 =	vld [tilespmem:s31+$0x20]  }
0x92: {  	v3 =	vld [tilespmem:s31+$0x10]  }
0x93: {  	v2 =	vld [tilespmem:s31+$0x0]  }
0x94: {  	v8 =	vld [tilespmem:s31+$0x30]  }
0x95: {  	v9 =	vld [tilespmem:s31+$0x40]  }
0x96: {  	v10 =	vld [tilespmem:s31+$0x50];
	v1 =	vshra.s32 v7, $0xE  }
0x97: {  	v12 =	vld [tilespmem:s31+$0x70];
	v4 =	vshra.s32 v3, $0xE  }
0x98: {  	v11 =	vld [tilespmem:s31+$0x60];
	v5 =	vshra.s32 v2, $0xE  }
0x99: {  	v6 =	vshra.s32 v8, $0xE  }
0x9a: {  	v13 =	vshra.s32 v9, $0xE  }
0x9b: {  	v14 =	vshra.s32 v10, $0xE;
	v1 =	vld.idx.msk [tilespmem:v1+s18+$0x0], $0xffff  }
0x9c: {  	v16 =	vshra.s32 v12, $0xE;
	v15 =	vld.idx.msk [tilespmem:v4+s18+$0x0], $0xffff  }
0x9d: {  	v18 =	vshra.s32 v11, $0xE;
	v17 =	vld.idx.msk [tilespmem:v5+s18+$0x0], $0xffff  }
0x9e: {  	v19 =	vand.u32 $0x3FFF, v2;
	v2 =	vld.idx.msk [tilespmem:v6+s18+$0x0], $0xffff  }
0x9f: {  	v20 =	vand.u32 $0x3FFF, v3;
	v4 =	vld.idx.msk [tilespmem:v13+s18+$0x0], $0xffff  }
0xa0: {  	v7 =	vand.u32 $0x3FFF, v7;
	v5 =	vld.idx.msk [tilespmem:v14+s18+$0x0], $0xffff  }
0xa1: {  	v8 =	vand.u32 $0x3FFF, v8;
	v3 =	vld.idx.msk [tilespmem:v16+s18+$0x0], $0xffff  }
0xa2: {  	v9 =	vand.u32 $0x3FFF, v9;
	v6 =	vld.idx.msk [tilespmem:v18+s18+$0x0], $0xffff  }
0xa3: {  	v10 =	vand.u32 $0x3FFF, v10;
	[tilespmem:v19+s22+$0x0] =	vst.idx.add.f32.msk $0xffff, v17  }
0xa4: {  	s26 =	simm.s32 $0x200;
	v11 =	vand.u32 $0x3FFF, v11;
	v12 =	vand.u32 $0x3FFF, v12;
	[tilespmem:v20+s22+$0x0] =	vst.idx.add.f32.msk $0xffff, v15  }
.LBB2_8:
0xa5: {  	s28 =	sshra.s32 s26, $0x2;
	p0 =	sne.s32 s26, $0xF800;
	s26 =	sadd.s32 $0x200, s26;
	[tilespmem:v7+s22+$0x0] =	vst.idx.add.f32.msk $0xffff, v1  }
0xa6: {  	[tilespmem:v8+s22+$0x0] =	vst.idx.add.f32.msk $0xffff, v2  }
0xa7: {  	[tilespmem:v9+s22+$0x0] =	vst.idx.add.f32.msk $0xffff, v4  }
0xa8: {  	[tilespmem:v10+s22+$0x0] =	vst.idx.add.f32.msk $0xffff, v5  }
0xa9: {  	[tilespmem:v11+s22+$0x0] =	vst.idx.add.f32.msk $0xffff, v6  }
0xaa: {  	[tilespmem:v12+s22+$0x0] =	vst.idx.add.f32.msk $0xffff, v3  }
0xab: {  	v3 =	vld [tilespmem:s28+$0x20]  }
0xac: {  	v4 =	vld [tilespmem:s28+$0x10]  }
0xad: {  	v2 =	vld [tilespmem:s28+$0x0]  }
0xae: {  	v6 =	vld [tilespmem:s28+$0x30]  }
0xaf: {  	v9 =	vld [tilespmem:s28+$0x40]  }
0xb0: {  	v10 =	vld [tilespmem:s28+$0x50];
	v1 =	vshra.s32 v3, $0xE  }
0xb1: {  	v12 =	vld [tilespmem:s28+$0x70];
	v5 =	vshra.s32 v4, $0xE  }
0xb2: {  	v11 =	vld [tilespmem:s28+$0x60];
	v7 =	vshra.s32 v2, $0xE  }
0xb3: {  	v8 =	vshra.s32 v6, $0xE  }
0xb4: {  	v13 =	vshra.s32 v9, $0xE  }
0xb5: {  	v1 =	vld.idx.msk [tilespmem:v1+s18+$0x0], $0xffff;
	v14 =	vshra.s32 v10, $0xE  }
0xb6: {  	v15 =	vld.idx.msk [tilespmem:v5+s18+$0x0], $0xffff;
	v16 =	vshra.s32 v12, $0xE  }
0xb7: {  	v19 =	vand.u32 $0x3FFF, v2;
	v17 =	vld.idx.msk [tilespmem:v7+s18+$0x0], $0xffff;
	v18 =	vshra.s32 v11, $0xE  }
0xb8: {  	v20 =	vand.u32 $0x3FFF, v4;
	v2 =	vld.idx.msk [tilespmem:v8+s18+$0x0], $0xffff  }
0xb9: {  	v7 =	vand.u32 $0x3FFF, v3;
	v4 =	vld.idx.msk [tilespmem:v13+s18+$0x0], $0xffff  }
.Ltmp3:
0xba: {  	v8 =	vand.u32 $0x3FFF, v6;
	v5 =	vld.idx.msk [tilespmem:v14+s18+$0x0], $0xffff;
	(pc) =	sbr.rel @p0 .LBB2_8-.Ltmp3, $4  }
0xbb: {  	v9 =	vand.u32 $0x3FFF, v9;
	v3 =	vld.idx.msk [tilespmem:v16+s18+$0x0], $0xffff  }
0xbc: {  	v10 =	vand.u32 $0x3FFF, v10;
	v6 =	vld.idx.msk [tilespmem:v18+s18+$0x0], $0xffff  }
0xbd: {  	v11 =	vand.u32 $0x3FFF, v11;
	[tilespmem:v19+s22+$0x0] =	vst.idx.add.f32.msk $0xffff, v17  }
0xbe: {  	v12 =	vand.u32 $0x3FFF, v12;
	[tilespmem:v20+s22+$0x0] =	vst.idx.add.f32.msk $0xffff, v15  }
0xbf: {  	_ =	sdelay $0x3  }
0xc0: {  	[tilespmem:v7+s22+$0x0] =	vst.idx.add.f32.msk $0xffff, v1  }
0xc1: {  	[tilespmem:v8+s22+$0x0] =	vst.idx.add.f32.msk $0xffff, v2  }
0xc2: {  	[tilespmem:v9+s22+$0x0] =	vst.idx.add.f32.msk $0xffff, v4  }
0xc3: {  	[tilespmem:v10+s22+$0x0] =	vst.idx.add.f32.msk $0xffff, v5  }
0xc4: {  	[tilespmem:v11+s22+$0x0] =	vst.idx.add.f32.msk $0xffff, v6  }
0xc5: {  	s26 =	simm.s32 $0x0;
	[tilespmem:v12+s22+$0x0] =	vst.idx.add.f32.msk $0xffff, v3  }
0xc6: {  	[tilespmem:s26], [sflag:$0x1] =	stream.linear.gather [hbm4b:s8+s26], $0x3E80, $0x38;
	[tilespmem:$0xCC00] =	vst v63  }
0xc7: {  	_ =	swait.ge [sflag:s23], $0x3E80  }
0xc8: {  	[sflag:s23] =	ssyncset.done $0x0  }
0xc9: {  	s31 =	simm.s32 $0x0;
	[sflag:s23] =	ssyncadd.s32 $0xFFFFC180  }
0xca: {  	v7 =	vld [tilespmem:s31+$0x3EA0]  }
0xcb: {  	v3 =	vld [tilespmem:s31+$0x3E90]  }
0xcc: {  	v2 =	vld [tilespmem:s31+$0x3E80]  }
0xcd: {  	v8 =	vld [tilespmem:s31+$0x3EB0]  }
0xce: {  	v9 =	vld [tilespmem:s31+$0x3EC0]  }
0xcf: {  	v10 =	vld [tilespmem:s31+$0x3ED0];
	v1 =	vshra.s32 v7, $0xE  }
0xd0: {  	v12 =	vld [tilespmem:s31+$0x3EF0];
	v4 =	vshra.s32 v3, $0xE  }
0xd1: {  	v11 =	vld [tilespmem:s31+$0x3EE0];
	v5 =	vshra.s32 v2, $0xE  }
0xd2: {  	v6 =	vshra.s32 v8, $0xE  }
0xd3: {  	v13 =	vshra.s32 v9, $0xE  }
0xd4: {  	v14 =	vshra.s32 v10, $0xE;
	v1 =	vld.idx.msk [tilespmem:v1+s18+$0x0], $0xffff  }
0xd5: {  	v16 =	vshra.s32 v12, $0xE;
	v15 =	vld.idx.msk [tilespmem:v4+s18+$0x0], $0xffff  }
0xd6: {  	v18 =	vshra.s32 v11, $0xE;
	v17 =	vld.idx.msk [tilespmem:v5+s18+$0x0], $0xffff  }
0xd7: {  	v19 =	vand.u32 $0x3FFF, v2;
	v2 =	vld.idx.msk [tilespmem:v6+s18+$0x0], $0xffff  }
0xd8: {  	v20 =	vand.u32 $0x3FFF, v3;
	v4 =	vld.idx.msk [tilespmem:v13+s18+$0x0], $0xffff  }
0xd9: {  	v7 =	vand.u32 $0x3FFF, v7;
	v5 =	vld.idx.msk [tilespmem:v14+s18+$0x0], $0xffff  }
0xda: {  	v8 =	vand.u32 $0x3FFF, v8;
	v3 =	vld.idx.msk [tilespmem:v16+s18+$0x0], $0xffff  }
0xdb: {  	v9 =	vand.u32 $0x3FFF, v9;
	v6 =	vld.idx.msk [tilespmem:v18+s18+$0x0], $0xffff  }
0xdc: {  	v10 =	vand.u32 $0x3FFF, v10;
	[tilespmem:v19+s22+$0x0] =	vst.idx.add.f32.msk $0xffff, v17  }
0xdd: {  	s26 =	simm.s32 $0x200;
	v11 =	vand.u32 $0x3FFF, v11;
	v12 =	vand.u32 $0x3FFF, v12;
	[tilespmem:v20+s22+$0x0] =	vst.idx.add.f32.msk $0xffff, v15  }
.LBB2_10:
0xde: {  	s28 =	sshra.s32 s26, $0x2;
	p0 =	sne.s32 s26, $0xF800;
	s26 =	sadd.s32 $0x200, s26;
	[tilespmem:v7+s22+$0x0] =	vst.idx.add.f32.msk $0xffff, v1  }
0xdf: {  	[tilespmem:v8+s22+$0x0] =	vst.idx.add.f32.msk $0xffff, v2  }
0xe0: {  	[tilespmem:v9+s22+$0x0] =	vst.idx.add.f32.msk $0xffff, v4  }
0xe1: {  	[tilespmem:v10+s22+$0x0] =	vst.idx.add.f32.msk $0xffff, v5  }
0xe2: {  	[tilespmem:v11+s22+$0x0] =	vst.idx.add.f32.msk $0xffff, v6  }
0xe3: {  	[tilespmem:v12+s22+$0x0] =	vst.idx.add.f32.msk $0xffff, v3  }
0xe4: {  	v3 =	vld [tilespmem:s28+$0x3EA0]  }
0xe5: {  	v4 =	vld [tilespmem:s28+$0x3E90]  }
0xe6: {  	v2 =	vld [tilespmem:s28+$0x3E80]  }
0xe7: {  	v6 =	vld [tilespmem:s28+$0x3EB0]  }
0xe8: {  	v9 =	vld [tilespmem:s28+$0x3EC0]  }
0xe9: {  	v10 =	vld [tilespmem:s28+$0x3ED0];
	v1 =	vshra.s32 v3, $0xE  }
0xea: {  	v12 =	vld [tilespmem:s28+$0x3EF0];
	v5 =	vshra.s32 v4, $0xE  }
0xeb: {  	v11 =	vld [tilespmem:s28+$0x3EE0];
	v7 =	vshra.s32 v2, $0xE  }
0xec: {  	v8 =	vshra.s32 v6, $0xE  }
0xed: {  	v13 =	vshra.s32 v9, $0xE  }
0xee: {  	v1 =	vld.idx.msk [tilespmem:v1+s18+$0x0], $0xffff;
	v14 =	vshra.s32 v10, $0xE  }
0xef: {  	v15 =	vld.idx.msk [tilespmem:v5+s18+$0x0], $0xffff;
	v16 =	vshra.s32 v12, $0xE  }
0xf0: {  	v19 =	vand.u32 $0x3FFF, v2;
	v17 =	vld.idx.msk [tilespmem:v7+s18+$0x0], $0xffff;
	v18 =	vshra.s32 v11, $0xE  }
0xf1: {  	v20 =	vand.u32 $0x3FFF, v4;
	v2 =	vld.idx.msk [tilespmem:v8+s18+$0x0], $0xffff  }
0xf2: {  	v7 =	vand.u32 $0x3FFF, v3;
	v4 =	vld.idx.msk [tilespmem:v13+s18+$0x0], $0xffff  }
.Ltmp4:
0xf3: {  	v8 =	vand.u32 $0x3FFF, v6;
	v5 =	vld.idx.msk [tilespmem:v14+s18+$0x0], $0xffff;
	(pc) =	sbr.rel @p0 .LBB2_10-.Ltmp4, $4  }
0xf4: {  	v9 =	vand.u32 $0x3FFF, v9;
	v3 =	vld.idx.msk [tilespmem:v16+s18+$0x0], $0xffff  }
0xf5: {  	v10 =	vand.u32 $0x3FFF, v10;
	v6 =	vld.idx.msk [tilespmem:v18+s18+$0x0], $0xffff  }
0xf6: {  	v11 =	vand.u32 $0x3FFF, v11;
	[tilespmem:v19+s22+$0x0] =	vst.idx.add.f32.msk $0xffff, v17  }
0xf7: {  	v12 =	vand.u32 $0x3FFF, v12;
	[tilespmem:v20+s22+$0x0] =	vst.idx.add.f32.msk $0xffff, v15  }
0xf8: {  	_ =	sdelay $0x3  }
0xf9: {  	[tilespmem:v7+s22+$0x0] =	vst.idx.add.f32.msk $0xffff, v1  }
0xfa: {  	[tilespmem:v8+s22+$0x0] =	vst.idx.add.f32.msk $0xffff, v2  }
0xfb: {  	[tilespmem:v9+s22+$0x0] =	vst.idx.add.f32.msk $0xffff, v4  }
0xfc: {  	[tilespmem:v10+s22+$0x0] =	vst.idx.add.f32.msk $0xffff, v5  }
0xfd: {  	[tilespmem:v11+s22+$0x0] =	vst.idx.add.f32.msk $0xffff, v6  }
0xfe: {  	s26 =	simm.s32 $0x0;
	[tilespmem:v12+s22+$0x0] =	vst.idx.add.f32.msk $0xffff, v3  }
0xff: {  	[tilespmem:s20], [sflag:$0x2] =	stream.linear.gather [hbm4b:s9+s26], $0x3E80, $0x38;
	[tilespmem:$0xCC00] =	vst v63  }
0x100: {  	_ =	swait.ge [sflag:s21], $0x3E80  }
0x101: {  	[sflag:s21] =	ssyncset.done $0x0  }
0x102: {  	s31 =	simm.s32 $0x0;
	[sflag:s21] =	ssyncadd.s32 $0xFFFFC180  }
0x103: {  	v7 =	vld [tilespmem:s31+$0x20]  }
0x104: {  	v3 =	vld [tilespmem:s31+$0x10]  }
0x105: {  	v2 =	vld [tilespmem:s31+$0x0]  }
0x106: {  	v8 =	vld [tilespmem:s31+$0x30]  }
0x107: {  	v9 =	vld [tilespmem:s31+$0x40]  }
0x108: {  	v10 =	vld [tilespmem:s31+$0x50];
	v1 =	vshra.s32 v7, $0xE  }
0x109: {  	v12 =	vld [tilespmem:s31+$0x70];
	v4 =	vshra.s32 v3, $0xE  }
0x10a: {  	v11 =	vld [tilespmem:s31+$0x60];
	v5 =	vshra.s32 v2, $0xE  }
0x10b: {  	v6 =	vshra.s32 v8, $0xE  }
0x10c: {  	v13 =	vshra.s32 v9, $0xE  }
0x10d: {  	v14 =	vshra.s32 v10, $0xE;
	v1 =	vld.idx.msk [tilespmem:v1+s18+$0x0], $0xffff  }
0x10e: {  	v16 =	vshra.s32 v12, $0xE;
	v15 =	vld.idx.msk [tilespmem:v4+s18+$0x0], $0xffff  }
0x10f: {  	v18 =	vshra.s32 v11, $0xE;
	v17 =	vld.idx.msk [tilespmem:v5+s18+$0x0], $0xffff  }
0x110: {  	v19 =	vand.u32 $0x3FFF, v2;
	v2 =	vld.idx.msk [tilespmem:v6+s18+$0x0], $0xffff  }
0x111: {  	v20 =	vand.u32 $0x3FFF, v3;
	v4 =	vld.idx.msk [tilespmem:v13+s18+$0x0], $0xffff  }
0x112: {  	v7 =	vand.u32 $0x3FFF, v7;
	v5 =	vld.idx.msk [tilespmem:v14+s18+$0x0], $0xffff  }
0x113: {  	v8 =	vand.u32 $0x3FFF, v8;
	v3 =	vld.idx.msk [tilespmem:v16+s18+$0x0], $0xffff  }
0x114: {  	v9 =	vand.u32 $0x3FFF, v9;
	v6 =	vld.idx.msk [tilespmem:v18+s18+$0x0], $0xffff  }
0x115: {  	v10 =	vand.u32 $0x3FFF, v10;
	[tilespmem:v19+s22+$0x0] =	vst.idx.add.f32.msk $0xffff, v17  }
0x116: {  	s26 =	simm.s32 $0x200;
	v11 =	vand.u32 $0x3FFF, v11;
	v12 =	vand.u32 $0x3FFF, v12;
	[tilespmem:v20+s22+$0x0] =	vst.idx.add.f32.msk $0xffff, v15  }
.LBB2_12:
0x117: {  	s28 =	sshra.s32 s26, $0x2;
	p0 =	sne.s32 s26, $0xF800;
	s26 =	sadd.s32 $0x200, s26;
	[tilespmem:v7+s22+$0x0] =	vst.idx.add.f32.msk $0xffff, v1  }
0x118: {  	[tilespmem:v8+s22+$0x0] =	vst.idx.add.f32.msk $0xffff, v2  }
0x119: {  	[tilespmem:v9+s22+$0x0] =	vst.idx.add.f32.msk $0xffff, v4  }
0x11a: {  	[tilespmem:v10+s22+$0x0] =	vst.idx.add.f32.msk $0xffff, v5  }
0x11b: {  	[tilespmem:v11+s22+$0x0] =	vst.idx.add.f32.msk $0xffff, v6  }
0x11c: {  	[tilespmem:v12+s22+$0x0] =	vst.idx.add.f32.msk $0xffff, v3  }
0x11d: {  	v3 =	vld [tilespmem:s28+$0x20]  }
0x11e: {  	v4 =	vld [tilespmem:s28+$0x10]  }
0x11f: {  	v2 =	vld [tilespmem:s28+$0x0]  }
0x120: {  	v6 =	vld [tilespmem:s28+$0x30]  }
0x121: {  	v9 =	vld [tilespmem:s28+$0x40]  }
0x122: {  	v10 =	vld [tilespmem:s28+$0x50];
	v1 =	vshra.s32 v3, $0xE  }
0x123: {  	v12 =	vld [tilespmem:s28+$0x70];
	v5 =	vshra.s32 v4, $0xE  }
0x124: {  	v11 =	vld [tilespmem:s28+$0x60];
	v7 =	vshra.s32 v2, $0xE  }
0x125: {  	v8 =	vshra.s32 v6, $0xE  }
0x126: {  	v13 =	vshra.s32 v9, $0xE  }
0x127: {  	v1 =	vld.idx.msk [tilespmem:v1+s18+$0x0], $0xffff;
	v14 =	vshra.s32 v10, $0xE  }
0x128: {  	v15 =	vld.idx.msk [tilespmem:v5+s18+$0x0], $0xffff;
	v16 =	vshra.s32 v12, $0xE  }
0x129: {  	v19 =	vand.u32 $0x3FFF, v2;
	v17 =	vld.idx.msk [tilespmem:v7+s18+$0x0], $0xffff;
	v18 =	vshra.s32 v11, $0xE  }
0x12a: {  	v20 =	vand.u32 $0x3FFF, v4;
	v2 =	vld.idx.msk [tilespmem:v8+s18+$0x0], $0xffff  }
0x12b: {  	v7 =	vand.u32 $0x3FFF, v3;
	v4 =	vld.idx.msk [tilespmem:v13+s18+$0x0], $0xffff  }
.Ltmp5:
0x12c: {  	v8 =	vand.u32 $0x3FFF, v6;
	v5 =	vld.idx.msk [tilespmem:v14+s18+$0x0], $0xffff;
	(pc) =	sbr.rel @p0 .LBB2_12-.Ltmp5, $4  }
0x12d: {  	v9 =	vand.u32 $0x3FFF, v9;
	v3 =	vld.idx.msk [tilespmem:v16+s18+$0x0], $0xffff  }
0x12e: {  	v10 =	vand.u32 $0x3FFF, v10;
	v6 =	vld.idx.msk [tilespmem:v18+s18+$0x0], $0xffff  }
0x12f: {  	v11 =	vand.u32 $0x3FFF, v11;
	[tilespmem:v19+s22+$0x0] =	vst.idx.add.f32.msk $0xffff, v17  }
0x130: {  	v12 =	vand.u32 $0x3FFF, v12;
	[tilespmem:v20+s22+$0x0] =	vst.idx.add.f32.msk $0xffff, v15  }
0x131: {  	_ =	sdelay $0x3  }
0x132: {  	[tilespmem:v7+s22+$0x0] =	vst.idx.add.f32.msk $0xffff, v1  }
0x133: {  	[tilespmem:v8+s22+$0x0] =	vst.idx.add.f32.msk $0xffff, v2  }
0x134: {  	[tilespmem:v9+s22+$0x0] =	vst.idx.add.f32.msk $0xffff, v4  }
0x135: {  	[tilespmem:v10+s22+$0x0] =	vst.idx.add.f32.msk $0xffff, v5  }
0x136: {  	[tilespmem:v11+s22+$0x0] =	vst.idx.add.f32.msk $0xffff, v6  }
0x137: {  	s26 =	simm.s32 $0x0;
	[tilespmem:v12+s22+$0x0] =	vst.idx.add.f32.msk $0xffff, v3  }
0x138: {  	[tilespmem:s26], [sflag:$0x1] =	stream.linear.gather [hbm4b:s10+s26], $0x3E80, $0x38;
	[tilespmem:$0xCC00] =	vst v63  }
0x139: {  	_ =	swait.ge [sflag:s23], $0x3E80  }
0x13a: {  	[sflag:s23] =	ssyncset.done $0x0  }
0x13b: {  	s31 =	simm.s32 $0x0;
	[sflag:s23] =	ssyncadd.s32 $0xFFFFC180  }
0x13c: {  	v7 =	vld [tilespmem:s31+$0x3EA0]  }
0x13d: {  	v3 =	vld [tilespmem:s31+$0x3E90]  }
0x13e: {  	v2 =	vld [tilespmem:s31+$0x3E80]  }
0x13f: {  	v8 =	vld [tilespmem:s31+$0x3EB0]  }
0x140: {  	v9 =	vld [tilespmem:s31+$0x3EC0]  }
0x141: {  	v10 =	vld [tilespmem:s31+$0x3ED0];
	v1 =	vshra.s32 v7, $0xE  }
0x142: {  	v12 =	vld [tilespmem:s31+$0x3EF0];
	v4 =	vshra.s32 v3, $0xE  }
0x143: {  	v11 =	vld [tilespmem:s31+$0x3EE0];
	v5 =	vshra.s32 v2, $0xE  }
0x144: {  	v6 =	vshra.s32 v8, $0xE  }
0x145: {  	v13 =	vshra.s32 v9, $0xE  }
0x146: {  	v14 =	vshra.s32 v10, $0xE;
	v1 =	vld.idx.msk [tilespmem:v1+s18+$0x0], $0xffff  }
0x147: {  	v16 =	vshra.s32 v12, $0xE;
	v15 =	vld.idx.msk [tilespmem:v4+s18+$0x0], $0xffff  }
0x148: {  	v18 =	vshra.s32 v11, $0xE;
	v17 =	vld.idx.msk [tilespmem:v5+s18+$0x0], $0xffff  }
0x149: {  	v19 =	vand.u32 $0x3FFF, v2;
	v2 =	vld.idx.msk [tilespmem:v6+s18+$0x0], $0xffff  }
0x14a: {  	v20 =	vand.u32 $0x3FFF, v3;
	v4 =	vld.idx.msk [tilespmem:v13+s18+$0x0], $0xffff  }
0x14b: {  	v7 =	vand.u32 $0x3FFF, v7;
	v5 =	vld.idx.msk [tilespmem:v14+s18+$0x0], $0xffff  }
0x14c: {  	v8 =	vand.u32 $0x3FFF, v8;
	v3 =	vld.idx.msk [tilespmem:v16+s18+$0x0], $0xffff  }
0x14d: {  	v9 =	vand.u32 $0x3FFF, v9;
	v6 =	vld.idx.msk [tilespmem:v18+s18+$0x0], $0xffff  }
0x14e: {  	v10 =	vand.u32 $0x3FFF, v10;
	[tilespmem:v19+s22+$0x0] =	vst.idx.add.f32.msk $0xffff, v17  }
0x14f: {  	s26 =	simm.s32 $0x200;
	v11 =	vand.u32 $0x3FFF, v11;
	v12 =	vand.u32 $0x3FFF, v12;
	[tilespmem:v20+s22+$0x0] =	vst.idx.add.f32.msk $0xffff, v15  }
.LBB2_14:
0x150: {  	s28 =	sshra.s32 s26, $0x2;
	p0 =	sne.s32 s26, $0xF800;
	s26 =	sadd.s32 $0x200, s26;
	[tilespmem:v7+s22+$0x0] =	vst.idx.add.f32.msk $0xffff, v1  }
0x151: {  	[tilespmem:v8+s22+$0x0] =	vst.idx.add.f32.msk $0xffff, v2  }
0x152: {  	[tilespmem:v9+s22+$0x0] =	vst.idx.add.f32.msk $0xffff, v4  }
0x153: {  	[tilespmem:v10+s22+$0x0] =	vst.idx.add.f32.msk $0xffff, v5  }
0x154: {  	[tilespmem:v11+s22+$0x0] =	vst.idx.add.f32.msk $0xffff, v6  }
0x155: {  	[tilespmem:v12+s22+$0x0] =	vst.idx.add.f32.msk $0xffff, v3  }
0x156: {  	v3 =	vld [tilespmem:s28+$0x3EA0]  }
0x157: {  	v4 =	vld [tilespmem:s28+$0x3E90]  }
0x158: {  	v2 =	vld [tilespmem:s28+$0x3E80]  }
0x159: {  	v6 =	vld [tilespmem:s28+$0x3EB0]  }
0x15a: {  	v9 =	vld [tilespmem:s28+$0x3EC0]  }
0x15b: {  	v10 =	vld [tilespmem:s28+$0x3ED0];
	v1 =	vshra.s32 v3, $0xE  }
0x15c: {  	v12 =	vld [tilespmem:s28+$0x3EF0];
	v5 =	vshra.s32 v4, $0xE  }
0x15d: {  	v11 =	vld [tilespmem:s28+$0x3EE0];
	v7 =	vshra.s32 v2, $0xE  }
0x15e: {  	v8 =	vshra.s32 v6, $0xE  }
0x15f: {  	v13 =	vshra.s32 v9, $0xE  }
0x160: {  	v1 =	vld.idx.msk [tilespmem:v1+s18+$0x0], $0xffff;
	v14 =	vshra.s32 v10, $0xE  }
0x161: {  	v15 =	vld.idx.msk [tilespmem:v5+s18+$0x0], $0xffff;
	v16 =	vshra.s32 v12, $0xE  }
0x162: {  	v19 =	vand.u32 $0x3FFF, v2;
	v17 =	vld.idx.msk [tilespmem:v7+s18+$0x0], $0xffff;
	v18 =	vshra.s32 v11, $0xE  }
0x163: {  	v20 =	vand.u32 $0x3FFF, v4;
	v2 =	vld.idx.msk [tilespmem:v8+s18+$0x0], $0xffff  }
0x164: {  	v7 =	vand.u32 $0x3FFF, v3;
	v4 =	vld.idx.msk [tilespmem:v13+s18+$0x0], $0xffff  }
.Ltmp6:
0x165: {  	v8 =	vand.u32 $0x3FFF, v6;
	v5 =	vld.idx.msk [tilespmem:v14+s18+$0x0], $0xffff;
	(pc) =	sbr.rel @p0 .LBB2_14-.Ltmp6, $4  }
0x166: {  	v9 =	vand.u32 $0x3FFF, v9;
	v3 =	vld.idx.msk [tilespmem:v16+s18+$0x0], $0xffff  }
0x167: {  	v10 =	vand.u32 $0x3FFF, v10;
	v6 =	vld.idx.msk [tilespmem:v18+s18+$0x0], $0xffff  }
0x168: {  	v11 =	vand.u32 $0x3FFF, v11;
	[tilespmem:v19+s22+$0x0] =	vst.idx.add.f32.msk $0xffff, v17  }
0x169: {  	v12 =	vand.u32 $0x3FFF, v12;
	[tilespmem:v20+s22+$0x0] =	vst.idx.add.f32.msk $0xffff, v15  }
0x16a: {  	_ =	sdelay $0x3  }
0x16b: {  	[tilespmem:v7+s22+$0x0] =	vst.idx.add.f32.msk $0xffff, v1  }
0x16c: {  	[tilespmem:v8+s22+$0x0] =	vst.idx.add.f32.msk $0xffff, v2  }
0x16d: {  	[tilespmem:v9+s22+$0x0] =	vst.idx.add.f32.msk $0xffff, v4  }
0x16e: {  	[tilespmem:v10+s22+$0x0] =	vst.idx.add.f32.msk $0xffff, v5  }
0x16f: {  	[tilespmem:v11+s22+$0x0] =	vst.idx.add.f32.msk $0xffff, v6  }
0x170: {  	s26 =	simm.s32 $0x0;
	[tilespmem:v12+s22+$0x0] =	vst.idx.add.f32.msk $0xffff, v3  }
0x171: {  	[tilespmem:s20], [sflag:$0x2] =	stream.linear.gather [hbm4b:s11+s26], $0x3E80, $0x38;
	[tilespmem:$0xCC00] =	vst v63  }
0x172: {  	_ =	swait.ge [sflag:s21], $0x3E80  }
0x173: {  	[sflag:s21] =	ssyncset.done $0x0  }
0x174: {  	s31 =	simm.s32 $0x0;
	[sflag:s21] =	ssyncadd.s32 $0xFFFFC180  }
0x175: {  	v7 =	vld [tilespmem:s31+$0x20]  }
0x176: {  	v3 =	vld [tilespmem:s31+$0x10]  }
0x177: {  	v2 =	vld [tilespmem:s31+$0x0]  }
0x178: {  	v8 =	vld [tilespmem:s31+$0x30]  }
0x179: {  	v9 =	vld [tilespmem:s31+$0x40]  }
0x17a: {  	v10 =	vld [tilespmem:s31+$0x50];
	v1 =	vshra.s32 v7, $0xE  }
0x17b: {  	v12 =	vld [tilespmem:s31+$0x70];
	v4 =	vshra.s32 v3, $0xE  }
0x17c: {  	v11 =	vld [tilespmem:s31+$0x60];
	v5 =	vshra.s32 v2, $0xE  }
0x17d: {  	v6 =	vshra.s32 v8, $0xE  }
0x17e: {  	v13 =	vshra.s32 v9, $0xE  }
0x17f: {  	v14 =	vshra.s32 v10, $0xE;
	v1 =	vld.idx.msk [tilespmem:v1+s18+$0x0], $0xffff  }
0x180: {  	v16 =	vshra.s32 v12, $0xE;
	v15 =	vld.idx.msk [tilespmem:v4+s18+$0x0], $0xffff  }
0x181: {  	v18 =	vshra.s32 v11, $0xE;
	v17 =	vld.idx.msk [tilespmem:v5+s18+$0x0], $0xffff  }
0x182: {  	v19 =	vand.u32 $0x3FFF, v2;
	v2 =	vld.idx.msk [tilespmem:v6+s18+$0x0], $0xffff  }
0x183: {  	v20 =	vand.u32 $0x3FFF, v3;
	v4 =	vld.idx.msk [tilespmem:v13+s18+$0x0], $0xffff  }
0x184: {  	v7 =	vand.u32 $0x3FFF, v7;
	v5 =	vld.idx.msk [tilespmem:v14+s18+$0x0], $0xffff  }
0x185: {  	v8 =	vand.u32 $0x3FFF, v8;
	v3 =	vld.idx.msk [tilespmem:v16+s18+$0x0], $0xffff  }
0x186: {  	v9 =	vand.u32 $0x3FFF, v9;
	v6 =	vld.idx.msk [tilespmem:v18+s18+$0x0], $0xffff  }
0x187: {  	v10 =	vand.u32 $0x3FFF, v10;
	[tilespmem:v19+s22+$0x0] =	vst.idx.add.f32.msk $0xffff, v17  }
0x188: {  	s26 =	simm.s32 $0x200;
	v11 =	vand.u32 $0x3FFF, v11;
	v12 =	vand.u32 $0x3FFF, v12;
	[tilespmem:v20+s22+$0x0] =	vst.idx.add.f32.msk $0xffff, v15  }
.LBB2_16:
0x189: {  	s28 =	sshra.s32 s26, $0x2;
	p0 =	sne.s32 s26, $0xF800;
	s26 =	sadd.s32 $0x200, s26;
	[tilespmem:v7+s22+$0x0] =	vst.idx.add.f32.msk $0xffff, v1  }
0x18a: {  	[tilespmem:v8+s22+$0x0] =	vst.idx.add.f32.msk $0xffff, v2  }
0x18b: {  	[tilespmem:v9+s22+$0x0] =	vst.idx.add.f32.msk $0xffff, v4  }
0x18c: {  	[tilespmem:v10+s22+$0x0] =	vst.idx.add.f32.msk $0xffff, v5  }
0x18d: {  	[tilespmem:v11+s22+$0x0] =	vst.idx.add.f32.msk $0xffff, v6  }
0x18e: {  	[tilespmem:v12+s22+$0x0] =	vst.idx.add.f32.msk $0xffff, v3  }
0x18f: {  	v3 =	vld [tilespmem:s28+$0x20]  }
0x190: {  	v4 =	vld [tilespmem:s28+$0x10]  }
0x191: {  	v2 =	vld [tilespmem:s28+$0x0]  }
0x192: {  	v6 =	vld [tilespmem:s28+$0x30]  }
0x193: {  	v9 =	vld [tilespmem:s28+$0x40]  }
0x194: {  	v10 =	vld [tilespmem:s28+$0x50];
	v1 =	vshra.s32 v3, $0xE  }
0x195: {  	v12 =	vld [tilespmem:s28+$0x70];
	v5 =	vshra.s32 v4, $0xE  }
0x196: {  	v11 =	vld [tilespmem:s28+$0x60];
	v7 =	vshra.s32 v2, $0xE  }
0x197: {  	v8 =	vshra.s32 v6, $0xE  }
0x198: {  	v13 =	vshra.s32 v9, $0xE  }
0x199: {  	v1 =	vld.idx.msk [tilespmem:v1+s18+$0x0], $0xffff;
	v14 =	vshra.s32 v10, $0xE  }
0x19a: {  	v15 =	vld.idx.msk [tilespmem:v5+s18+$0x0], $0xffff;
	v16 =	vshra.s32 v12, $0xE  }
0x19b: {  	v19 =	vand.u32 $0x3FFF, v2;
	v17 =	vld.idx.msk [tilespmem:v7+s18+$0x0], $0xffff;
	v18 =	vshra.s32 v11, $0xE  }
0x19c: {  	v20 =	vand.u32 $0x3FFF, v4;
	v2 =	vld.idx.msk [tilespmem:v8+s18+$0x0], $0xffff  }
0x19d: {  	v7 =	vand.u32 $0x3FFF, v3;
	v4 =	vld.idx.msk [tilespmem:v13+s18+$0x0], $0xffff  }
.Ltmp7:
0x19e: {  	v8 =	vand.u32 $0x3FFF, v6;
	v5 =	vld.idx.msk [tilespmem:v14+s18+$0x0], $0xffff;
	(pc) =	sbr.rel @p0 .LBB2_16-.Ltmp7, $4  }
0x19f: {  	v9 =	vand.u32 $0x3FFF, v9;
	v3 =	vld.idx.msk [tilespmem:v16+s18+$0x0], $0xffff  }
0x1a0: {  	v10 =	vand.u32 $0x3FFF, v10;
	v6 =	vld.idx.msk [tilespmem:v18+s18+$0x0], $0xffff  }
0x1a1: {  	v11 =	vand.u32 $0x3FFF, v11;
	[tilespmem:v19+s22+$0x0] =	vst.idx.add.f32.msk $0xffff, v17  }
0x1a2: {  	v12 =	vand.u32 $0x3FFF, v12;
	[tilespmem:v20+s22+$0x0] =	vst.idx.add.f32.msk $0xffff, v15  }
0x1a3: {  	_ =	sdelay $0x3  }
0x1a4: {  	[tilespmem:v7+s22+$0x0] =	vst.idx.add.f32.msk $0xffff, v1  }
0x1a5: {  	[tilespmem:v8+s22+$0x0] =	vst.idx.add.f32.msk $0xffff, v2  }
0x1a6: {  	[tilespmem:v9+s22+$0x0] =	vst.idx.add.f32.msk $0xffff, v4  }
0x1a7: {  	[tilespmem:v10+s22+$0x0] =	vst.idx.add.f32.msk $0xffff, v5  }
0x1a8: {  	[tilespmem:v11+s22+$0x0] =	vst.idx.add.f32.msk $0xffff, v6  }
0x1a9: {  	s26 =	simm.s32 $0x0;
	[tilespmem:v12+s22+$0x0] =	vst.idx.add.f32.msk $0xffff, v3  }
0x1aa: {  	[tilespmem:s26], [sflag:$0x1] =	stream.linear.gather [hbm4b:s12+s26], $0x3E80, $0x38;
	[tilespmem:$0xCC00] =	vst v63  }
0x1ab: {  	_ =	swait.ge [sflag:s23], $0x3E80  }
0x1ac: {  	[sflag:s23] =	ssyncset.done $0x0  }
0x1ad: {  	s31 =	simm.s32 $0x0;
	[sflag:s23] =	ssyncadd.s32 $0xFFFFC180  }
0x1ae: {  	v7 =	vld [tilespmem:s31+$0x3EA0]  }
0x1af: {  	v3 =	vld [tilespmem:s31+$0x3E90]  }
0x1b0: {  	v2 =	vld [tilespmem:s31+$0x3E80]  }
0x1b1: {  	v8 =	vld [tilespmem:s31+$0x3EB0]  }
0x1b2: {  	v9 =	vld [tilespmem:s31+$0x3EC0]  }
0x1b3: {  	v10 =	vld [tilespmem:s31+$0x3ED0];
	v1 =	vshra.s32 v7, $0xE  }
0x1b4: {  	v12 =	vld [tilespmem:s31+$0x3EF0];
	v4 =	vshra.s32 v3, $0xE  }
0x1b5: {  	v11 =	vld [tilespmem:s31+$0x3EE0];
	v5 =	vshra.s32 v2, $0xE  }
0x1b6: {  	v6 =	vshra.s32 v8, $0xE  }
0x1b7: {  	v13 =	vshra.s32 v9, $0xE  }
0x1b8: {  	v14 =	vshra.s32 v10, $0xE;
	v1 =	vld.idx.msk [tilespmem:v1+s18+$0x0], $0xffff  }
0x1b9: {  	v16 =	vshra.s32 v12, $0xE;
	v15 =	vld.idx.msk [tilespmem:v4+s18+$0x0], $0xffff  }
0x1ba: {  	v18 =	vshra.s32 v11, $0xE;
	v17 =	vld.idx.msk [tilespmem:v5+s18+$0x0], $0xffff  }
0x1bb: {  	v19 =	vand.u32 $0x3FFF, v2;
	v2 =	vld.idx.msk [tilespmem:v6+s18+$0x0], $0xffff  }
0x1bc: {  	v20 =	vand.u32 $0x3FFF, v3;
	v4 =	vld.idx.msk [tilespmem:v13+s18+$0x0], $0xffff  }
0x1bd: {  	v7 =	vand.u32 $0x3FFF, v7;
	v5 =	vld.idx.msk [tilespmem:v14+s18+$0x0], $0xffff  }
0x1be: {  	v8 =	vand.u32 $0x3FFF, v8;
	v3 =	vld.idx.msk [tilespmem:v16+s18+$0x0], $0xffff  }
0x1bf: {  	v9 =	vand.u32 $0x3FFF, v9;
	v6 =	vld.idx.msk [tilespmem:v18+s18+$0x0], $0xffff  }
0x1c0: {  	v10 =	vand.u32 $0x3FFF, v10;
	[tilespmem:v19+s22+$0x0] =	vst.idx.add.f32.msk $0xffff, v17  }
0x1c1: {  	s26 =	simm.s32 $0x200;
	v11 =	vand.u32 $0x3FFF, v11;
	v12 =	vand.u32 $0x3FFF, v12;
	[tilespmem:v20+s22+$0x0] =	vst.idx.add.f32.msk $0xffff, v15  }
.LBB2_18:
0x1c2: {  	s28 =	sshra.s32 s26, $0x2;
	p0 =	sne.s32 s26, $0xF800;
	s26 =	sadd.s32 $0x200, s26;
	[tilespmem:v7+s22+$0x0] =	vst.idx.add.f32.msk $0xffff, v1  }
0x1c3: {  	[tilespmem:v8+s22+$0x0] =	vst.idx.add.f32.msk $0xffff, v2  }
0x1c4: {  	[tilespmem:v9+s22+$0x0] =	vst.idx.add.f32.msk $0xffff, v4  }
0x1c5: {  	[tilespmem:v10+s22+$0x0] =	vst.idx.add.f32.msk $0xffff, v5  }
0x1c6: {  	[tilespmem:v11+s22+$0x0] =	vst.idx.add.f32.msk $0xffff, v6  }
0x1c7: {  	[tilespmem:v12+s22+$0x0] =	vst.idx.add.f32.msk $0xffff, v3  }
0x1c8: {  	v3 =	vld [tilespmem:s28+$0x3EA0]  }
0x1c9: {  	v4 =	vld [tilespmem:s28+$0x3E90]  }
0x1ca: {  	v2 =	vld [tilespmem:s28+$0x3E80]  }
0x1cb: {  	v6 =	vld [tilespmem:s28+$0x3EB0]  }
0x1cc: {  	v9 =	vld [tilespmem:s28+$0x3EC0]  }
0x1cd: {  	v10 =	vld [tilespmem:s28+$0x3ED0];
	v1 =	vshra.s32 v3, $0xE  }
0x1ce: {  	v12 =	vld [tilespmem:s28+$0x3EF0];
	v5 =	vshra.s32 v4, $0xE  }
0x1cf: {  	v11 =	vld [tilespmem:s28+$0x3EE0];
	v7 =	vshra.s32 v2, $0xE  }
0x1d0: {  	v8 =	vshra.s32 v6, $0xE  }
0x1d1: {  	v13 =	vshra.s32 v9, $0xE  }
0x1d2: {  	v1 =	vld.idx.msk [tilespmem:v1+s18+$0x0], $0xffff;
	v14 =	vshra.s32 v10, $0xE  }
0x1d3: {  	v15 =	vld.idx.msk [tilespmem:v5+s18+$0x0], $0xffff;
	v16 =	vshra.s32 v12, $0xE  }
0x1d4: {  	v19 =	vand.u32 $0x3FFF, v2;
	v17 =	vld.idx.msk [tilespmem:v7+s18+$0x0], $0xffff;
	v18 =	vshra.s32 v11, $0xE  }
0x1d5: {  	v20 =	vand.u32 $0x3FFF, v4;
	v2 =	vld.idx.msk [tilespmem:v8+s18+$0x0], $0xffff  }
0x1d6: {  	v7 =	vand.u32 $0x3FFF, v3;
	v4 =	vld.idx.msk [tilespmem:v13+s18+$0x0], $0xffff  }
.Ltmp8:
0x1d7: {  	v8 =	vand.u32 $0x3FFF, v6;
	v5 =	vld.idx.msk [tilespmem:v14+s18+$0x0], $0xffff;
	(pc) =	sbr.rel @p0 .LBB2_18-.Ltmp8, $4  }
0x1d8: {  	v9 =	vand.u32 $0x3FFF, v9;
	v3 =	vld.idx.msk [tilespmem:v16+s18+$0x0], $0xffff  }
0x1d9: {  	v10 =	vand.u32 $0x3FFF, v10;
	v6 =	vld.idx.msk [tilespmem:v18+s18+$0x0], $0xffff  }
0x1da: {  	v11 =	vand.u32 $0x3FFF, v11;
	[tilespmem:v19+s22+$0x0] =	vst.idx.add.f32.msk $0xffff, v17  }
0x1db: {  	v12 =	vand.u32 $0x3FFF, v12;
	[tilespmem:v20+s22+$0x0] =	vst.idx.add.f32.msk $0xffff, v15  }
0x1dc: {  	_ =	sdelay $0x3  }
0x1dd: {  	[tilespmem:v7+s22+$0x0] =	vst.idx.add.f32.msk $0xffff, v1  }
0x1de: {  	[tilespmem:v8+s22+$0x0] =	vst.idx.add.f32.msk $0xffff, v2  }
0x1df: {  	[tilespmem:v9+s22+$0x0] =	vst.idx.add.f32.msk $0xffff, v4  }
0x1e0: {  	[tilespmem:v10+s22+$0x0] =	vst.idx.add.f32.msk $0xffff, v5  }
0x1e1: {  	[tilespmem:v11+s22+$0x0] =	vst.idx.add.f32.msk $0xffff, v6  }
0x1e2: {  	s26 =	simm.s32 $0x0;
	[tilespmem:v12+s22+$0x0] =	vst.idx.add.f32.msk $0xffff, v3  }
0x1e3: {  	[tilespmem:s20], [sflag:$0x2] =	stream.linear.gather [hbm4b:s13+s26], $0x3E80, $0x38;
	[tilespmem:$0xCC00] =	vst v63  }
0x1e4: {  	_ =	swait.ge [sflag:s21], $0x3E80  }
0x1e5: {  	[sflag:s21] =	ssyncset.done $0x0  }
0x1e6: {  	s31 =	simm.s32 $0x0;
	[sflag:s21] =	ssyncadd.s32 $0xFFFFC180  }
0x1e7: {  	v7 =	vld [tilespmem:s31+$0x20]  }
0x1e8: {  	v3 =	vld [tilespmem:s31+$0x10]  }
0x1e9: {  	v2 =	vld [tilespmem:s31+$0x0]  }
0x1ea: {  	v8 =	vld [tilespmem:s31+$0x30]  }
0x1eb: {  	v9 =	vld [tilespmem:s31+$0x40]  }
0x1ec: {  	v10 =	vld [tilespmem:s31+$0x50];
	v1 =	vshra.s32 v7, $0xE  }
0x1ed: {  	v12 =	vld [tilespmem:s31+$0x70];
	v4 =	vshra.s32 v3, $0xE  }
0x1ee: {  	v11 =	vld [tilespmem:s31+$0x60];
	v5 =	vshra.s32 v2, $0xE  }
0x1ef: {  	v6 =	vshra.s32 v8, $0xE  }
0x1f0: {  	v13 =	vshra.s32 v9, $0xE  }
0x1f1: {  	v14 =	vshra.s32 v10, $0xE;
	v1 =	vld.idx.msk [tilespmem:v1+s18+$0x0], $0xffff  }
0x1f2: {  	v16 =	vshra.s32 v12, $0xE;
	v15 =	vld.idx.msk [tilespmem:v4+s18+$0x0], $0xffff  }
0x1f3: {  	v18 =	vshra.s32 v11, $0xE;
	v17 =	vld.idx.msk [tilespmem:v5+s18+$0x0], $0xffff  }
0x1f4: {  	v19 =	vand.u32 $0x3FFF, v2;
	v2 =	vld.idx.msk [tilespmem:v6+s18+$0x0], $0xffff  }
0x1f5: {  	v20 =	vand.u32 $0x3FFF, v3;
	v4 =	vld.idx.msk [tilespmem:v13+s18+$0x0], $0xffff  }
0x1f6: {  	v7 =	vand.u32 $0x3FFF, v7;
	v5 =	vld.idx.msk [tilespmem:v14+s18+$0x0], $0xffff  }
0x1f7: {  	v8 =	vand.u32 $0x3FFF, v8;
	v3 =	vld.idx.msk [tilespmem:v16+s18+$0x0], $0xffff  }
0x1f8: {  	v9 =	vand.u32 $0x3FFF, v9;
	v6 =	vld.idx.msk [tilespmem:v18+s18+$0x0], $0xffff  }
0x1f9: {  	v10 =	vand.u32 $0x3FFF, v10;
	[tilespmem:v19+s22+$0x0] =	vst.idx.add.f32.msk $0xffff, v17  }
0x1fa: {  	s26 =	simm.s32 $0x200;
	v11 =	vand.u32 $0x3FFF, v11;
	v12 =	vand.u32 $0x3FFF, v12;
	[tilespmem:v20+s22+$0x0] =	vst.idx.add.f32.msk $0xffff, v15  }
.LBB2_20:
0x1fb: {  	s28 =	sshra.s32 s26, $0x2;
	p0 =	sne.s32 s26, $0xF800;
	s26 =	sadd.s32 $0x200, s26;
	[tilespmem:v7+s22+$0x0] =	vst.idx.add.f32.msk $0xffff, v1  }
0x1fc: {  	[tilespmem:v8+s22+$0x0] =	vst.idx.add.f32.msk $0xffff, v2  }
0x1fd: {  	[tilespmem:v9+s22+$0x0] =	vst.idx.add.f32.msk $0xffff, v4  }
0x1fe: {  	[tilespmem:v10+s22+$0x0] =	vst.idx.add.f32.msk $0xffff, v5  }
0x1ff: {  	[tilespmem:v11+s22+$0x0] =	vst.idx.add.f32.msk $0xffff, v6  }
0x200: {  	[tilespmem:v12+s22+$0x0] =	vst.idx.add.f32.msk $0xffff, v3  }
0x201: {  	v3 =	vld [tilespmem:s28+$0x20]  }
0x202: {  	v4 =	vld [tilespmem:s28+$0x10]  }
0x203: {  	v2 =	vld [tilespmem:s28+$0x0]  }
0x204: {  	v6 =	vld [tilespmem:s28+$0x30]  }
0x205: {  	v9 =	vld [tilespmem:s28+$0x40]  }
0x206: {  	v10 =	vld [tilespmem:s28+$0x50];
	v1 =	vshra.s32 v3, $0xE  }
0x207: {  	v12 =	vld [tilespmem:s28+$0x70];
	v5 =	vshra.s32 v4, $0xE  }
0x208: {  	v11 =	vld [tilespmem:s28+$0x60];
	v7 =	vshra.s32 v2, $0xE  }
0x209: {  	v8 =	vshra.s32 v6, $0xE  }
0x20a: {  	v13 =	vshra.s32 v9, $0xE  }
0x20b: {  	v1 =	vld.idx.msk [tilespmem:v1+s18+$0x0], $0xffff;
	v14 =	vshra.s32 v10, $0xE  }
0x20c: {  	v15 =	vld.idx.msk [tilespmem:v5+s18+$0x0], $0xffff;
	v16 =	vshra.s32 v12, $0xE  }
0x20d: {  	v19 =	vand.u32 $0x3FFF, v2;
	v17 =	vld.idx.msk [tilespmem:v7+s18+$0x0], $0xffff;
	v18 =	vshra.s32 v11, $0xE  }
0x20e: {  	v20 =	vand.u32 $0x3FFF, v4;
	v2 =	vld.idx.msk [tilespmem:v8+s18+$0x0], $0xffff  }
0x20f: {  	v7 =	vand.u32 $0x3FFF, v3;
	v4 =	vld.idx.msk [tilespmem:v13+s18+$0x0], $0xffff  }
.Ltmp9:
0x210: {  	v8 =	vand.u32 $0x3FFF, v6;
	v5 =	vld.idx.msk [tilespmem:v14+s18+$0x0], $0xffff;
	(pc) =	sbr.rel @p0 .LBB2_20-.Ltmp9, $4  }
0x211: {  	v9 =	vand.u32 $0x3FFF, v9;
	v3 =	vld.idx.msk [tilespmem:v16+s18+$0x0], $0xffff  }
0x212: {  	v10 =	vand.u32 $0x3FFF, v10;
	v6 =	vld.idx.msk [tilespmem:v18+s18+$0x0], $0xffff  }
0x213: {  	v11 =	vand.u32 $0x3FFF, v11;
	[tilespmem:v19+s22+$0x0] =	vst.idx.add.f32.msk $0xffff, v17  }
0x214: {  	v12 =	vand.u32 $0x3FFF, v12;
	[tilespmem:v20+s22+$0x0] =	vst.idx.add.f32.msk $0xffff, v15  }
0x215: {  	_ =	sdelay $0x3  }
0x216: {  	[tilespmem:v7+s22+$0x0] =	vst.idx.add.f32.msk $0xffff, v1  }
0x217: {  	[tilespmem:v8+s22+$0x0] =	vst.idx.add.f32.msk $0xffff, v2  }
0x218: {  	[tilespmem:v9+s22+$0x0] =	vst.idx.add.f32.msk $0xffff, v4  }
0x219: {  	[tilespmem:v10+s22+$0x0] =	vst.idx.add.f32.msk $0xffff, v5  }
0x21a: {  	[tilespmem:v11+s22+$0x0] =	vst.idx.add.f32.msk $0xffff, v6  }
0x21b: {  	[tilespmem:v12+s22+$0x0] =	vst.idx.add.f32.msk $0xffff, v3  }
0x21c: {  	_ =	swait.ge [sflag:s23], $0x3E80  }
0x21d: {  	[sflag:s23] =	ssyncset.done $0x0  }
0x21e: {  	s26 =	simm.s32 $0x0;
	[sflag:s23] =	ssyncadd.s32 $0xFFFFC180  }
0x21f: {  	v7 =	vld [tilespmem:s26+$0x3EA0]  }
0x220: {  	v3 =	vld [tilespmem:s26+$0x3E90]  }
0x221: {  	v2 =	vld [tilespmem:s26+$0x3E80]  }
0x222: {  	v8 =	vld [tilespmem:s26+$0x3EB0]  }
0x223: {  	v9 =	vld [tilespmem:s26+$0x3EC0]  }
0x224: {  	v10 =	vld [tilespmem:s26+$0x3ED0];
	v1 =	vshra.s32 v7, $0xE  }
0x225: {  	v12 =	vld [tilespmem:s26+$0x3EF0];
	v4 =	vshra.s32 v3, $0xE  }
0x226: {  	v11 =	vld [tilespmem:s26+$0x3EE0];
	v5 =	vshra.s32 v2, $0xE  }
0x227: {  	v6 =	vshra.s32 v8, $0xE  }
0x228: {  	v13 =	vshra.s32 v9, $0xE  }
0x229: {  	v14 =	vshra.s32 v10, $0xE;
	v1 =	vld.idx.msk [tilespmem:v1+s18+$0x0], $0xffff  }
0x22a: {  	v16 =	vshra.s32 v12, $0xE;
	v15 =	vld.idx.msk [tilespmem:v4+s18+$0x0], $0xffff  }
0x22b: {  	v18 =	vshra.s32 v11, $0xE;
	v17 =	vld.idx.msk [tilespmem:v5+s18+$0x0], $0xffff  }
0x22c: {  	v19 =	vand.u32 $0x3FFF, v2;
	v2 =	vld.idx.msk [tilespmem:v6+s18+$0x0], $0xffff  }
0x22d: {  	v20 =	vand.u32 $0x3FFF, v3;
	v4 =	vld.idx.msk [tilespmem:v13+s18+$0x0], $0xffff  }
0x22e: {  	v7 =	vand.u32 $0x3FFF, v7;
	v5 =	vld.idx.msk [tilespmem:v14+s18+$0x0], $0xffff  }
0x22f: {  	v8 =	vand.u32 $0x3FFF, v8;
	v3 =	vld.idx.msk [tilespmem:v16+s18+$0x0], $0xffff  }
0x230: {  	v9 =	vand.u32 $0x3FFF, v9;
	v6 =	vld.idx.msk [tilespmem:v18+s18+$0x0], $0xffff  }
0x231: {  	v10 =	vand.u32 $0x3FFF, v10;
	[tilespmem:v19+s22+$0x0] =	vst.idx.add.f32.msk $0xffff, v17  }
0x232: {  	s26 =	simm.s32 $0x200;
	v11 =	vand.u32 $0x3FFF, v11;
	v12 =	vand.u32 $0x3FFF, v12;
	[tilespmem:v20+s22+$0x0] =	vst.idx.add.f32.msk $0xffff, v15  }
.LBB2_22:
0x233: {  	s28 =	sshra.s32 s26, $0x2;
	p0 =	sne.s32 s26, $0xF800;
	s26 =	sadd.s32 $0x200, s26;
	[tilespmem:v7+s22+$0x0] =	vst.idx.add.f32.msk $0xffff, v1  }
0x234: {  	[tilespmem:v8+s22+$0x0] =	vst.idx.add.f32.msk $0xffff, v2  }
0x235: {  	[tilespmem:v9+s22+$0x0] =	vst.idx.add.f32.msk $0xffff, v4  }
0x236: {  	[tilespmem:v10+s22+$0x0] =	vst.idx.add.f32.msk $0xffff, v5  }
0x237: {  	[tilespmem:v11+s22+$0x0] =	vst.idx.add.f32.msk $0xffff, v6  }
0x238: {  	[tilespmem:v12+s22+$0x0] =	vst.idx.add.f32.msk $0xffff, v3  }
0x239: {  	v3 =	vld [tilespmem:s28+$0x3EA0]  }
0x23a: {  	v4 =	vld [tilespmem:s28+$0x3E90]  }
0x23b: {  	v2 =	vld [tilespmem:s28+$0x3E80]  }
0x23c: {  	v6 =	vld [tilespmem:s28+$0x3EB0]  }
0x23d: {  	v9 =	vld [tilespmem:s28+$0x3EC0]  }
0x23e: {  	v10 =	vld [tilespmem:s28+$0x3ED0];
	v1 =	vshra.s32 v3, $0xE  }
0x23f: {  	v12 =	vld [tilespmem:s28+$0x3EF0];
	v5 =	vshra.s32 v4, $0xE  }
0x240: {  	v11 =	vld [tilespmem:s28+$0x3EE0];
	v7 =	vshra.s32 v2, $0xE  }
0x241: {  	v8 =	vshra.s32 v6, $0xE  }
0x242: {  	v13 =	vshra.s32 v9, $0xE  }
0x243: {  	v1 =	vld.idx.msk [tilespmem:v1+s18+$0x0], $0xffff;
	v14 =	vshra.s32 v10, $0xE  }
0x244: {  	v15 =	vld.idx.msk [tilespmem:v5+s18+$0x0], $0xffff;
	v16 =	vshra.s32 v12, $0xE  }
0x245: {  	v19 =	vand.u32 $0x3FFF, v2;
	v17 =	vld.idx.msk [tilespmem:v7+s18+$0x0], $0xffff;
	v18 =	vshra.s32 v11, $0xE  }
0x246: {  	v20 =	vand.u32 $0x3FFF, v4;
	v2 =	vld.idx.msk [tilespmem:v8+s18+$0x0], $0xffff  }
0x247: {  	v7 =	vand.u32 $0x3FFF, v3;
	v4 =	vld.idx.msk [tilespmem:v13+s18+$0x0], $0xffff  }
.Ltmp10:
0x248: {  	v8 =	vand.u32 $0x3FFF, v6;
	v5 =	vld.idx.msk [tilespmem:v14+s18+$0x0], $0xffff;
	(pc) =	sbr.rel @p0 .LBB2_22-.Ltmp10, $4  }
0x249: {  	v9 =	vand.u32 $0x3FFF, v9;
	v3 =	vld.idx.msk [tilespmem:v16+s18+$0x0], $0xffff  }
0x24a: {  	v10 =	vand.u32 $0x3FFF, v10;
	v6 =	vld.idx.msk [tilespmem:v18+s18+$0x0], $0xffff  }
0x24b: {  	v11 =	vand.u32 $0x3FFF, v11;
	[tilespmem:v19+s22+$0x0] =	vst.idx.add.f32.msk $0xffff, v17  }
0x24c: {  	v12 =	vand.u32 $0x3FFF, v12;
	[tilespmem:v20+s22+$0x0] =	vst.idx.add.f32.msk $0xffff, v15  }
0x24d: {  	_ =	sdelay $0x3  }
0x24e: {  	[tilespmem:v7+s22+$0x0] =	vst.idx.add.f32.msk $0xffff, v1  }
0x24f: {  	[tilespmem:v8+s22+$0x0] =	vst.idx.add.f32.msk $0xffff, v2  }
0x250: {  	[tilespmem:v9+s22+$0x0] =	vst.idx.add.f32.msk $0xffff, v4  }
0x251: {  	s25 =	sadd.s32 $0x1, s25;
	[tilespmem:v10+s22+$0x0] =	vst.idx.add.f32.msk $0xffff, v5  }
0x252: {  	p0 =	sne.s32 s25, s15;
	[tilespmem:v11+s22+$0x0] =	vst.idx.add.f32.msk $0xffff, v6  }
.Ltmp11:
0x253: {  	[tilespmem:v12+s22+$0x0] =	vst.idx.add.f32.msk $0xffff, v3;
	(pc) =	sbr.rel @p0 .LBB2_1-.Ltmp11, $4  }
0x254: {  	[hbm4b:s14+s16] =	stream.strided.scatter [tilespmem:s22], [sflag:$0x4], $0x2780, s17, s16, $0x38;
	[tilespmem:$0xCC00] =	vst v63  }
0x255: {  	_ =	swait.ge [sflag:s24], $0x2780  }
0x256: {  	[sflag:s24] =	ssyncset.done $0x0  }
0x257: {  	[sflag:s24] =	ssyncadd.s32 $0xFFFFD880  }
0x258: {  	_ =	sfence.sel $0x180000  }
0x259: {  	[bflag:$0x0] =	sbarrier.arrive $0xFFFF  }
0x25a: {  	p0 =	sne.s32 s0, $0x0;
	_ =	strace $0x9000004A  }
0x25b: {  	s0 =	sadd.s32 @!p0 $0x100000, s1;
	[bflag:$0x2] =	sbarrier.arrive $0xFFFF  }
0x25c: {  	[sflag:s0] =	ssyncadd.tile.s32 @!p0 $0x1;
	_ =	shalt  }
.Lfunc_end2:
_tile_overlayer_lowered:
.L_overlay_start_2:
0x25d: {  	(tag) =	ssettag $0x2  }
0x25e: {  	s0 =	rddreg [dreg:$0x0];
	s2 =	stileid.u32  }
0x25f: {  	s1 =	rddreg [dreg:$0x1];
	p0 =	sne.s32 s2, $0x0  }
0x260: {  	s3 =	rddreg [dreg:$0x2];
	[bflag:$0x3] =	sbarrier.arrive $0xFFFF;
	s2 =	simm.s32 @!p0 $0x1C04  }
0x261: {  	[timem:s3], [sflag:s2] =	dma.local @!p0 [hbm:s0], s1  }
0x262: {  	s0 =	simm.s32 @!p0 $0x4  }
0x263: {  	_ =	swait.ge @!p0 [sflag:s0], s1  }
0x264: {  	s1 =	ssub.s32 @!p0 $0x0, s1;
	[sflag:s0] =	ssyncset.done @!p0 $0x0  }
0x265: {  	[sflag:s0] =	ssyncadd.s32 @!p0 s1  }
0x266: {  	[bflag:$0x3] =	sbarrier.arrive $0xFFFF  }
0x267: {  	_ =	shalt  }

// kernel: kernel.9.cloned.1.call-start
scs
__scs_entry_jumppad:
0x0: {  	(pc) =	sbr.rel $0x88, $3  }
0x1: {  	(tag) =	ssettag $0x0;
	lr =	simm.s32 $0x1  }
0x2: {  	[smem:$0x3F99] =	sst lr;
	_ =	strace $0xD0000000  }
0x3: {  	_ = 	snop  }
0x4: {  	_ = 	snop  }
0x5: {  	_ = 	snop  }
0x6: {  	_ = 	snop  }
0x7: {  	_ = 	snop  }
__scs_overlays_trampoline_lowered:
0x8: {  	[smem:$0x3FA8] =	sst s0  }
0x9: {  	[smem:$0x3FA9] =	sst s1  }
0xa: {  	[smem:$0x3FAA] =	sst s2  }
0xb: {  	[smem:$0x3FAB] =	sst s3  }
0xc: {  	[smem:$0x3FAC] =	sst s4  }
0xd: {  	[smem:$0x3FAD] =	sst s5  }
0xe: {  	[smem:$0x3FAE] =	sst s6  }
0xf: {  	[smem:$0x3FAF] =	sst s7  }
0x10: {  	[smem:$0x3FB0] =	sst s8  }
0x11: {  	[smem:$0x3FB1] =	sst s9;
	s0 =	simm.s32 @!p0 $0x0  }
0x12: {  	s1 =	sld [smem:$0x3F97];
	s0 =	simm.s32 @p0 $0x1  }
0x13: {  	[smem:$0x3FB2] =	sst s0;
	s0 =	simm.s32 @!p1 $0x0  }
0x14: {  	s2 =	sld [smem:$0x3F96];
	s0 =	simm.s32 @p1 $0x1  }
0x15: {  	[smem:$0x3FB3] =	sst s0;
	s0 =	simm.s32 @!p2 $0x0  }
0x16: {  	s3 =	sld [smem:$0x3FDB];
	s0 =	simm.s32 @p2 $0x1  }
0x17: {  	s4 =	simm.s32 $0x1BF5;
	[smem:$0x3FB5] =	sst s0  }
0x18: {  	s0 =	sld [smem:$0x3F98];
	_ =	swait.ge [sflag:s4], $0x0  }
0x19: {  	s7 =	sld [smem:$0x3F99]  }
0x1a: {  	s8 =	sadd.s32 $0xFFFFE003, lr  }
0x1b: {  	s9 =	sadd.s32 $0xFFFFFEF7, lr;
	s5 =	simm.s32 $0xFFFFFFFF;
	p2 =	slt.u32 s8, $0xFFFFF086  }
0x1c: {  	p1 =	slt.u32 s9, $0xF7A;
	s5 =	simm.s32 @!p2 $0x0  }
0x1d: {  	s5 =	simm.s32 @p1 $0x1;
	p0 =	seq.s32 s7, s2  }
0x1e: {  	s7 =	smul.u32 @!p0 $0xF7A, s2;
	p2 =	seq.s32 @!p0 s5, $0x0  }
0x1f: {  	s9 =	smul.u32 $0xF7A, s1;
	s8 =	simm.s32 @!p0 $0x1BF5;
	p2 =	por !p2, p0  }
0x20: {  	[sflag:s8] =	ssyncset.s32 @!p0 $0xFFFFF086;
	s6 =	sadd.s32 @!p0 s3, s7;
	s7 =	simm.s32 @!p0 $0x108  }
0x21: {  	s3 =	sadd.s32 s3, s9;
	s6 =	sadd.s32 @!p0 $0x88, s6;
	s7 =	simm.s32 @p2 $0x1082  }
0x22: {  	[simem:s7], [sflag:s8] =	dma.local @!p0 [hbm:s6], $0xF7A  }
0x23: {  	s9 =	sor.u32 $0xD0000000, s2;
	s6 =	simm.s32 $0x108;
	_ =	swait.ge @!p0 [sflag:s8], $0x0  }
0x24: {  	s3 =	sadd.s32 $0x88, s3;
	s6 =	simm.s32 @!p1 $0x1082;
	[sflag:s4] =	ssyncset.s32 $0xFFFFF086  }
0x25: {  	[simem:s6], [sflag:s4] =	dma.local [hbm:s3], $0xF7A  }
0x26: {  	[smem:$0x3F99] =	sst s1;
	(tag) =	ssettag s2;
	_ =	strace s9  }
0x27: {  	s1 =	sld [smem:$0x3FA9]  }
0x28: {  	s2 =	sld [smem:$0x3FAA]  }
0x29: {  	s4 =	sld [smem:$0x3FAC]  }
0x2a: {  	p0 =	seq.s32 s5, $0x0;
	s5 =	sld [smem:$0x3FAD]  }
0x2b: {  	s6 =	sld [smem:$0x3FAE]  }
0x2c: {  	s7 =	sld [smem:$0x3FAF]  }
0x2d: {  	s3 =	simm.s32 $0x108;
	s8 =	sld [smem:$0x3FB0]  }
0x2e: {  	s3 =	simm.s32 @!p0 $0x1082;
	s9 =	sld [smem:$0x3FB1]  }
0x2f: {  	lr =	sadd.s32 s0, s3;
	s0 =	sld [smem:$0x3FA8]  }
0x30: {  	s3 =	sld [smem:$0x3FAB]  }
0x31: {  	[smem:$0x3FB4] =	sst s10  }
0x32: {  	s10 =	sld [smem:$0x3FB2];
	_ =	sdelay $0x3  }
0x33: {  	p0 =	seq.s32 s10, $0x1;
	s10 =	sld [smem:$0x3FB4];
	_ =	sdelay $0x3  }
0x34: {  	[smem:$0x3FB4] =	sst s10  }
0x35: {  	s10 =	sld [smem:$0x3FB3];
	_ =	sdelay $0x3  }
0x36: {  	p1 =	seq.s32 s10, $0x1;
	s10 =	sld [smem:$0x3FB4];
	_ =	sdelay $0x3  }
0x37: {  	[smem:$0x3FB4] =	sst s10  }
0x38: {  	s10 =	sld [smem:$0x3FB5]  }
0x39: {  	_ = 	snop;
	(pc) =	sbr.ind lr, $3  }
0x3a: {  	_ = 	snop  }
0x3b: {  	_ = 	snop  }
0x3c: {  	p2 =	seq.s32 s10, $0x1;
	s10 =	sld [smem:$0x3FB4]  }
0x3d: {  	_ =	shalt  }
0x3e: {  	_ =	shalt  }
0x3f: {  	_ =	shalt  }
0x40: {  	_ =	shalt  }
0x41: {  	_ =	shalt  }
0x42: {  	_ =	shalt  }
0x43: {  	_ =	shalt  }
0x44: {  	_ =	shalt  }
0x45: {  	_ =	shalt  }
0x46: {  	_ =	shalt  }
0x47: {  	_ =	shalt  }
0x48: {  	_ =	shalt  }
0x49: {  	_ =	shalt  }
0x4a: {  	_ =	shalt  }
0x4b: {  	_ =	shalt  }
0x4c: {  	_ =	shalt  }
0x4d: {  	_ =	shalt  }
0x4e: {  	_ =	shalt  }
0x4f: {  	_ =	shalt  }
0x50: {  	_ =	shalt  }
0x51: {  	_ =	shalt  }
0x52: {  	_ =	shalt  }
0x53: {  	_ =	shalt  }
0x54: {  	_ =	shalt  }
0x55: {  	_ =	shalt  }
0x56: {  	_ =	shalt  }
0x57: {  	_ =	shalt  }
0x58: {  	_ =	shalt  }
0x59: {  	_ =	shalt  }
0x5a: {  	_ =	shalt  }
0x5b: {  	_ =	shalt  }
0x5c: {  	_ =	shalt  }
0x5d: {  	_ =	shalt  }
0x5e: {  	_ =	shalt  }
0x5f: {  	_ =	shalt  }
0x60: {  	_ =	shalt  }
0x61: {  	_ =	shalt  }
0x62: {  	_ =	shalt  }
0x63: {  	_ =	shalt  }
0x64: {  	_ =	shalt  }
0x65: {  	_ =	shalt  }
0x66: {  	_ =	shalt  }
0x67: {  	_ =	shalt  }
0x68: {  	_ =	shalt  }
0x69: {  	_ =	shalt  }
0x6a: {  	_ =	shalt  }
0x6b: {  	_ =	shalt  }
0x6c: {  	_ =	shalt  }
0x6d: {  	_ =	shalt  }
0x6e: {  	_ =	shalt  }
0x6f: {  	_ =	shalt  }
0x70: {  	_ =	shalt  }
0x71: {  	_ =	shalt  }
0x72: {  	_ =	shalt  }
0x73: {  	_ =	shalt  }
0x74: {  	_ =	shalt  }
0x75: {  	_ =	shalt  }
0x76: {  	_ =	shalt  }
0x77: {  	_ =	shalt  }
0x78: {  	_ =	shalt  }
0x79: {  	_ =	shalt  }
0x7a: {  	_ =	shalt  }
0x7b: {  	_ =	shalt  }
0x7c: {  	_ =	shalt  }
0x7d: {  	_ =	shalt  }
0x7e: {  	_ =	shalt  }
0x7f: {  	_ =	shalt  }
0x80: {  	_ =	shalt  }
0x81: {  	_ =	shalt  }
0x82: {  	_ =	shalt  }
0x83: {  	_ =	shalt  }
0x84: {  	_ =	shalt  }
0x85: {  	_ =	shalt  }
0x86: {  	_ =	shalt  }
0x87: {  	_ =	shalt  }
.Lfunc_end0:
.L_simem_size_0:
called_computation_lowered:
.L_overlay_start_0:
0x88: {  	s2 =	sld [smem:$0x3FD9]  }
0x89: {  	s3 =	sld [smem:$0x3FFE];
	_ =	sdelay $0x1  }
0x8a: {  	s1 =	srdreg.scid  }
0x8b: {  	s0 =	sand.u32 $0x1, s1  }
0x8c: {  	s16 =	sshll.u32 s0, $0xA;
	s2 =	sadd.s32 s3, s2  }
0x8d: {  	s2 =	sadd.s32 s2, s16  }
0x8e: {  	[smem:$0x3FC0] =	sst s2  }
0x8f: {  	_ = 	snop  }
0x90: {  	(tm) =	ssettm $0x1  }
0x91: {  	s17 =	sld [smem:$0x3FFB];
	_ =	sdelay $0x3  }
0x92: {  	_ =	strace s17  }
0x93: {  	s2 =	sld [smem:$0x3FFC];
	_ =	sdelay $0x3  }
0x94: {  	_ =	strace s2  }
0x95: {  	s2 =	sld [smem:$0x3FFD];
	_ =	sdelay $0x3  }
0x96: {  	_ =	strace s2  }
0x97: {  	_ =	strace $0x8FFFFFFF  }
0x98: {  	s18 =	sld [smem:$0x3FDB];
	_ =	sdelay $0x1  }
0x99: {  	s19 =	simm.s32 $_scs_section_size  }
0x9a: {  	s4 =	simm.s32 $_size__tile_overlayer_lowered;
	s5 =	simm.s32 $_tile_overlayer_lowered  }
0x9b: {  	s22 =	simm.s32 $0x1BFF;
	s21 =	sshll.u32 s5, $0x1;
	s2 =	sadd.s32 s19, s18  }
0x9c: {  	s6 =	simm.s32 $0x0;
	s20 =	sshll.u32 s4, $0x1;
	s4 =	sadd.s32 s21, s2  }
0x9d: {  	[timem:s6], [sflag:s22] =	dma.local [hbm:s4], s20  }
0x9e: {  	_ =	swait.ge [sflag:s22], s20  }
0x9f: {  	s3 =	ssub.s32 $0x0, s20;
	[sflag:s22] =	ssyncset.done $0x0  }
0xa0: {  	[sflag:s22] =	ssyncadd.s32 s3;
	_ =	sdelay $0x1  }
0xa1: {  	s23 =	simm.s32 $0x1B8B  }
0xa2: {  	_ =	swait.ge [sflag:s23], $0x1  }
0xa3: {  	[sflag:s23] =	ssyncset.done $0x0  }
0xa4: {  	s25 =	simm.s32 $0x1B8E;
	s24 =	sld [smem:$0x3FFE];
	[sflag:s23] =	ssyncadd.s32 $0xFFFFFFFF  }
0xa5: {  	s26 =	simm.s32 $execute0_lowered;
	[smem:$0x3FD2] =	sst s25  }
0xa6: {  	s4 =	sshll.u32 s26, $0x1;
	_ =	strace $0x80000046;
	[dreg:$0x1] =	wrdreg $0xFFFFFFFF  }
0xa7: {  	s28 =	simm.s32 $_size_execute0_lowered;
	s2 =	sadd.s32 s2, s4;
	[dreg:$0x0] =	wrdreg $0x0  }
0xa8: {  	s4 =	sshll.u32 s28, $0x1;
	[dreg:$0x2] =	wrdreg s2  }
0xa9: {  	[dreg:$0x3] =	wrdreg s4  }
0xaa: {  	[dreg:$0x4] =	wrdreg $0xC0  }
0xab: {  	_ =	task [dreg:s6], $0x5FFFF  }
0xac: {  	[dreg:$0x1] =	wrdreg $0xFFFFFFFF  }
0xad: {  	[dreg:$0x0] =	wrdreg $0x60  }
0xae: {  	[dreg:$0x2] =	wrdreg s24  }
0xaf: {  	[dreg:$0x3] =	wrdreg $0x9  }
0xb0: {  	_ =	task.clear_ibuf [dreg:s6], $0x4FFFF;
	_ =	strace $0x90000046  }
0xb1: {  	s29 =	simm.s32 $0x9;
	_ =	strace $0x80000048  }
0xb2: {  	_ =	swait.ge [sflag:s29], $0x1  }
0xb3: {  	[sflag:s29] =	ssyncadd.s32 $0xFFFFFFFF  }
0xb4: {  	_ =	strace $0x90000048  }
0xb5: {  	_ =	sfence  }
0xb6: {  	s30 =	sld [smem:$0x0];
	_ =	sdelay $0x2  }
0xb7: {  	s31 =	sshll.u32 s1, $0xD;
	s1 =	sshrl.u32 s1, $0x2  }
0xb8: {  	s3 =	sand.u32 $0x4000, s31;
	s1 =	sadd.s32 s1, s30  }
0xb9: {  	s0 =	sor.u32 s3, s0;
	s1 =	sshll.u32 s1, $0x11  }
0xba: {  	s0 =	sor.u32 s1, s0  }
0xbb: {  	s0 =	sadd.s32 $0x8F2B, s0  }
0xbc: {  	[sflag:s0] =	ssyncadd.remote.s32 $0x1  }
0xbd: {  	_ =	sfence.sel $0xFFFF  }
0xbe: {  	[dreg:$0x0] =	wrdreg $0xFFFFFFFF;
	(pc) =	sbr.abs _section_cstart, $3  }
0xbf: {  	[dreg:$0x1] =	wrdreg $0xFFFFFFFF  }
0xc0: {  	_ =	task.clear_ibuf [dreg:s6], $0x2FFFF;
	_ =	strace $0x9FFFFFFF  }
0xc1: {  	(tm) =	ssettm $0x7FFFFFFF  }
tec
execute0_lowered:
.L_overlay_start_1:
0x0: {  	(tag) =	ssettag $0x1  }
0x1: {  	s1 =	srdreg.scid  }
0x2: {  	s0 =	stileid.u32;
	s3 =	rddreg [dreg:$0x0];
	s8 =	simm.s32 $0x80  }
0x3: {  	s9 =	simm.s32 $0x400;
	s10 =	simm.s32 $0x2;
	s11 =	simm.s32 $0x0  }
0x4: {  	s4 =	sand.u32 $0x1, s1;
	s2 =	sshll.u32 s0, $0x1;
	s1 =	rddreg [dreg:$0x1]  }
0x5: {  	s6 =	sshrl.u32 s0, $0x2;
	s5 =	sor.u32 s4, s2;
	s2 =	simm.s32 $0x0  }
0x6: {  	s6 =	smul.u32 $0x13C00, s6;
	s4 =	ssub.s32 $0x2, s4;
	s7 =	sshll.u32 s5, $0x7  }
0x7: {  	[smem:$0x7FF] =	sst s2;
	s5 =	smul.u32 $0x271, s5;
	s7 =	sand.u32 $0x380, s7  }
0x8: {  	s31 =	sshrl.u32 s4, $0x1;
	_ =	strace $0x80000047;
	s6 =	sor.u32 s6, s7  }
0x9: {  	s5 =	sadd.s32 s5, s3;
	s7 =	ssub.s32 s4, s31;
	s6 =	sshrl.u32 s6, $0x3  }
0xa: {  	s6 =	sadd.s32 s6, s3;
	s3 =	sadd.s32 $0x2200, s5;
	s5 =	smax.u32 s7, $0x1  }
0xb: {  	v0 =	vimm.f32 $0.0e+00;
	v1 =	vimm.f32 $1.000000000e+00;
	vm0 =	vcmask $0x3F20;
	s7 =	simm.s32 $0x1400;
	s4 =	sadd.s32 $0x7200, s6;
	s6 =	simm.s32 $0x1  }
.LBB2_1:
0xc: {  	[tilespmem:s2], [sflag:$0x1] =	stream.linear.gather [hbm4b:s3+s2], $0x1388, $0x38;
	[tilespmem:$0x3B80] =	vst v63  }
0xd: {  	s12 =	simm.s32 $0x40;
	s13 =	simm.s32 $0x0  }
.LBB2_2:
0xe: {  	p0 =	sne.s32 s12, $0x9C00;
	[tilespmem:s13+$0x1400] =	vst v0;
	s13 =	smov.u32 s12;
	s12 =	sadd.s32 $0x40, s12  }
.Ltmp0:
0xf: {  	(pc) =	sbr.rel @p0 .LBB2_2-.Ltmp0, $2  }
0x10: {  	_ =	sdelay $0x2  }
0x11: {  	s13 =	sshra.s32 s13, $0x2  }
0x12: {  	[tilespmem:s13+$0x1400] =	vst v0  }
0x13: {  	_ =	swait.ge [sflag:s6], $0x1388  }
0x14: {  	[sflag:s6] =	ssyncset.done $0x0  }
0x15: {  	s13 =	simm.s32 $0x0;
	s12 =	simm.s32 $0x40;
	[sflag:s6] =	ssyncadd.s32 $0xFFFFEC78  }
.LBB2_4:
0x16: {  	p0 =	sne.s32 s12, $0x4DC0;
	v2 =	vld [tilespmem:s13+$0x0];
	_ =	sdelay $0x4  }
0x17: {  	v2 =	vand.u32 $0x3FFF, v2  }
.Ltmp1:
0x18: {  	(pc) =	sbr.rel @p0 .LBB2_4-.Ltmp1, $2  }
0x19: {  	_ =	sdelay $0x2  }
0x1a: {  	s13 =	sshra.s32 s12, $0x2;
	s12 =	sadd.s32 $0x40, s12;
	[tilespmem:v2+s7+$0x0] =	vst.idx.add.f32.msk $0xffff, v1  }
0x1b: {  	v2 =	vld [tilespmem:s13+$0x0];
	_ =	sdelay $0x4  }
0x1c: {  	v2 =	vand.u32 $0x3FFF, v2;
	_ =	sdelay $0x4  }
0x1d: {  	[tilespmem:v2+s7+$0x0] =	vst.idx.add.f32.msk $0xffff, v1  }
0x1e: {  	v2 =	vld [tilespmem:$0x1378];
	_ =	sdelay $0x4  }
0x1f: {  	v2 =	vand.u32 $0x3FFF, v2;
	_ =	sdelay $0x2  }
0x20: {  	s11 =	sadd.s32 $0x1, s11  }
0x21: {  	p0 =	sne.s32 s11, s5  }
.Ltmp2:
0x22: {  	[tilespmem:v2+s7+$0x0] =	vst.idx.add.f32.msk vm0, v1;
	(pc) =	sbr.rel @p0 .LBB2_1-.Ltmp2, $4  }
0x23: {  	[hbm4b:s4+s8] =	stream.strided.scatter [tilespmem:s7], [sflag:$0x2], $0x2780, s9, s8, $0x38;
	[tilespmem:$0x3B80] =	vst v63  }
0x24: {  	_ =	swait.ge [sflag:s10], $0x2780  }
0x25: {  	[sflag:s10] =	ssyncset.done $0x0  }
0x26: {  	[sflag:s10] =	ssyncadd.s32 $0xFFFFD880  }
0x27: {  	_ =	sfence.sel $0x180000  }
0x28: {  	[bflag:$0x0] =	sbarrier.arrive $0xFFFF  }
0x29: {  	p0 =	sne.s32 s0, $0x0;
	_ =	strace $0x90000047  }
0x2a: {  	s0 =	sadd.s32 @!p0 $0x100000, s1;
	[bflag:$0x2] =	sbarrier.arrive $0xFFFF  }
0x2b: {  	[sflag:s0] =	ssyncadd.tile.s32 @!p0 $0x1;
	_ =	shalt  }
.Lfunc_end2:
_tile_overlayer_lowered:
.L_overlay_start_2:
0x2c: {  	(tag) =	ssettag $0x2  }
0x2d: {  	s0 =	rddreg [dreg:$0x0];
	s2 =	stileid.u32  }
0x2e: {  	s1 =	rddreg [dreg:$0x1];
	p0 =	sne.s32 s2, $0x0  }
0x2f: {  	s3 =	rddreg [dreg:$0x2];
	[bflag:$0x3] =	sbarrier.arrive $0xFFFF;
	s2 =	simm.s32 @!p0 $0x1C02  }
0x30: {  	[timem:s3], [sflag:s2] =	dma.local @!p0 [hbm:s0], s1  }
0x31: {  	s0 =	simm.s32 @!p0 $0x2  }
0x32: {  	_ =	swait.ge @!p0 [sflag:s0], s1  }
0x33: {  	s1 =	ssub.s32 @!p0 $0x0, s1;
	[sflag:s0] =	ssyncset.done @!p0 $0x0  }
0x34: {  	[sflag:s0] =	ssyncadd.s32 @!p0 s1  }
0x35: {  	[bflag:$0x3] =	sbarrier.arrive $0xFFFF  }
0x36: {  	_ =	shalt  }

</sc_bundles>
